<compile_context>
chip_gen: v7x
topology: tpu7x:2x2x1
jax: 0.10.2.dev20260603
libtpu: 0.0.44.dev20260713+nightly
codegen_flags: <defaults>
</compile_context>

<pallas_src>
import functools

import jax
import jax.numpy as jnp
from jax import lax
from jax.experimental import pallas as pl
from jax.experimental.pallas import tpu as pltpu
from jax.experimental.pallas import tpu_sc as plsc

N_PAD = 10240
F_OUT = 32
PERIODS = 12
NCOLS = 24
NQ = 4
CPT = 3

_MESH = dict(core_axis_name="c", subcore_axis_name="s", num_cores=2,
             num_subcores=16)


def _deg_kernel(e_total):
    per_tile = e_total // 32

    @functools.partial(
        pl.kernel,
        out_type=jax.ShapeDtypeStruct((32, N_PAD), jnp.float32),
        mesh=plsc.VectorSubcoreMesh(**_MESH),
        compiler_params=pltpu.CompilerParams(needs_layout_passes=False),
        scratch_types=[
            pltpu.VMEM((N_PAD,), jnp.float32),
            pltpu.VMEM((per_tile,), jnp.int32),
            pltpu.VMEM((per_tile,), jnp.float32),
        ],
    )
    def deg_kernel(pk_h, w_h, out_h, deg_v, pk_b, w_b):
        wid = lax.axis_index("c") * 16 + lax.axis_index("s")
        zeros = jnp.zeros((16,), jnp.float32)

        @plsc.parallel_loop(0, N_PAD // 16, unroll=8)
        def zero_body(i):
            deg_v[pl.ds(i * 16, 16)] = zeros

        base = wid * per_tile
        pltpu.sync_copy(pk_h.at[pl.ds(base, per_tile)], pk_b)
        pltpu.sync_copy(w_h.at[pl.ds(base, per_tile)], w_b)

        @plsc.parallel_loop(0, per_tile // 16, unroll=8)
        def batch_body(i):
            sl = pl.ds(i * 16, 16)
            d16 = lax.shift_right_logical(pk_b[sl], 16)
            plsc.addupdate_scatter(deg_v, [d16], w_b[sl])

        pltpu.sync_copy(deg_v, out_h.at[wid])

    return deg_kernel


def _pack_kernel(edge_index):
    e_total = edge_index.shape[1]

    def body(ei_ref, out_ref):
        ei = ei_ref[...]
        out_ref[...] = jnp.bitwise_or(
            jnp.left_shift(ei[1:2, :], 16), ei[0:1, :])[0]

    return pl.pallas_call(
        body,
        out_shape=jax.ShapeDtypeStruct((e_total,), jnp.int32),
    )(edge_index)


def _dinv_kernel(degp, xt):
    def body(degp_ref, xt_ref, dinv_ref, xs_ref, xp_ref):
        deg = 1.0 + jnp.sum(degp_ref[...], axis=0, keepdims=True)
        dinv = lax.rsqrt(deg)
        dinv_ref[...] = dinv
        xs = dinv * xt_ref[...]
        xs_ref[...] = xs
        xb = xs.astype(jnp.bfloat16)
        lo = lax.bitcast_convert_type(
            xb[:PERIODS], jnp.uint16).astype(jnp.int32)
        hi = lax.bitcast_convert_type(
            xb[PERIODS:], jnp.uint16).astype(jnp.int32)
        xp_ref[...] = jnp.bitwise_or(jnp.left_shift(hi, 16), lo)

    return pl.pallas_call(
        body,
        out_shape=[
            jax.ShapeDtypeStruct((1, N_PAD), jnp.float32),
            jax.ShapeDtypeStruct((NCOLS, N_PAD), jnp.float32),
            jax.ShapeDtypeStruct((PERIODS, N_PAD), jnp.int32),
        ],
    )(degp, xt)


def _msg_kernel(e_total):
    chunk = 4000
    e_8 = e_total // 8
    n_chunks = e_8 // chunk
    n_pairs = n_chunks // 2

    @functools.partial(
        pl.kernel,
        out_type=jax.ShapeDtypeStruct((8 * NCOLS, N_PAD), jnp.float32),
        mesh=plsc.VectorSubcoreMesh(**_MESH),
        compiler_params=pltpu.CompilerParams(needs_layout_passes=False),
        scratch_types=[
            pltpu.VMEM((N_PAD,), jnp.int32),
            pltpu.VMEM((N_PAD,), jnp.int32),
            pltpu.VMEM((N_PAD,), jnp.int32),
            pltpu.VMEM((N_PAD,), jnp.float32),
            pltpu.VMEM((N_PAD,), jnp.float32),
            pltpu.VMEM((N_PAD,), jnp.float32),
            pltpu.VMEM((N_PAD,), jnp.float32),
            pltpu.VMEM((N_PAD,), jnp.float32),
            pltpu.VMEM((N_PAD,), jnp.float32),
            pltpu.VMEM((chunk,), jnp.int32),
            pltpu.VMEM((chunk,), jnp.int32),
            pltpu.VMEM((chunk,), jnp.float32),
            pltpu.VMEM((chunk,), jnp.float32),
            pltpu.SemaphoreType.DMA,
            pltpu.SemaphoreType.DMA,
        ],
    )
    def msg_kernel(pk_h, w_h, xp_h, out_h,
                   x0, x1, x2, sa0, sa1, sa2, sb0, sb1, sb2,
                   pk_b0, pk_b1, w_b0, w_b1,
                   sem_a, sem_b):
        wid = lax.axis_index("c") * 16 + lax.axis_index("s")
        q = wid // 4
        pbase = (wid % 4) * CPT

        base = q * e_8
        bufs = ((pk_b0, w_b0), (pk_b1, w_b1))

        def start(j, buf, sem):
            off = base + j * chunk
            pb, wb = bufs[buf]
            pltpu.make_async_copy(
                pk_h.at[pl.ds(off, chunk)], pb, sem).start()
            pltpu.make_async_copy(
                w_h.at[pl.ds(off, chunk)], wb, sem).start()

        def wait(buf, sem):
            pb, wb = bufs[buf]
            pltpu.make_async_copy(
                pk_h.at[pl.ds(base, chunk)], pb, sem).wait()
            pltpu.make_async_copy(
                w_h.at[pl.ds(base, chunk)], wb, sem).wait()

        start(0, 0, sem_a)

        pltpu.sync_copy(xp_h.at[pbase], x0)
        pltpu.sync_copy(xp_h.at[pbase + 1], x1)
        pltpu.sync_copy(xp_h.at[pbase + 2], x2)

        zeros = jnp.zeros((16,), jnp.float32)

        @plsc.parallel_loop(0, N_PAD // 16, unroll=8)
        def zero_body(i):
            sl = pl.ds(i * 16, 16)
            sa0[sl] = zeros
            sa1[sl] = zeros
            sa2[sl] = zeros
            sb0[sl] = zeros
            sb1[sl] = zeros
            sb2[sl] = zeros

        cols = ((x0, sa0, sb0), (x1, sa1, sb1), (x2, sa2, sb2))

        def compute(buf):
            pv, wv = bufs[buf]

            @plsc.parallel_loop(0, chunk // 16, unroll=8)
            def batch_body(i):
                sl = pl.ds(i * 16, 16)
                p16 = pv[sl]
                s16 = jnp.bitwise_and(p16, 0xFFFF)
                d16 = lax.shift_right_logical(p16, 16)
                scale = wv[sl]
                for xv, sa, sb in cols:
                    g = plsc.load_gather(xv, [s16])
                    a, b = plsc.unpack(
                        plsc.bitcast(g, jnp.bfloat16),
                        format=plsc.PackFormat.INTERLEAVED)
                    plsc.addupdate_scatter(sa, [d16], a * scale)
                    plsc.addupdate_scatter(sb, [d16], b * scale)

        def pair_body(k, _):
            start(2 * k + 1, 1, sem_b)
            wait(0, sem_a)
            compute(0)

            @pl.when(k < n_pairs - 1)
            def _():
                start(2 * k + 2, 0, sem_a)

            wait(1, sem_b)
            compute(1)
            return 0

        lax.fori_loop(0, n_pairs, pair_body, 0)

        row = q * NCOLS + pbase
        pltpu.sync_copy(sa0, out_h.at[row])
        pltpu.sync_copy(sa1, out_h.at[row + 1])
        pltpu.sync_copy(sa2, out_h.at[row + 2])
        pltpu.sync_copy(sb0, out_h.at[row + PERIODS])
        pltpu.sync_copy(sb1, out_h.at[row + PERIODS + 1])
        pltpu.sync_copy(sb2, out_h.at[row + PERIODS + 2])

    return msg_kernel


def _dense_kernel(sp, xt, dinv2d, wzT, bz, whT, bh, probs, wlT, bl):
    bw = 2048
    grid = (N_PAD // bw,)

    def body(sp_ref, xt_ref, dv_ref, wz_ref, bz_ref, wh_ref, bh_ref,
             pr_ref, wl_ref, bl_ref, out_ref):
        spv = sp_ref[...]
        s24 = sum(spv[24 * g:24 * (g + 1)] for g in range(8))
        d = dv_ref[...]
        y = d * (s24 + xt_ref[...])
        wz = wz_ref[...]
        wh = wh_ref[...]
        bzv = bz_ref[...]
        bhv = bh_ref[...]
        acc = jnp.zeros((F_OUT, bw), jnp.float32)
        for p in range(PERIODS):
            y0 = y[p:p + 1]
            y1 = y[PERIODS + p:PERIODS + p + 1]
            tz = jnp.tanh(wz[:, 0:1] * y0 + wz[:, 1:2] * y1 + bzv)
            ht = jnp.tanh(wh[:, 0:1] * y0 + wh[:, 1:2] * y1 + bhv)
            acc = acc + pr_ref[0, p] * ((1.0 + tz) * ht)
        out_ref[...] = (
            jnp.dot(wl_ref[...], jnp.maximum(acc, 0.0),
                    preferred_element_type=jnp.float32) + bl_ref[...])

    return pl.pallas_call(
        body,
        grid=grid,
        in_specs=[
            pl.BlockSpec((8 * NCOLS, bw), lambda i: (0, i)),
            pl.BlockSpec((NCOLS, bw), lambda i: (0, i)),
            pl.BlockSpec((1, bw), lambda i: (0, i)),
            pl.BlockSpec((F_OUT, 2), lambda i: (0, 0)),
            pl.BlockSpec((F_OUT, 1), lambda i: (0, 0)),
            pl.BlockSpec((F_OUT, 2), lambda i: (0, 0)),
            pl.BlockSpec((F_OUT, 1), lambda i: (0, 0)),
            pl.BlockSpec(memory_space=pltpu.SMEM),
            pl.BlockSpec((PERIODS, F_OUT), lambda i: (0, 0)),
            pl.BlockSpec((PERIODS, 1), lambda i: (0, 0)),
        ],
        out_specs=pl.BlockSpec((PERIODS, bw), lambda i: (0, i)),
        out_shape=jax.ShapeDtypeStruct((PERIODS, N_PAD), jnp.float32),
    )(sp, xt, dinv2d, wzT, bz, whT, bh, probs, wlT, bl)


def kernel(x, edge_index, edge_weight, W_z, b_z, Wl_z, bl_z, W_r, b_r,
           Wl_r, bl_r, W_h, b_h, Wl_h, bl_h, attention, W_lin, b_lin):
    n = x.shape[0]
    e_total = edge_weight.shape[0]

    xt = jnp.pad(x.transpose(1, 2, 0).reshape(NCOLS, n),
                 ((0, 0), (0, N_PAD - n)))

    packed = _pack_kernel(edge_index)
    degp = _deg_kernel(e_total)(packed, edge_weight)
    dinv2d, xs, xp = _dinv_kernel(degp, xt)
    sp = _msg_kernel(e_total)(packed, edge_weight, xp)

    wz_eff = W_z @ Wl_z[:F_OUT]
    bz_eff = b_z @ Wl_z[:F_OUT] + bl_z
    wh_eff = W_h @ Wl_h[:F_OUT]
    bh_eff = b_h @ Wl_h[:F_OUT] + bl_h
    probs = jax.nn.softmax(attention)

    outT = _dense_kernel(
        sp, xs, dinv2d,
        -0.5 * wz_eff.T, -0.5 * bz_eff[:, None], wh_eff.T, bh_eff[:, None],
        0.5 * probs[None, :], W_lin.T, b_lin[:, None])
    return outT.T[:n]

# --- scband reference (transcript-rebuilt; emitter-appended) ---
"""Pipeline reference for scband-temporal-gnn-53953379173119 (READ-ONLY COPY).

The authoritative reference and input builder live on the scoring server;
editing this copy changes nothing except your own understanding.
"""

import jax, jax.numpy as jnp
import numpy as np

N = 10000
E = 320000
F_IN = 2
F_OUT = 32
PERIODS = 12


def _glorot(k, shape):
    lim = float(np.sqrt(6.0 / (shape[0] + shape[1])))
    return jax.random.uniform(k, shape, jnp.float32, -lim, lim)


def setup_inputs(seed: int = 0) -> dict:
    key = jax.random.key(seed)
    ks = jax.random.split(key, 16)
    inp = {}
    inp["x"] = jax.random.normal(ks[0], (N, F_IN, PERIODS), dtype=jnp.float32)
    inp["edge_index"] = jax.random.randint(ks[1], (2, E), 0, N)
    inp["edge_weight"] = jax.random.uniform(ks[2], (E,), dtype=jnp.float32)
    # TGCN cell parameters (GCNConv weight/bias + Linear for each of z, r, h gates)
    inp["W_z"] = _glorot(ks[3], (F_IN, F_OUT)); inp["b_z"] = jnp.zeros((F_OUT,), jnp.float32)
    inp["Wl_z"] = _glorot(ks[4], (2 * F_OUT, F_OUT)); inp["bl_z"] = jnp.zeros((F_OUT,), jnp.float32)
    inp["W_r"] = _glorot(ks[5], (F_IN, F_OUT)); inp["b_r"] = jnp.zeros((F_OUT,), jnp.float32)
    inp["Wl_r"] = _glorot(ks[6], (2 * F_OUT, F_OUT)); inp["bl_r"] = jnp.zeros((F_OUT,), jnp.float32)
    inp["W_h"] = _glorot(ks[7], (F_IN, F_OUT)); inp["b_h"] = jnp.zeros((F_OUT,), jnp.float32)
    inp["Wl_h"] = _glorot(ks[8], (2 * F_OUT, F_OUT)); inp["bl_h"] = jnp.zeros((F_OUT,), jnp.float32)
    # A3TGCN attention over periods
    inp["attention"] = jax.random.uniform(ks[9], (PERIODS,), dtype=jnp.float32)
    # Final Linear(out_channels -> periods)
    inp["W_lin"] = _glorot(ks[10], (F_OUT, PERIODS)); inp["b_lin"] = jnp.zeros((PERIODS,), jnp.float32)
    return inp


def reference(x, edge_index, edge_weight, W_z, b_z, Wl_z, bl_z, W_r, b_r, Wl_r, bl_r, W_h, b_h, Wl_h, bl_h, attention, W_lin, b_lin):
    n = x.shape[0]
    src = edge_index[0]
    dst = edge_index[1]
    # GCN normalization with added self loops (PyG GCNConv, improved=False)
    loop = jnp.arange(n, dtype=src.dtype)
    src_f = jnp.concatenate([src, loop])
    dst_f = jnp.concatenate([dst, loop])
    w_f = jnp.concatenate([edge_weight, jnp.ones((n,), x.dtype)])
    deg = jnp.zeros((n,), x.dtype).at[dst_f].add(w_f)
    dinv = jnp.where(deg > 0.0, jax.lax.rsqrt(deg), 0.0)
    norm = dinv[src_f] * w_f * dinv[dst_f]

    def gcn_conv(xt, W, b):
        xw = xt @ W
        msg = jnp.take(xw, src_f, axis=0) * norm[:, None]
        out = jnp.zeros((n, W.shape[1]), xt.dtype).at[dst_f].add(msg)
        return out + b

    H0 = jnp.zeros((n, W_z.shape[1]), x.dtype)  # TGCN hidden state (H=None -> zeros; A3TGCN does NOT thread H)
    probs = jax.nn.softmax(attention, axis=0)
    H_accum = jnp.zeros_like(H0)
    for p in range(x.shape[2]):
        xt = x[:, :, p]
        Z = jax.nn.sigmoid(jnp.concatenate([gcn_conv(xt, W_z, b_z), H0], axis=1) @ Wl_z + bl_z)
        R = jax.nn.sigmoid(jnp.concatenate([gcn_conv(xt, W_r, b_r), H0], axis=1) @ Wl_r + bl_r)
        H_tilde = jnp.tanh(jnp.concatenate([gcn_conv(xt, W_h, b_h), H0 * R], axis=1) @ Wl_h + bl_h)
        H = Z * H0 + (1.0 - Z) * H_tilde
        H_accum = H_accum + probs[p] * H
    h = jax.nn.relu(H_accum)
    return h @ W_lin + b_lin

if __name__ == "__main__":
    import jax
    _d = setup_inputs()
    print(jax.jit(kernel)(*tuple(_d.values())))

</pallas_src>

<mosaic_0001>
#map = affine_map<(d0, d1) -> (0)>
#map1 = affine_map<(d0, d1) -> (0, 0)>
module attributes {stable_mosaic.version = 14 : i64} {
  func.func @deg_kernel(%arg0: i32, %arg1: i32, %arg2: memref<320000xi32, #tpu.memory_space<hbm>>, %arg3: memref<320000xf32, #tpu.memory_space<hbm>>, %arg4: memref<32x10240xf32, #tpu.memory_space<hbm>>, %arg5: memref<10240xf32, #tpu.memory_space<vmem>>, %arg6: memref<10000xi32, #tpu.memory_space<vmem>>, %arg7: memref<10000xf32, #tpu.memory_space<vmem>>) attributes {dimension_semantics = [#tpu.dimension_semantics<core_parallel>, #tpu.dimension_semantics<subcore_parallel>], iteration_bounds = array<i64: 2, 16>, scalar_prefetch = 0 : i64, scratch_operands = 3 : i64, tpu.core_type = #tpu.core_type<sc_vector_subcore>, window_params = [{transform_indices = #map}, {transform_indices = #map}, {transform_indices = #map1}]} {
    %mul3A = arith.constant 16 : i32
    %mul3A_0 = arith.muli %arg0, %mul3A : i32
    %add3A = arith.addi %mul3A_0, %arg1 : i32
    %broadcast_in_dim3A = arith.constant 0.000000e+00 : f32
    %broadcast_in_dim3A_1 = vector.broadcast %broadcast_in_dim3A : f32 to vector<16xf32>
    %parallel_loop3A = arith.constant 0 : i32
    %parallel_loop3A_2 = arith.constant 640 : i32
    %parallel_loop3A_3 = arith.constant 1 : i32
    scf.for %parallel_loop3A_9 = %parallel_loop3A to %parallel_loop3A_2 step %parallel_loop3A_3  : i32 {
      %parallel_loop3A_10 = arith.constant 16 : i32
      %parallel_loop3A_11 = arith.muli %parallel_loop3A_9, %parallel_loop3A_10 : i32
      %parallel_loop3A_12 = arith.index_cast %parallel_loop3A_11 : i32 to index
      %parallel_loop3A_13 = tpu.vector_load %arg5[%parallel_loop3A_12] {strides = array<i32>} : memref<10240xf32, #tpu.memory_space<vmem>>, vector<16xf32>,
      tpu.vector_store %arg5[%parallel_loop3A_12], %broadcast_in_dim3A_1 {strides = array<i32>} : memref<10240xf32, #tpu.memory_space<vmem>>, vector<16xf32>,
    } {sc.loop_unroll_factor = 8 : i64, sc.parallel_access}
    %mul3A_4 = arith.constant 10000 : i32
    %mul3A_5 = arith.muli %add3A, %mul3A_4 : i32
    "tpu.region"() ({
      %run_scoped3A = tpu.sem_alloc : memref<!tpu.dma_semaphore, #tpu.memory_space<semaphore_mem>>
      %dma_start3A = tpu.memref_slice %arg2[%mul3A_5] : memref<320000xi32, #tpu.memory_space<hbm>> -> memref<10000xi32, #tpu.memory_space<hbm>>
      %dma_start3A_9 = tpu.memref_slice %arg2[%mul3A_5] : memref<320000xi32, #tpu.memory_space<hbm>> -> memref<10000xi32, #tpu.memory_space<hbm>>
      tpu.enqueue_dma source(%dma_start3A_9 : memref<10000xi32, #tpu.memory_space<hbm>>) target(%arg6 : memref<10000xi32, #tpu.memory_space<vmem>>) target_semaphore(%run_scoped3A : memref<!tpu.dma_semaphore, #tpu.memory_space<semaphore_mem>>)
      %dma_wait3A = tpu.memref_slice %arg2[%mul3A_5] : memref<320000xi32, #tpu.memory_space<hbm>> -> memref<10000xi32, #tpu.memory_space<hbm>>
      %dma_wait3A_10 = tpu.memref_slice %arg2[%mul3A_5] : memref<320000xi32, #tpu.memory_space<hbm>> -> memref<10000xi32, #tpu.memory_space<hbm>>
      tpu.wait_dma2 semaphore(%run_scoped3A : memref<!tpu.dma_semaphore, #tpu.memory_space<semaphore_mem>>) src(%dma_wait3A_10 : memref<10000xi32, #tpu.memory_space<hbm>>) dst(%arg6 : memref<10000xi32, #tpu.memory_space<vmem>>)
      tpu.yield
    }) : () -> ()
    "tpu.region"() ({
      %run_scoped3A = tpu.sem_alloc : memref<!tpu.dma_semaphore, #tpu.memory_space<semaphore_mem>>
      %dma_start3A = tpu.memref_slice %arg3[%mul3A_5] : memref<320000xf32, #tpu.memory_space<hbm>> -> memref<10000xf32, #tpu.memory_space<hbm>>
      %dma_start3A_9 = tpu.memref_slice %arg3[%mul3A_5] : memref<320000xf32, #tpu.memory_space<hbm>> -> memref<10000xf32, #tpu.memory_space<hbm>>
      tpu.enqueue_dma source(%dma_start3A_9 : memref<10000xf32, #tpu.memory_space<hbm>>) target(%arg7 : memref<10000xf32, #tpu.memory_space<vmem>>) target_semaphore(%run_scoped3A : memref<!tpu.dma_semaphore, #tpu.memory_space<semaphore_mem>>)
      %dma_wait3A = tpu.memref_slice %arg3[%mul3A_5] : memref<320000xf32, #tpu.memory_space<hbm>> -> memref<10000xf32, #tpu.memory_space<hbm>>
      %dma_wait3A_10 = tpu.memref_slice %arg3[%mul3A_5] : memref<320000xf32, #tpu.memory_space<hbm>> -> memref<10000xf32, #tpu.memory_space<hbm>>
      tpu.wait_dma2 semaphore(%run_scoped3A : memref<!tpu.dma_semaphore, #tpu.memory_space<semaphore_mem>>) src(%dma_wait3A_10 : memref<10000xf32, #tpu.memory_space<hbm>>) dst(%arg7 : memref<10000xf32, #tpu.memory_space<vmem>>)
      tpu.yield
    }) : () -> ()
    %parallel_loop3A_6 = arith.constant 0 : i32
    %parallel_loop3A_7 = arith.constant 625 : i32
    %parallel_loop3A_8 = arith.constant 1 : i32
    scf.for %parallel_loop3A_9 = %parallel_loop3A_6 to %parallel_loop3A_7 step %parallel_loop3A_8  : i32 {
      %parallel_loop3A_10 = arith.constant 16 : i32
      %parallel_loop3A_11 = arith.muli %parallel_loop3A_9, %parallel_loop3A_10 : i32
      %parallel_loop3A_12 = arith.index_cast %parallel_loop3A_11 : i32 to index
      %parallel_loop3A_13 = tpu.vector_load %arg6[%parallel_loop3A_12] {strides = array<i32>} : memref<10000xi32, #tpu.memory_space<vmem>>, vector<16xi32>,
      %parallel_loop3A_14 = arith.constant 16 : i32
      %parallel_loop3A_15 = vector.broadcast %parallel_loop3A_14 : i32 to vector<16xi32>
      %parallel_loop3A_16 = arith.shrui %parallel_loop3A_13, %parallel_loop3A_15 : vector<16xi32>
      %parallel_loop3A_17 = arith.index_cast %parallel_loop3A_11 : i32 to index
      %parallel_loop3A_18 = tpu.vector_load %arg7[%parallel_loop3A_17] {strides = array<i32>} : memref<10000xf32, #tpu.memory_space<vmem>>, vector<16xf32>,
      tpu.vector_store_idx %arg5[%parallel_loop3A_16], %parallel_loop3A_18 {add = true} : memref<10240xf32, #tpu.memory_space<vmem>>[vector<16xi32>], vector<16xf32>,
    } {sc.loop_unroll_factor = 8 : i64, sc.parallel_access}
    "tpu.region"() ({
      %run_scoped3A = tpu.sem_alloc : memref<!tpu.dma_semaphore, #tpu.memory_space<semaphore_mem>>
      %dma_start3A = arith.constant 0 : i32
      %dma_start3A_9 = tpu.memref_slice %arg4[%add3A, %dma_start3A] : memref<32x10240xf32, #tpu.memory_space<hbm>> -> memref<1x10240xf32, #tpu.memory_space<hbm>>
      %dma_start3A_10 = tpu.memref_squeeze %dma_start3A_9 : memref<1x10240xf32, #tpu.memory_space<hbm>> -> memref<10240xf32, #tpu.memory_space<hbm>>
      %dma_start3A_11 = arith.constant 0 : i32
      %dma_start3A_12 = tpu.memref_slice %arg4[%add3A, %dma_start3A_11] : memref<32x10240xf32, #tpu.memory_space<hbm>> -> memref<1x10240xf32, #tpu.memory_space<hbm>>
      %dma_start3A_13 = tpu.memref_squeeze %dma_start3A_12 : memref<1x10240xf32, #tpu.memory_space<hbm>> -> memref<10240xf32, #tpu.memory_space<hbm>>
      tpu.enqueue_dma source(%arg5 : memref<10240xf32, #tpu.memory_space<vmem>>) target(%dma_start3A_13 : memref<10240xf32, #tpu.memory_space<hbm>>) target_semaphore(%run_scoped3A : memref<!tpu.dma_semaphore, #tpu.memory_space<semaphore_mem>>)
      %dma_wait3A = arith.constant 0 : i32
      %dma_wait3A_14 = tpu.memref_slice %arg4[%add3A, %dma_wait3A] : memref<32x10240xf32, #tpu.memory_space<hbm>> -> memref<1x10240xf32, #tpu.memory_space<hbm>>
      %dma_wait3A_15 = tpu.memref_squeeze %dma_wait3A_14 : memref<1x10240xf32, #tpu.memory_space<hbm>> -> memref<10240xf32, #tpu.memory_space<hbm>>
      %dma_wait3A_16 = arith.constant 0 : i32
      %dma_wait3A_17 = tpu.memref_slice %arg4[%add3A, %dma_wait3A_16] : memref<32x10240xf32, #tpu.memory_space<hbm>> -> memref<1x10240xf32, #tpu.memory_space<hbm>>
      %dma_wait3A_18 = tpu.memref_squeeze %dma_wait3A_17 : memref<1x10240xf32, #tpu.memory_space<hbm>> -> memref<10240xf32, #tpu.memory_space<hbm>>
      tpu.wait_dma2 semaphore(%run_scoped3A : memref<!tpu.dma_semaphore, #tpu.memory_space<semaphore_mem>>) src(%arg5 : memref<10240xf32, #tpu.memory_space<vmem>>) dst(%dma_wait3A_18 : memref<10240xf32, #tpu.memory_space<hbm>>)
      tpu.yield
    }) : () -> ()
    return
  }
}

#map = affine_map<(d0, d1) -> (0)>
#map1 = affine_map<(d0, d1) -> (0, 0)>
module attributes {stable_mosaic.version = 14 : i64} {
  func.func @msg_kernel(%arg0: i32, %arg1: i32, %arg2: memref<320000xi32, #tpu.memory_space<hbm>>, %arg3: memref<320000xf32, #tpu.memory_space<hbm>>, %arg4: memref<12x10240xi32, #tpu.memory_space<hbm>>, %arg5: memref<192x10240xf32, #tpu.memory_space<hbm>>, %arg6: memref<10240xi32, #tpu.memory_space<vmem>>, %arg7: memref<10240xi32, #tpu.memory_space<vmem>>, %arg8: memref<10240xi32, #tpu.memory_space<vmem>>, %arg9: memref<10240xf32, #tpu.memory_space<vmem>>, %arg10: memref<10240xf32, #tpu.memory_space<vmem>>, %arg11: memref<10240xf32, #tpu.memory_space<vmem>>, %arg12: memref<10240xf32, #tpu.memory_space<vmem>>, %arg13: memref<10240xf32, #tpu.memory_space<vmem>>, %arg14: memref<10240xf32, #tpu.memory_space<vmem>>, %arg15: memref<4000xi32, #tpu.memory_space<vmem>>, %arg16: memref<4000xi32, #tpu.memory_space<vmem>>, %arg17: memref<4000xf32, #tpu.memory_space<vmem>>, %arg18: memref<4000xf32, #tpu.memory_space<vmem>>, %arg19: memref<!tpu.dma_semaphore, #tpu.memory_space<semaphore_mem>>, %arg20: memref<!tpu.dma_semaphore, #tpu.memory_space<semaphore_mem>>) attributes {dimension_semantics = [#tpu.dimension_semantics<core_parallel>, #tpu.dimension_semantics<subcore_parallel>], iteration_bounds = array<i64: 2, 16>, scalar_prefetch = 0 : i64, scratch_operands = 15 : i64, tpu.core_type = #tpu.core_type<sc_vector_subcore>, window_params = [{transform_indices = #map}, {transform_indices = #map}, {transform_indices = #map1}, {transform_indices = #map1}]} {
    %mul3A = arith.constant 16 : i32
    %mul3A_0 = arith.muli %arg0, %mul3A : i32
    %add3A = arith.addi %mul3A_0, %arg1 : i32
    %jit3A = arith.constant 4 : i32
    %div3A = arith.divsi %add3A, %jit3A : i32
    %sign3A = arith.constant 0 : i32
    %sign3A_1 = arith.cmpi sgt, %add3A, %sign3A : i32
    %sign3A_2 = arith.extui %sign3A_1 : i1 to i32
    %sign3A_3 = arith.constant 0 : i32
    %sign3A_4 = arith.cmpi slt, %add3A, %sign3A_3 : i32
    %sign3A_5 = arith.extui %sign3A_4 : i1 to i32
    %sign3A_6 = arith.subi %sign3A_2, %sign3A_5 : i32
    %sign3A_7 = arith.constant 0 : i32
    %sign3A_8 = arith.cmpi sgt, %jit3A, %sign3A_7 : i32
    %sign3A_9 = arith.extui %sign3A_8 : i1 to i32
    %sign3A_10 = arith.constant 0 : i32
    %sign3A_11 = arith.cmpi slt, %jit3A, %sign3A_10 : i32
    %sign3A_12 = arith.extui %sign3A_11 : i1 to i32
    %sign3A_13 = arith.subi %sign3A_9, %sign3A_12 : i32
    %ne3A = arith.cmpi ne, %sign3A_6, %sign3A_13 : i32
    %rem3A = arith.remsi %add3A, %jit3A : i32
    %ne3A_14 = arith.constant 0 : i32
    %ne3A_15 = arith.cmpi ne, %rem3A, %ne3A_14 : i32
    %and3A = arith.andi %ne3A, %ne3A_15 : i1
    %sub3A = arith.constant 1 : i32
    %sub3A_16 = arith.subi %div3A, %sub3A : i32
    %select_n3A = arith.select %and3A, %sub3A_16, %div3A : i32
    %jit3A_17 = arith.constant 4 : i32
    %eq3A = arith.constant 0 : i32
    %eq3A_18 = arith.cmpi eq, %jit3A_17, %eq3A : i32
    %jit3A_19 = arith.constant 1 : i32
    %select_n3A_20 = arith.select %eq3A_18, %jit3A_19, %jit3A_17 : i32
    %rem3A_21 = arith.remsi %add3A, %select_n3A_20 : i32
    %ne3A_22 = arith.constant 0 : i32
    %ne3A_23 = arith.cmpi ne, %rem3A_21, %ne3A_22 : i32
    %lt3A = arith.constant 0 : i32
    %lt3A_24 = arith.cmpi slt, %rem3A_21, %lt3A : i32
    %lt3A_25 = arith.constant 0 : i32
    %lt3A_26 = arith.cmpi slt, %select_n3A_20, %lt3A_25 : i32
    %ne3A_27 = arith.xori %lt3A_24, %lt3A_26 : i1
    %and3A_28 = arith.andi %ne3A_27, %ne3A_23 : i1
    %add3A_29 = arith.addi %rem3A_21, %select_n3A_20 : i32
    %select_n3A_30 = arith.select %and3A_28, %add3A_29, %rem3A_21 : i32
    %mul3A_31 = arith.constant 3 : i32
    %mul3A_32 = arith.muli %select_n3A_30, %mul3A_31 : i32
    %mul3A_33 = arith.constant 40000 : i32
    %mul3A_34 = arith.muli %select_n3A, %mul3A_33 : i32
    %add3A_35 = arith.constant 0 : i32
    %add3A_36 = arith.addi %mul3A_34, %add3A_35 : i32
    %dma_start3A = tpu.memref_slice %arg2[%add3A_36] : memref<320000xi32, #tpu.memory_space<hbm>> -> memref<4000xi32, #tpu.memory_space<hbm>>
    %dma_start3A_37 = tpu.memref_slice %arg2[%add3A_36] : memref<320000xi32, #tpu.memory_space<hbm>> -> memref<4000xi32, #tpu.memory_space<hbm>>
    tpu.enqueue_dma source(%dma_start3A_37 : memref<4000xi32, #tpu.memory_space<hbm>>) target(%arg15 : memref<4000xi32, #tpu.memory_space<vmem>>) target_semaphore(%arg19 : memref<!tpu.dma_semaphore, #tpu.memory_space<semaphore_mem>>)
    %dma_start3A_38 = tpu.memref_slice %arg3[%add3A_36] : memref<320000xf32, #tpu.memory_space<hbm>> -> memref<4000xf32, #tpu.memory_space<hbm>>
    %dma_start3A_39 = tpu.memref_slice %arg3[%add3A_36] : memref<320000xf32, #tpu.memory_space<hbm>> -> memref<4000xf32, #tpu.memory_space<hbm>>
    tpu.enqueue_dma source(%dma_start3A_39 : memref<4000xf32, #tpu.memory_space<hbm>>) target(%arg17 : memref<4000xf32, #tpu.memory_space<vmem>>) target_semaphore(%arg19 : memref<!tpu.dma_semaphore, #tpu.memory_space<semaphore_mem>>)
    "tpu.region"() ({
      %run_scoped3A = tpu.sem_alloc : memref<!tpu.dma_semaphore, #tpu.memory_space<semaphore_mem>>
      %dma_start3A_70 = arith.constant 0 : i32
      %dma_start3A_71 = tpu.memref_slice %arg4[%mul3A_32, %dma_start3A_70] : memref<12x10240xi32, #tpu.memory_space<hbm>> -> memref<1x10240xi32, #tpu.memory_space<hbm>>
      %dma_start3A_72 = tpu.memref_squeeze %dma_start3A_71 : memref<1x10240xi32, #tpu.memory_space<hbm>> -> memref<10240xi32, #tpu.memory_space<hbm>>
      %dma_start3A_73 = arith.constant 0 : i32
      %dma_start3A_74 = tpu.memref_slice %arg4[%mul3A_32, %dma_start3A_73] : memref<12x10240xi32, #tpu.memory_space<hbm>> -> memref<1x10240xi32, #tpu.memory_space<hbm>>
      %dma_start3A_75 = tpu.memref_squeeze %dma_start3A_74 : memref<1x10240xi32, #tpu.memory_space<hbm>> -> memref<10240xi32, #tpu.memory_space<hbm>>
      tpu.enqueue_dma source(%dma_start3A_75 : memref<10240xi32, #tpu.memory_space<hbm>>) target(%arg6 : memref<10240xi32, #tpu.memory_space<vmem>>) target_semaphore(%run_scoped3A : memref<!tpu.dma_semaphore, #tpu.memory_space<semaphore_mem>>)
      %dma_wait3A = arith.constant 0 : i32
      %dma_wait3A_76 = tpu.memref_slice %arg4[%mul3A_32, %dma_wait3A] : memref<12x10240xi32, #tpu.memory_space<hbm>> -> memref<1x10240xi32, #tpu.memory_space<hbm>>
      %dma_wait3A_77 = tpu.memref_squeeze %dma_wait3A_76 : memref<1x10240xi32, #tpu.memory_space<hbm>> -> memref<10240xi32, #tpu.memory_space<hbm>>
      %dma_wait3A_78 = arith.constant 0 : i32
      %dma_wait3A_79 = tpu.memref_slice %arg4[%mul3A_32, %dma_wait3A_78] : memref<12x10240xi32, #tpu.memory_space<hbm>> -> memref<1x10240xi32, #tpu.memory_space<hbm>>
      %dma_wait3A_80 = tpu.memref_squeeze %dma_wait3A_79 : memref<1x10240xi32, #tpu.memory_space<hbm>> -> memref<10240xi32, #tpu.memory_space<hbm>>
      tpu.wait_dma2 semaphore(%run_scoped3A : memref<!tpu.dma_semaphore, #tpu.memory_space<semaphore_mem>>) src(%dma_wait3A_80 : memref<10240xi32, #tpu.memory_space<hbm>>) dst(%arg6 : memref<10240xi32, #tpu.memory_space<vmem>>)
      tpu.yield
    }) : () -> ()
    %add3A_40 = arith.constant 1 : i32
    %add3A_41 = arith.addi %mul3A_32, %add3A_40 : i32
    "tpu.region"() ({
      %run_scoped3A = tpu.sem_alloc : memref<!tpu.dma_semaphore, #tpu.memory_space<semaphore_mem>>
      %dma_start3A_70 = arith.constant 0 : i32
      %dma_start3A_71 = tpu.memref_slice %arg4[%add3A_41, %dma_start3A_70] : memref<12x10240xi32, #tpu.memory_space<hbm>> -> memref<1x10240xi32, #tpu.memory_space<hbm>>
      %dma_start3A_72 = tpu.memref_squeeze %dma_start3A_71 : memref<1x10240xi32, #tpu.memory_space<hbm>> -> memref<10240xi32, #tpu.memory_space<hbm>>
      %dma_start3A_73 = arith.constant 0 : i32
      %dma_start3A_74 = tpu.memref_slice %arg4[%add3A_41, %dma_start3A_73] : memref<12x10240xi32, #tpu.memory_space<hbm>> -> memref<1x10240xi32, #tpu.memory_space<hbm>>
      %dma_start3A_75 = tpu.memref_squeeze %dma_start3A_74 : memref<1x10240xi32, #tpu.memory_space<hbm>> -> memref<10240xi32, #tpu.memory_space<hbm>>
      tpu.enqueue_dma source(%dma_start3A_75 : memref<10240xi32, #tpu.memory_space<hbm>>) target(%arg7 : memref<10240xi32, #tpu.memory_space<vmem>>) target_semaphore(%run_scoped3A : memref<!tpu.dma_semaphore, #tpu.memory_space<semaphore_mem>>)
      %dma_wait3A = arith.constant 0 : i32
      %dma_wait3A_76 = tpu.memref_slice %arg4[%add3A_41, %dma_wait3A] : memref<12x10240xi32, #tpu.memory_space<hbm>> -> memref<1x10240xi32, #tpu.memory_space<hbm>>
      %dma_wait3A_77 = tpu.memref_squeeze %dma_wait3A_76 : memref<1x10240xi32, #tpu.memory_space<hbm>> -> memref<10240xi32, #tpu.memory_space<hbm>>
      %dma_wait3A_78 = arith.constant 0 : i32
      %dma_wait3A_79 = tpu.memref_slice %arg4[%add3A_41, %dma_wait3A_78] : memref<12x10240xi32, #tpu.memory_space<hbm>> -> memref<1x10240xi32, #tpu.memory_space<hbm>>
      %dma_wait3A_80 = tpu.memref_squeeze %dma_wait3A_79 : memref<1x10240xi32, #tpu.memory_space<hbm>> -> memref<10240xi32, #tpu.memory_space<hbm>>
      tpu.wait_dma2 semaphore(%run_scoped3A : memref<!tpu.dma_semaphore, #tpu.memory_space<semaphore_mem>>) src(%dma_wait3A_80 : memref<10240xi32, #tpu.memory_space<hbm>>) dst(%arg7 : memref<10240xi32, #tpu.memory_space<vmem>>)
      tpu.yield
    }) : () -> ()
    %add3A_42 = arith.constant 2 : i32
    %add3A_43 = arith.addi %mul3A_32, %add3A_42 : i32
    "tpu.region"() ({
      %run_scoped3A = tpu.sem_alloc : memref<!tpu.dma_semaphore, #tpu.memory_space<semaphore_mem>>
      %dma_start3A_70 = arith.constant 0 : i32
      %dma_start3A_71 = tpu.memref_slice %arg4[%add3A_43, %dma_start3A_70] : memref<12x10240xi32, #tpu.memory_space<hbm>> -> memref<1x10240xi32, #tpu.memory_space<hbm>>
      %dma_start3A_72 = tpu.memref_squeeze %dma_start3A_71 : memref<1x10240xi32, #tpu.memory_space<hbm>> -> memref<10240xi32, #tpu.memory_space<hbm>>
      %dma_start3A_73 = arith.constant 0 : i32
      %dma_start3A_74 = tpu.memref_slice %arg4[%add3A_43, %dma_start3A_73] : memref<12x10240xi32, #tpu.memory_space<hbm>> -> memref<1x10240xi32, #tpu.memory_space<hbm>>
      %dma_start3A_75 = tpu.memref_squeeze %dma_start3A_74 : memref<1x10240xi32, #tpu.memory_space<hbm>> -> memref<10240xi32, #tpu.memory_space<hbm>>
      tpu.enqueue_dma source(%dma_start3A_75 : memref<10240xi32, #tpu.memory_space<hbm>>) target(%arg8 : memref<10240xi32, #tpu.memory_space<vmem>>) target_semaphore(%run_scoped3A : memref<!tpu.dma_semaphore, #tpu.memory_space<semaphore_mem>>)
      %dma_wait3A = arith.constant 0 : i32
      %dma_wait3A_76 = tpu.memref_slice %arg4[%add3A_43, %dma_wait3A] : memref<12x10240xi32, #tpu.memory_space<hbm>> -> memref<1x10240xi32, #tpu.memory_space<hbm>>
      %dma_wait3A_77 = tpu.memref_squeeze %dma_wait3A_76 : memref<1x10240xi32, #tpu.memory_space<hbm>> -> memref<10240xi32, #tpu.memory_space<hbm>>
      %dma_wait3A_78 = arith.constant 0 : i32
      %dma_wait3A_79 = tpu.memref_slice %arg4[%add3A_43, %dma_wait3A_78] : memref<12x10240xi32, #tpu.memory_space<hbm>> -> memref<1x10240xi32, #tpu.memory_space<hbm>>
      %dma_wait3A_80 = tpu.memref_squeeze %dma_wait3A_79 : memref<1x10240xi32, #tpu.memory_space<hbm>> -> memref<10240xi32, #tpu.memory_space<hbm>>
      tpu.wait_dma2 semaphore(%run_scoped3A : memref<!tpu.dma_semaphore, #tpu.memory_space<semaphore_mem>>) src(%dma_wait3A_80 : memref<10240xi32, #tpu.memory_space<hbm>>) dst(%arg8 : memref<10240xi32, #tpu.memory_space<vmem>>)
      tpu.yield
    }) : () -> ()
    %broadcast_in_dim3A = arith.constant 0.000000e+00 : f32
    %broadcast_in_dim3A_44 = vector.broadcast %broadcast_in_dim3A : f32 to vector<16xf32>
    %parallel_loop3A = arith.constant 0 : i32
    %parallel_loop3A_45 = arith.constant 640 : i32
    %parallel_loop3A_46 = arith.constant 1 : i32
    scf.for %parallel_loop3A_70 = %parallel_loop3A to %parallel_loop3A_45 step %parallel_loop3A_46  : i32 {
      %parallel_loop3A_71 = arith.constant 16 : i32
      %parallel_loop3A_72 = arith.muli %parallel_loop3A_70, %parallel_loop3A_71 : i32
      %parallel_loop3A_73 = arith.index_cast %parallel_loop3A_72 : i32 to index
      %parallel_loop3A_74 = tpu.vector_load %arg9[%parallel_loop3A_73] {strides = array<i32>} : memref<10240xf32, #tpu.memory_space<vmem>>, vector<16xf32>,
      tpu.vector_store %arg9[%parallel_loop3A_73], %broadcast_in_dim3A_44 {strides = array<i32>} : memref<10240xf32, #tpu.memory_space<vmem>>, vector<16xf32>,
      %parallel_loop3A_75 = arith.index_cast %parallel_loop3A_72 : i32 to index
      %parallel_loop3A_76 = tpu.vector_load %arg10[%parallel_loop3A_75] {strides = array<i32>} : memref<10240xf32, #tpu.memory_space<vmem>>, vector<16xf32>,
      tpu.vector_store %arg10[%parallel_loop3A_75], %broadcast_in_dim3A_44 {strides = array<i32>} : memref<10240xf32, #tpu.memory_space<vmem>>, vector<16xf32>,
      %parallel_loop3A_77 = arith.index_cast %parallel_loop3A_72 : i32 to index
      %parallel_loop3A_78 = tpu.vector_load %arg11[%parallel_loop3A_77] {strides = array<i32>} : memref<10240xf32, #tpu.memory_space<vmem>>, vector<16xf32>,
      tpu.vector_store %arg11[%parallel_loop3A_77], %broadcast_in_dim3A_44 {strides = array<i32>} : memref<10240xf32, #tpu.memory_space<vmem>>, vector<16xf32>,
      %parallel_loop3A_79 = arith.index_cast %parallel_loop3A_72 : i32 to index
      %parallel_loop3A_80 = tpu.vector_load %arg12[%parallel_loop3A_79] {strides = array<i32>} : memref<10240xf32, #tpu.memory_space<vmem>>, vector<16xf32>,
      tpu.vector_store %arg12[%parallel_loop3A_79], %broadcast_in_dim3A_44 {strides = array<i32>} : memref<10240xf32, #tpu.memory_space<vmem>>, vector<16xf32>,
      %parallel_loop3A_81 = arith.index_cast %parallel_loop3A_72 : i32 to index
      %parallel_loop3A_82 = tpu.vector_load %arg13[%parallel_loop3A_81] {strides = array<i32>} : memref<10240xf32, #tpu.memory_space<vmem>>, vector<16xf32>,
      tpu.vector_store %arg13[%parallel_loop3A_81], %broadcast_in_dim3A_44 {strides = array<i32>} : memref<10240xf32, #tpu.memory_space<vmem>>, vector<16xf32>,
      %parallel_loop3A_83 = arith.index_cast %parallel_loop3A_72 : i32 to index
      %parallel_loop3A_84 = tpu.vector_load %arg14[%parallel_loop3A_83] {strides = array<i32>} : memref<10240xf32, #tpu.memory_space<vmem>>, vector<16xf32>,
      tpu.vector_store %arg14[%parallel_loop3A_83], %broadcast_in_dim3A_44 {strides = array<i32>} : memref<10240xf32, #tpu.memory_space<vmem>>, vector<16xf32>,
    } {sc.loop_unroll_factor = 8 : i64, sc.parallel_access}
    %scan3A = arith.constant 0 : i32
    %scan3A_47 = arith.constant 0 : i32
    %scan3A_48 = arith.constant 5 : i32
    %scan3A_49 = arith.addi %scan3A_47, %scan3A_48 : i32
    %scan3A_50 = arith.constant 1 : i32
    %scan3A_51 = scf.for %scan3A_70 = %scan3A_47 to %scan3A_49 step %scan3A_50 iter_args(%scan3A_71 = %scan3A) -> (i32)  : i32 {
      %mul3A_72 = arith.constant 2 : i32
      %mul3A_73 = arith.muli %mul3A_72, %scan3A_70 : i32
      %add3A_74 = arith.constant 1 : i32
      %add3A_75 = arith.addi %mul3A_73, %add3A_74 : i32
      %mul3A_76 = arith.constant 4000 : i32
      %mul3A_77 = arith.muli %add3A_75, %mul3A_76 : i32
      %add3A_78 = arith.addi %mul3A_34, %mul3A_77 : i32
      %dma_start3A_79 = tpu.memref_slice %arg2[%add3A_78] : memref<320000xi32, #tpu.memory_space<hbm>> -> memref<4000xi32, #tpu.memory_space<hbm>>
      %dma_start3A_80 = tpu.memref_slice %arg2[%add3A_78] : memref<320000xi32, #tpu.memory_space<hbm>> -> memref<4000xi32, #tpu.memory_space<hbm>>
      tpu.enqueue_dma source(%dma_start3A_80 : memref<4000xi32, #tpu.memory_space<hbm>>) target(%arg16 : memref<4000xi32, #tpu.memory_space<vmem>>) target_semaphore(%arg20 : memref<!tpu.dma_semaphore, #tpu.memory_space<semaphore_mem>>)
      %dma_start3A_81 = tpu.memref_slice %arg3[%add3A_78] : memref<320000xf32, #tpu.memory_space<hbm>> -> memref<4000xf32, #tpu.memory_space<hbm>>
      %dma_start3A_82 = tpu.memref_slice %arg3[%add3A_78] : memref<320000xf32, #tpu.memory_space<hbm>> -> memref<4000xf32, #tpu.memory_space<hbm>>
      tpu.enqueue_dma source(%dma_start3A_82 : memref<4000xf32, #tpu.memory_space<hbm>>) target(%arg18 : memref<4000xf32, #tpu.memory_space<vmem>>) target_semaphore(%arg20 : memref<!tpu.dma_semaphore, #tpu.memory_space<semaphore_mem>>)
      %dma_wait3A = tpu.memref_slice %arg2[%mul3A_34] : memref<320000xi32, #tpu.memory_space<hbm>> -> memref<4000xi32, #tpu.memory_space<hbm>>
      %dma_wait3A_83 = tpu.memref_slice %arg2[%mul3A_34] : memref<320000xi32, #tpu.memory_space<hbm>> -> memref<4000xi32, #tpu.memory_space<hbm>>
      tpu.wait_dma2 semaphore(%arg19 : memref<!tpu.dma_semaphore, #tpu.memory_space<semaphore_mem>>) src(%dma_wait3A_83 : memref<4000xi32, #tpu.memory_space<hbm>>) dst(%arg15 : memref<4000xi32, #tpu.memory_space<vmem>>)
      %dma_wait3A_84 = tpu.memref_slice %arg3[%mul3A_34] : memref<320000xf32, #tpu.memory_space<hbm>> -> memref<4000xf32, #tpu.memory_space<hbm>>
      %dma_wait3A_85 = tpu.memref_slice %arg3[%mul3A_34] : memref<320000xf32, #tpu.memory_space<hbm>> -> memref<4000xf32, #tpu.memory_space<hbm>>
      tpu.wait_dma2 semaphore(%arg19 : memref<!tpu.dma_semaphore, #tpu.memory_space<semaphore_mem>>) src(%dma_wait3A_85 : memref<4000xf32, #tpu.memory_space<hbm>>) dst(%arg17 : memref<4000xf32, #tpu.memory_space<vmem>>)
      %parallel_loop3A_86 = arith.constant 0 : i32
      %parallel_loop3A_87 = arith.constant 250 : i32
      %parallel_loop3A_88 = arith.constant 1 : i32
      scf.for %parallel_loop3A_100 = %parallel_loop3A_86 to %parallel_loop3A_87 step %parallel_loop3A_88  : i32 {
        %parallel_loop3A_101 = arith.constant 16 : i32
        %parallel_loop3A_102 = arith.muli %parallel_loop3A_100, %parallel_loop3A_101 : i32
        %parallel_loop3A_103 = arith.index_cast %parallel_loop3A_102 : i32 to index
        %parallel_loop3A_104 = tpu.vector_load %arg15[%parallel_loop3A_103] {strides = array<i32>} : memref<4000xi32, #tpu.memory_space<vmem>>, vector<16xi32>,
        %parallel_loop3A_105 = arith.constant 65535 : i32
        %parallel_loop3A_106 = vector.broadcast %parallel_loop3A_105 : i32 to vector<16xi32>
        %parallel_loop3A_107 = arith.andi %parallel_loop3A_104, %parallel_loop3A_106 : vector<16xi32>
        %parallel_loop3A_108 = arith.constant 16 : i32
        %parallel_loop3A_109 = vector.broadcast %parallel_loop3A_108 : i32 to vector<16xi32>
        %parallel_loop3A_110 = arith.shrui %parallel_loop3A_104, %parallel_loop3A_109 : vector<16xi32>
        %parallel_loop3A_111 = arith.index_cast %parallel_loop3A_102 : i32 to index
        %parallel_loop3A_112 = tpu.vector_load %arg17[%parallel_loop3A_111] {strides = array<i32>} : memref<4000xf32, #tpu.memory_space<vmem>>, vector<16xf32>,
        %parallel_loop3A_113 = tpu.vector_load_idx %arg6[%parallel_loop3A_107] : memref<10240xi32, #tpu.memory_space<vmem>>[vector<16xi32>], vector<16xi32>,
        %parallel_loop3A_114 = vector.bitcast %parallel_loop3A_113 : vector<16xi32> to vector<32xbf16>
        %parallel_loop3A_115 = tpu.unpack_subelements %parallel_loop3A_114, 0 {pack_format = #tpu.pack_format<interleaved>} : vector<32xbf16> -> vector<16xf32>
        %parallel_loop3A_116 = tpu.unpack_subelements %parallel_loop3A_114, 1 {pack_format = #tpu.pack_format<interleaved>} : vector<32xbf16> -> vector<16xf32>
        %parallel_loop3A_117 = arith.mulf %parallel_loop3A_115, %parallel_loop3A_112 : vector<16xf32>
        tpu.vector_store_idx %arg9[%parallel_loop3A_110], %parallel_loop3A_117 {add = true} : memref<10240xf32, #tpu.memory_space<vmem>>[vector<16xi32>], vector<16xf32>,
        %parallel_loop3A_118 = arith.mulf %parallel_loop3A_116, %parallel_loop3A_112 : vector<16xf32>
        tpu.vector_store_idx %arg12[%parallel_loop3A_110], %parallel_loop3A_118 {add = true} : memref<10240xf32, #tpu.memory_space<vmem>>[vector<16xi32>], vector<16xf32>,
        %parallel_loop3A_119 = tpu.vector_load_idx %arg7[%parallel_loop3A_107] : memref<10240xi32, #tpu.memory_space<vmem>>[vector<16xi32>], vector<16xi32>,
        %parallel_loop3A_120 = vector.bitcast %parallel_loop3A_119 : vector<16xi32> to vector<32xbf16>
        %parallel_loop3A_121 = tpu.unpack_subelements %parallel_loop3A_120, 0 {pack_format = #tpu.pack_format<interleaved>} : vector<32xbf16> -> vector<16xf32>
        %parallel_loop3A_122 = tpu.unpack_subelements %parallel_loop3A_120, 1 {pack_format = #tpu.pack_format<interleaved>} : vector<32xbf16> -> vector<16xf32>
        %parallel_loop3A_123 = arith.mulf %parallel_loop3A_121, %parallel_loop3A_112 : vector<16xf32>
        tpu.vector_store_idx %arg10[%parallel_loop3A_110], %parallel_loop3A_123 {add = true} : memref<10240xf32, #tpu.memory_space<vmem>>[vector<16xi32>], vector<16xf32>,
        %parallel_loop3A_124 = arith.mulf %parallel_loop3A_122, %parallel_loop3A_112 : vector<16xf32>
        tpu.vector_store_idx %arg13[%parallel_loop3A_110], %parallel_loop3A_124 {add = true} : memref<10240xf32, #tpu.memory_space<vmem>>[vector<16xi32>], vector<16xf32>,
        %parallel_loop3A_125 = tpu.vector_load_idx %arg8[%parallel_loop3A_107] : memref<10240xi32, #tpu.memory_space<vmem>>[vector<16xi32>], vector<16xi32>,
        %parallel_loop3A_126 = vector.bitcast %parallel_loop3A_125 : vector<16xi32> to vector<32xbf16>
        %parallel_loop3A_127 = tpu.unpack_subelements %parallel_loop3A_126, 0 {pack_format = #tpu.pack_format<interleaved>} : vector<32xbf16> -> vector<16xf32>
        %parallel_loop3A_128 = tpu.unpack_subelements %parallel_loop3A_126, 1 {pack_format = #tpu.pack_format<interleaved>} : vector<32xbf16> -> vector<16xf32>
        %parallel_loop3A_129 = arith.mulf %parallel_loop3A_127, %parallel_loop3A_112 : vector<16xf32>
        tpu.vector_store_idx %arg11[%parallel_loop3A_110], %parallel_loop3A_129 {add = true} : memref<10240xf32, #tpu.memory_space<vmem>>[vector<16xi32>], vector<16xf32>,
        %parallel_loop3A_130 = arith.mulf %parallel_loop3A_128, %parallel_loop3A_112 : vector<16xf32>
        tpu.vector_store_idx %arg14[%parallel_loop3A_110], %parallel_loop3A_130 {add = true} : memref<10240xf32, #tpu.memory_space<vmem>>[vector<16xi32>], vector<16xf32>,
      } {sc.loop_unroll_factor = 8 : i64, sc.parallel_access}
      %lt3A_89 = arith.constant 4 : i32
      %lt3A_90 = arith.cmpi slt, %scan3A_70, %lt3A_89 : i32
      %convert_element_type3A = arith.extui %lt3A_90 : i1 to i32
      %cond3A = arith.constant 0 : i32
      %cond3A_91 = arith.cmpi ne, %convert_element_type3A, %cond3A : i32
      scf.if %cond3A_91 {
        %mul3A_100 = arith.constant 2 : i32
        %mul3A_101 = arith.muli %mul3A_100, %scan3A_70 : i32
        %add3A_102 = arith.constant 2 : i32
        %add3A_103 = arith.addi %mul3A_101, %add3A_102 : i32
        %mul3A_104 = arith.constant 4000 : i32
        %mul3A_105 = arith.muli %add3A_103, %mul3A_104 : i32
        %add3A_106 = arith.addi %mul3A_34, %mul3A_105 : i32
        %dma_start3A_107 = tpu.memref_slice %arg2[%add3A_106] : memref<320000xi32, #tpu.memory_space<hbm>> -> memref<4000xi32, #tpu.memory_space<hbm>>
        %dma_start3A_108 = tpu.memref_slice %arg2[%add3A_106] : memref<320000xi32, #tpu.memory_space<hbm>> -> memref<4000xi32, #tpu.memory_space<hbm>>
        tpu.enqueue_dma source(%dma_start3A_108 : memref<4000xi32, #tpu.memory_space<hbm>>) target(%arg15 : memref<4000xi32, #tpu.memory_space<vmem>>) target_semaphore(%arg19 : memref<!tpu.dma_semaphore, #tpu.memory_space<semaphore_mem>>)
        %dma_start3A_109 = tpu.memref_slice %arg3[%add3A_106] : memref<320000xf32, #tpu.memory_space<hbm>> -> memref<4000xf32, #tpu.memory_space<hbm>>
        %dma_start3A_110 = tpu.memref_slice %arg3[%add3A_106] : memref<320000xf32, #tpu.memory_space<hbm>> -> memref<4000xf32, #tpu.memory_space<hbm>>
        tpu.enqueue_dma source(%dma_start3A_110 : memref<4000xf32, #tpu.memory_space<hbm>>) target(%arg17 : memref<4000xf32, #tpu.memory_space<vmem>>) target_semaphore(%arg19 : memref<!tpu.dma_semaphore, #tpu.memory_space<semaphore_mem>>)
      } else {
      }
      %dma_wait3A_92 = tpu.memref_slice %arg2[%mul3A_34] : memref<320000xi32, #tpu.memory_space<hbm>> -> memref<4000xi32, #tpu.memory_space<hbm>>
      %dma_wait3A_93 = tpu.memref_slice %arg2[%mul3A_34] : memref<320000xi32, #tpu.memory_space<hbm>> -> memref<4000xi32, #tpu.memory_space<hbm>>
      tpu.wait_dma2 semaphore(%arg20 : memref<!tpu.dma_semaphore, #tpu.memory_space<semaphore_mem>>) src(%dma_wait3A_93 : memref<4000xi32, #tpu.memory_space<hbm>>) dst(%arg16 : memref<4000xi32, #tpu.memory_space<vmem>>)
      %dma_wait3A_94 = tpu.memref_slice %arg3[%mul3A_34] : memref<320000xf32, #tpu.memory_space<hbm>> -> memref<4000xf32, #tpu.memory_space<hbm>>
      %dma_wait3A_95 = tpu.memref_slice %arg3[%mul3A_34] : memref<320000xf32, #tpu.memory_space<hbm>> -> memref<4000xf32, #tpu.memory_space<hbm>>
      tpu.wait_dma2 semaphore(%arg20 : memref<!tpu.dma_semaphore, #tpu.memory_space<semaphore_mem>>) src(%dma_wait3A_95 : memref<4000xf32, #tpu.memory_space<hbm>>) dst(%arg18 : memref<4000xf32, #tpu.memory_space<vmem>>)
      %parallel_loop3A_96 = arith.constant 0 : i32
      %parallel_loop3A_97 = arith.constant 250 : i32
      %parallel_loop3A_98 = arith.constant 1 : i32
      scf.for %parallel_loop3A_100 = %parallel_loop3A_96 to %parallel_loop3A_97 step %parallel_loop3A_98  : i32 {
        %parallel_loop3A_101 = arith.constant 16 : i32
        %parallel_loop3A_102 = arith.muli %parallel_loop3A_100, %parallel_loop3A_101 : i32
        %parallel_loop3A_103 = arith.index_cast %parallel_loop3A_102 : i32 to index
        %parallel_loop3A_104 = tpu.vector_load %arg16[%parallel_loop3A_103] {strides = array<i32>} : memref<4000xi32, #tpu.memory_space<vmem>>, vector<16xi32>,
        %parallel_loop3A_105 = arith.constant 65535 : i32
        %parallel_loop3A_106 = vector.broadcast %parallel_loop3A_105 : i32 to vector<16xi32>
        %parallel_loop3A_107 = arith.andi %parallel_loop3A_104, %parallel_loop3A_106 : vector<16xi32>
        %parallel_loop3A_108 = arith.constant 16 : i32
        %parallel_loop3A_109 = vector.broadcast %parallel_loop3A_108 : i32 to vector<16xi32>
        %parallel_loop3A_110 = arith.shrui %parallel_loop3A_104, %parallel_loop3A_109 : vector<16xi32>
        %parallel_loop3A_111 = arith.index_cast %parallel_loop3A_102 : i32 to index
        %parallel_loop3A_112 = tpu.vector_load %arg18[%parallel_loop3A_111] {strides = array<i32>} : memref<4000xf32, #tpu.memory_space<vmem>>, vector<16xf32>,
        %parallel_loop3A_113 = tpu.vector_load_idx %arg6[%parallel_loop3A_107] : memref<10240xi32, #tpu.memory_space<vmem>>[vector<16xi32>], vector<16xi32>,
        %parallel_loop3A_114 = vector.bitcast %parallel_loop3A_113 : vector<16xi32> to vector<32xbf16>
        %parallel_loop3A_115 = tpu.unpack_subelements %parallel_loop3A_114, 0 {pack_format = #tpu.pack_format<interleaved>} : vector<32xbf16> -> vector<16xf32>
        %parallel_loop3A_116 = tpu.unpack_subelements %parallel_loop3A_114, 1 {pack_format = #tpu.pack_format<interleaved>} : vector<32xbf16> -> vector<16xf32>
        %parallel_loop3A_117 = arith.mulf %parallel_loop3A_115, %parallel_loop3A_112 : vector<16xf32>
        tpu.vector_store_idx %arg9[%parallel_loop3A_110], %parallel_loop3A_117 {add = true} : memref<10240xf32, #tpu.memory_space<vmem>>[vector<16xi32>], vector<16xf32>,
        %parallel_loop3A_118 = arith.mulf %parallel_loop3A_116, %parallel_loop3A_112 : vector<16xf32>
        tpu.vector_store_idx %arg12[%parallel_loop3A_110], %parallel_loop3A_118 {add = true} : memref<10240xf32, #tpu.memory_space<vmem>>[vector<16xi32>], vector<16xf32>,
        %parallel_loop3A_119 = tpu.vector_load_idx %arg7[%parallel_loop3A_107] : memref<10240xi32, #tpu.memory_space<vmem>>[vector<16xi32>], vector<16xi32>,
        %parallel_loop3A_120 = vector.bitcast %parallel_loop3A_119 : vector<16xi32> to vector<32xbf16>
        %parallel_loop3A_121 = tpu.unpack_subelements %parallel_loop3A_120, 0 {pack_format = #tpu.pack_format<interleaved>} : vector<32xbf16> -> vector<16xf32>
        %parallel_loop3A_122 = tpu.unpack_subelements %parallel_loop3A_120, 1 {pack_format = #tpu.pack_format<interleaved>} : vector<32xbf16> -> vector<16xf32>
        %parallel_loop3A_123 = arith.mulf %parallel_loop3A_121, %parallel_loop3A_112 : vector<16xf32>
        tpu.vector_store_idx %arg10[%parallel_loop3A_110], %parallel_loop3A_123 {add = true} : memref<10240xf32, #tpu.memory_space<vmem>>[vector<16xi32>], vector<16xf32>,
        %parallel_loop3A_124 = arith.mulf %parallel_loop3A_122, %parallel_loop3A_112 : vector<16xf32>
        tpu.vector_store_idx %arg13[%parallel_loop3A_110], %parallel_loop3A_124 {add = true} : memref<10240xf32, #tpu.memory_space<vmem>>[vector<16xi32>], vector<16xf32>,
        %parallel_loop3A_125 = tpu.vector_load_idx %arg8[%parallel_loop3A_107] : memref<10240xi32, #tpu.memory_space<vmem>>[vector<16xi32>], vector<16xi32>,
        %parallel_loop3A_126 = vector.bitcast %parallel_loop3A_125 : vector<16xi32> to vector<32xbf16>
        %parallel_loop3A_127 = tpu.unpack_subelements %parallel_loop3A_126, 0 {pack_format = #tpu.pack_format<interleaved>} : vector<32xbf16> -> vector<16xf32>
        %parallel_loop3A_128 = tpu.unpack_subelements %parallel_loop3A_126, 1 {pack_format = #tpu.pack_format<interleaved>} : vector<32xbf16> -> vector<16xf32>
        %parallel_loop3A_129 = arith.mulf %parallel_loop3A_127, %parallel_loop3A_112 : vector<16xf32>
        tpu.vector_store_idx %arg11[%parallel_loop3A_110], %parallel_loop3A_129 {add = true} : memref<10240xf32, #tpu.memory_space<vmem>>[vector<16xi32>], vector<16xf32>,
        %parallel_loop3A_130 = arith.mulf %parallel_loop3A_128, %parallel_loop3A_112 : vector<16xf32>
        tpu.vector_store_idx %arg14[%parallel_loop3A_110], %parallel_loop3A_130 {add = true} : memref<10240xf32, #tpu.memory_space<vmem>>[vector<16xi32>], vector<16xf32>,
      } {sc.loop_unroll_factor = 8 : i64, sc.parallel_access}
      %scan3A_99 = arith.constant 0 : i32
      scf.yield %scan3A_99 : i32
    }
    %scan3A_52 = arith.constant 5 : i32
    %mul3A_53 = arith.constant 24 : i32
    %mul3A_54 = arith.muli %select_n3A, %mul3A_53 : i32
    %add3A_55 = arith.addi %mul3A_54, %mul3A_32 : i32
    "tpu.region"() ({
      %run_scoped3A = tpu.sem_alloc : memref<!tpu.dma_semaphore, #tpu.memory_space<semaphore_mem>>
      %dma_start3A_70 = arith.constant 0 : i32
      %dma_start3A_71 = tpu.memref_slice %arg5[%add3A_55, %dma_start3A_70] : memref<192x10240xf32, #tpu.memory_space<hbm>> -> memref<1x10240xf32, #tpu.memory_space<hbm>>
      %dma_start3A_72 = tpu.memref_squeeze %dma_start3A_71 : memref<1x10240xf32, #tpu.memory_space<hbm>> -> memref<10240xf32, #tpu.memory_space<hbm>>
      %dma_start3A_73 = arith.constant 0 : i32
      %dma_start3A_74 = tpu.memref_slice %arg5[%add3A_55, %dma_start3A_73] : memref<192x10240xf32, #tpu.memory_space<hbm>> -> memref<1x10240xf32, #tpu.memory_space<hbm>>
      %dma_start3A_75 = tpu.memref_squeeze %dma_start3A_74 : memref<1x10240xf32, #tpu.memory_space<hbm>> -> memref<10240xf32, #tpu.memory_space<hbm>>
      tpu.enqueue_dma source(%arg9 : memref<10240xf32, #tpu.memory_space<vmem>>) target(%dma_start3A_75 : memref<10240xf32, #tpu.memory_space<hbm>>) target_semaphore(%run_scoped3A : memref<!tpu.dma_semaphore, #tpu.memory_space<semaphore_mem>>)
      %dma_wait3A = arith.constant 0 : i32
      %dma_wait3A_76 = tpu.memref_slice %arg5[%add3A_55, %dma_wait3A] : memref<192x10240xf32, #tpu.memory_space<hbm>> -> memref<1x10240xf32, #tpu.memory_space<hbm>>
      %dma_wait3A_77 = tpu.memref_squeeze %dma_wait3A_76 : memref<1x10240xf32, #tpu.memory_space<hbm>> -> memref<10240xf32, #tpu.memory_space<hbm>>
      %dma_wait3A_78 = arith.constant 0 : i32
      %dma_wait3A_79 = tpu.memref_slice %arg5[%add3A_55, %dma_wait3A_78] : memref<192x10240xf32, #tpu.memory_space<hbm>> -> memref<1x10240xf32, #tpu.memory_space<hbm>>
      %dma_wait3A_80 = tpu.memref_squeeze %dma_wait3A_79 : memref<1x10240xf32, #tpu.memory_space<hbm>> -> memref<10240xf32, #tpu.memory_space<hbm>>
      tpu.wait_dma2 semaphore(%run_scoped3A : memref<!tpu.dma_semaphore, #tpu.memory_space<semaphore_mem>>) src(%arg9 : memref<10240xf32, #tpu.memory_space<vmem>>) dst(%dma_wait3A_80 : memref<10240xf32, #tpu.memory_space<hbm>>)
      tpu.yield
    }) : () -> ()
    %add3A_56 = arith.constant 1 : i32
    %add3A_57 = arith.addi %add3A_55, %add3A_56 : i32
    "tpu.region"() ({
      %run_scoped3A = tpu.sem_alloc : memref<!tpu.dma_semaphore, #tpu.memory_space<semaphore_mem>>
      %dma_start3A_70 = arith.constant 0 : i32
      %dma_start3A_71 = tpu.memref_slice %arg5[%add3A_57, %dma_start3A_70] : memref<192x10240xf32, #tpu.memory_space<hbm>> -> memref<1x10240xf32, #tpu.memory_space<hbm>>
      %dma_start3A_72 = tpu.memref_squeeze %dma_start3A_71 : memref<1x10240xf32, #tpu.memory_space<hbm>> -> memref<10240xf32, #tpu.memory_space<hbm>>
      %dma_start3A_73 = arith.constant 0 : i32
      %dma_start3A_74 = tpu.memref_slice %arg5[%add3A_57, %dma_start3A_73] : memref<192x10240xf32, #tpu.memory_space<hbm>> -> memref<1x10240xf32, #tpu.memory_space<hbm>>
      %dma_start3A_75 = tpu.memref_squeeze %dma_start3A_74 : memref<1x10240xf32, #tpu.memory_space<hbm>> -> memref<10240xf32, #tpu.memory_space<hbm>>
      tpu.enqueue_dma source(%arg10 : memref<10240xf32, #tpu.memory_space<vmem>>) target(%dma_start3A_75 : memref<10240xf32, #tpu.memory_space<hbm>>) target_semaphore(%run_scoped3A : memref<!tpu.dma_semaphore, #tpu.memory_space<semaphore_mem>>)
      %dma_wait3A = arith.constant 0 : i32
      %dma_wait3A_76 = tpu.memref_slice %arg5[%add3A_57, %dma_wait3A] : memref<192x10240xf32, #tpu.memory_space<hbm>> -> memref<1x10240xf32, #tpu.memory_space<hbm>>
      %dma_wait3A_77 = tpu.memref_squeeze %dma_wait3A_76 : memref<1x10240xf32, #tpu.memory_space<hbm>> -> memref<10240xf32, #tpu.memory_space<hbm>>
      %dma_wait3A_78 = arith.constant 0 : i32
      %dma_wait3A_79 = tpu.memref_slice %arg5[%add3A_57, %dma_wait3A_78] : memref<192x10240xf32, #tpu.memory_space<hbm>> -> memref<1x10240xf32, #tpu.memory_space<hbm>>
      %dma_wait3A_80 = tpu.memref_squeeze %dma_wait3A_79 : memref<1x10240xf32, #tpu.memory_space<hbm>> -> memref<10240xf32, #tpu.memory_space<hbm>>
      tpu.wait_dma2 semaphore(%run_scoped3A : memref<!tpu.dma_semaphore, #tpu.memory_space<semaphore_mem>>) src(%arg10 : memref<10240xf32, #tpu.memory_space<vmem>>) dst(%dma_wait3A_80 : memref<10240xf32, #tpu.memory_space<hbm>>)
      tpu.yield
    }) : () -> ()
    %add3A_58 = arith.constant 2 : i32
    %add3A_59 = arith.addi %add3A_55, %add3A_58 : i32
    "tpu.region"() ({
      %run_scoped3A = tpu.sem_alloc : memref<!tpu.dma_semaphore, #tpu.memory_space<semaphore_mem>>
      %dma_start3A_70 = arith.constant 0 : i32
      %dma_start3A_71 = tpu.memref_slice %arg5[%add3A_59, %dma_start3A_70] : memref<192x10240xf32, #tpu.memory_space<hbm>> -> memref<1x10240xf32, #tpu.memory_space<hbm>>
      %dma_start3A_72 = tpu.memref_squeeze %dma_start3A_71 : memref<1x10240xf32, #tpu.memory_space<hbm>> -> memref<10240xf32, #tpu.memory_space<hbm>>
      %dma_start3A_73 = arith.constant 0 : i32
      %dma_start3A_74 = tpu.memref_slice %arg5[%add3A_59, %dma_start3A_73] : memref<192x10240xf32, #tpu.memory_space<hbm>> -> memref<1x10240xf32, #tpu.memory_space<hbm>>
      %dma_start3A_75 = tpu.memref_squeeze %dma_start3A_74 : memref<1x10240xf32, #tpu.memory_space<hbm>> -> memref<10240xf32, #tpu.memory_space<hbm>>
      tpu.enqueue_dma source(%arg11 : memref<10240xf32, #tpu.memory_space<vmem>>) target(%dma_start3A_75 : memref<10240xf32, #tpu.memory_space<hbm>>) target_semaphore(%run_scoped3A : memref<!tpu.dma_semaphore, #tpu.memory_space<semaphore_mem>>)
      %dma_wait3A = arith.constant 0 : i32
      %dma_wait3A_76 = tpu.memref_slice %arg5[%add3A_59, %dma_wait3A] : memref<192x10240xf32, #tpu.memory_space<hbm>> -> memref<1x10240xf32, #tpu.memory_space<hbm>>
      %dma_wait3A_77 = tpu.memref_squeeze %dma_wait3A_76 : memref<1x10240xf32, #tpu.memory_space<hbm>> -> memref<10240xf32, #tpu.memory_space<hbm>>
      %dma_wait3A_78 = arith.constant 0 : i32
      %dma_wait3A_79 = tpu.memref_slice %arg5[%add3A_59, %dma_wait3A_78] : memref<192x10240xf32, #tpu.memory_space<hbm>> -> memref<1x10240xf32, #tpu.memory_space<hbm>>
      %dma_wait3A_80 = tpu.memref_squeeze %dma_wait3A_79 : memref<1x10240xf32, #tpu.memory_space<hbm>> -> memref<10240xf32, #tpu.memory_space<hbm>>
      tpu.wait_dma2 semaphore(%run_scoped3A : memref<!tpu.dma_semaphore, #tpu.memory_space<semaphore_mem>>) src(%arg11 : memref<10240xf32, #tpu.memory_space<vmem>>) dst(%dma_wait3A_80 : memref<10240xf32, #tpu.memory_space<hbm>>)
      tpu.yield
    }) : () -> ()
    %add3A_60 = arith.constant 12 : i32
    %add3A_61 = arith.addi %add3A_55, %add3A_60 : i32
    "tpu.region"() ({
      %run_scoped3A = tpu.sem_alloc : memref<!tpu.dma_semaphore, #tpu.memory_space<semaphore_mem>>
      %dma_start3A_70 = arith.constant 0 : i32
      %dma_start3A_71 = tpu.memref_slice %arg5[%add3A_61, %dma_start3A_70] : memref<192x10240xf32, #tpu.memory_space<hbm>> -> memref<1x10240xf32, #tpu.memory_space<hbm>>
      %dma_start3A_72 = tpu.memref_squeeze %dma_start3A_71 : memref<1x10240xf32, #tpu.memory_space<hbm>> -> memref<10240xf32, #tpu.memory_space<hbm>>
      %dma_start3A_73 = arith.constant 0 : i32
      %dma_start3A_74 = tpu.memref_slice %arg5[%add3A_61, %dma_start3A_73] : memref<192x10240xf32, #tpu.memory_space<hbm>> -> memref<1x10240xf32, #tpu.memory_space<hbm>>
      %dma_start3A_75 = tpu.memref_squeeze %dma_start3A_74 : memref<1x10240xf32, #tpu.memory_space<hbm>> -> memref<10240xf32, #tpu.memory_space<hbm>>
      tpu.enqueue_dma source(%arg12 : memref<10240xf32, #tpu.memory_space<vmem>>) target(%dma_start3A_75 : memref<10240xf32, #tpu.memory_space<hbm>>) target_semaphore(%run_scoped3A : memref<!tpu.dma_semaphore, #tpu.memory_space<semaphore_mem>>)
      %dma_wait3A = arith.constant 0 : i32
      %dma_wait3A_76 = tpu.memref_slice %arg5[%add3A_61, %dma_wait3A] : memref<192x10240xf32, #tpu.memory_space<hbm>> -> memref<1x10240xf32, #tpu.memory_space<hbm>>
      %dma_wait3A_77 = tpu.memref_squeeze %dma_wait3A_76 : memref<1x10240xf32, #tpu.memory_space<hbm>> -> memref<10240xf32, #tpu.memory_space<hbm>>
      %dma_wait3A_78 = arith.constant 0 : i32
      %dma_wait3A_79 = tpu.memref_slice %arg5[%add3A_61, %dma_wait3A_78] : memref<192x10240xf32, #tpu.memory_space<hbm>> -> memref<1x10240xf32, #tpu.memory_space<hbm>>
      %dma_wait3A_80 = tpu.memref_squeeze %dma_wait3A_79 : memref<1x10240xf32, #tpu.memory_space<hbm>> -> memref<10240xf32, #tpu.memory_space<hbm>>
      tpu.wait_dma2 semaphore(%run_scoped3A : memref<!tpu.dma_semaphore, #tpu.memory_space<semaphore_mem>>) src(%arg12 : memref<10240xf32, #tpu.memory_space<vmem>>) dst(%dma_wait3A_80 : memref<10240xf32, #tpu.memory_space<hbm>>)
      tpu.yield
    }) : () -> ()
    %add3A_62 = arith.constant 12 : i32
    %add3A_63 = arith.addi %add3A_55, %add3A_62 : i32
    %add3A_64 = arith.constant 1 : i32
    %add3A_65 = arith.addi %add3A_63, %add3A_64 : i32
    "tpu.region"() ({
      %run_scoped3A = tpu.sem_alloc : memref<!tpu.dma_semaphore, #tpu.memory_space<semaphore_mem>>
      %dma_start3A_70 = arith.constant 0 : i32
      %dma_start3A_71 = tpu.memref_slice %arg5[%add3A_65, %dma_start3A_70] : memref<192x10240xf32, #tpu.memory_space<hbm>> -> memref<1x10240xf32, #tpu.memory_space<hbm>>
      %dma_start3A_72 = tpu.memref_squeeze %dma_start3A_71 : memref<1x10240xf32, #tpu.memory_space<hbm>> -> memref<10240xf32, #tpu.memory_space<hbm>>
      %dma_start3A_73 = arith.constant 0 : i32
      %dma_start3A_74 = tpu.memref_slice %arg5[%add3A_65, %dma_start3A_73] : memref<192x10240xf32, #tpu.memory_space<hbm>> -> memref<1x10240xf32, #tpu.memory_space<hbm>>
      %dma_start3A_75 = tpu.memref_squeeze %dma_start3A_74 : memref<1x10240xf32, #tpu.memory_space<hbm>> -> memref<10240xf32, #tpu.memory_space<hbm>>
      tpu.enqueue_dma source(%arg13 : memref<10240xf32, #tpu.memory_space<vmem>>) target(%dma_start3A_75 : memref<10240xf32, #tpu.memory_space<hbm>>) target_semaphore(%run_scoped3A : memref<!tpu.dma_semaphore, #tpu.memory_space<semaphore_mem>>)
      %dma_wait3A = arith.constant 0 : i32
      %dma_wait3A_76 = tpu.memref_slice %arg5[%add3A_65, %dma_wait3A] : memref<192x10240xf32, #tpu.memory_space<hbm>> -> memref<1x10240xf32, #tpu.memory_space<hbm>>
      %dma_wait3A_77 = tpu.memref_squeeze %dma_wait3A_76 : memref<1x10240xf32, #tpu.memory_space<hbm>> -> memref<10240xf32, #tpu.memory_space<hbm>>
      %dma_wait3A_78 = arith.constant 0 : i32
      %dma_wait3A_79 = tpu.memref_slice %arg5[%add3A_65, %dma_wait3A_78] : memref<192x10240xf32, #tpu.memory_space<hbm>> -> memref<1x10240xf32, #tpu.memory_space<hbm>>
      %dma_wait3A_80 = tpu.memref_squeeze %dma_wait3A_79 : memref<1x10240xf32, #tpu.memory_space<hbm>> -> memref<10240xf32, #tpu.memory_space<hbm>>
      tpu.wait_dma2 semaphore(%run_scoped3A : memref<!tpu.dma_semaphore, #tpu.memory_space<semaphore_mem>>) src(%arg13 : memref<10240xf32, #tpu.memory_space<vmem>>) dst(%dma_wait3A_80 : memref<10240xf32, #tpu.memory_space<hbm>>)
      tpu.yield
    }) : () -> ()
    %add3A_66 = arith.constant 12 : i32
    %add3A_67 = arith.addi %add3A_55, %add3A_66 : i32
    %add3A_68 = arith.constant 2 : i32
    %add3A_69 = arith.addi %add3A_67, %add3A_68 : i32
    "tpu.region"() ({
      %run_scoped3A = tpu.sem_alloc : memref<!tpu.dma_semaphore, #tpu.memory_space<semaphore_mem>>
      %dma_start3A_70 = arith.constant 0 : i32
      %dma_start3A_71 = tpu.memref_slice %arg5[%add3A_69, %dma_start3A_70] : memref<192x10240xf32, #tpu.memory_space<hbm>> -> memref<1x10240xf32, #tpu.memory_space<hbm>>
      %dma_start3A_72 = tpu.memref_squeeze %dma_start3A_71 : memref<1x10240xf32, #tpu.memory_space<hbm>> -> memref<10240xf32, #tpu.memory_space<hbm>>
      %dma_start3A_73 = arith.constant 0 : i32
      %dma_start3A_74 = tpu.memref_slice %arg5[%add3A_69, %dma_start3A_73] : memref<192x10240xf32, #tpu.memory_space<hbm>> -> memref<1x10240xf32, #tpu.memory_space<hbm>>
      %dma_start3A_75 = tpu.memref_squeeze %dma_start3A_74 : memref<1x10240xf32, #tpu.memory_space<hbm>> -> memref<10240xf32, #tpu.memory_space<hbm>>
      tpu.enqueue_dma source(%arg14 : memref<10240xf32, #tpu.memory_space<vmem>>) target(%dma_start3A_75 : memref<10240xf32, #tpu.memory_space<hbm>>) target_semaphore(%run_scoped3A : memref<!tpu.dma_semaphore, #tpu.memory_space<semaphore_mem>>)
      %dma_wait3A = arith.constant 0 : i32
      %dma_wait3A_76 = tpu.memref_slice %arg5[%add3A_69, %dma_wait3A] : memref<192x10240xf32, #tpu.memory_space<hbm>> -> memref<1x10240xf32, #tpu.memory_space<hbm>>
      %dma_wait3A_77 = tpu.memref_squeeze %dma_wait3A_76 : memref<1x10240xf32, #tpu.memory_space<hbm>> -> memref<10240xf32, #tpu.memory_space<hbm>>
      %dma_wait3A_78 = arith.constant 0 : i32
      %dma_wait3A_79 = tpu.memref_slice %arg5[%add3A_69, %dma_wait3A_78] : memref<192x10240xf32, #tpu.memory_space<hbm>> -> memref<1x10240xf32, #tpu.memory_space<hbm>>
      %dma_wait3A_80 = tpu.memref_squeeze %dma_wait3A_79 : memref<1x10240xf32, #tpu.memory_space<hbm>> -> memref<10240xf32, #tpu.memory_space<hbm>>
      tpu.wait_dma2 semaphore(%run_scoped3A : memref<!tpu.dma_semaphore, #tpu.memory_space<semaphore_mem>>) src(%arg14 : memref<10240xf32, #tpu.memory_space<vmem>>) dst(%dma_wait3A_80 : memref<10240xf32, #tpu.memory_space<hbm>>)
      tpu.yield
    }) : () -> ()
    return
  }
}

module attributes {stable_mosaic.version = 14 : i64} {
  func.func @body(%arg0: memref<2x320000xi32, #tpu.memory_space<vmem>>, %arg1: memref<320000xi32, #tpu.memory_space<vmem>>) attributes {dimension_semantics = [], scalar_prefetch = 0 : i64, scratch_operands = 0 : i64, tpu.core_type = #tpu.core_type<tc>} {
    %get3A = arith.constant 0 : index
    %get3A_0 = arith.constant 0 : index
    %get3A_1 = vector.load %arg0[%get3A, %get3A_0] : memref<2x320000xi32, #tpu.memory_space<vmem>>, vector<2x320000xi32>
    %slice3A = vector.extract_strided_slice %get3A_1 {offsets = [1, 0], sizes = [1, 320000], strides = [1, 1]} : vector<2x320000xi32> to vector<1x320000xi32>
    %shift_left3A = arith.constant 16 : i32
    %shift_left3A_2 = vector.broadcast %shift_left3A : i32 to vector<1x320000xi32>
    %shift_left3A_3 = arith.shli %slice3A, %shift_left3A_2 : vector<1x320000xi32>
    %slice3A_4 = vector.extract_strided_slice %get3A_1 {offsets = [0, 0], sizes = [1, 320000], strides = [1, 1]} : vector<2x320000xi32> to vector<1x320000xi32>
    %or3A = arith.ori %shift_left3A_3, %slice3A_4 : vector<1x320000xi32>
    %squeeze3A = vector.shape_cast %or3A : vector<1x320000xi32> to vector<320000xi32>
    %swap3A = arith.constant 0 : index
    %swap3A_5 = vector.load %arg1[%swap3A] : memref<320000xi32, #tpu.memory_space<vmem>>, vector<320000xi32>
    tpu.vector_store %arg1[%swap3A], %squeeze3A {strides = array<i32>} : memref<320000xi32, #tpu.memory_space<vmem>>, vector<320000xi32>,
    return
  }
}

module attributes {stable_mosaic.version = 14 : i64} {
  func.func @body(%arg0: memref<32x10240xf32, #tpu.memory_space<vmem>>, %arg1: memref<24x10240xf32, #tpu.memory_space<vmem>>, %arg2: memref<1x10240xf32, #tpu.memory_space<vmem>>, %arg3: memref<24x10240xf32, #tpu.memory_space<vmem>>, %arg4: memref<12x10240xi32, #tpu.memory_space<vmem>>) attributes {dimension_semantics = [], scalar_prefetch = 0 : i64, scratch_operands = 0 : i64, tpu.core_type = #tpu.core_type<tc>} {
    %get3A = arith.constant 0 : index
    %get3A_0 = arith.constant 0 : index
    %get3A_1 = vector.load %arg0[%get3A, %get3A_0] : memref<32x10240xf32, #tpu.memory_space<vmem>>, vector<32x10240xf32>
    %reduce_sum3A = arith.constant dense<0.000000e+00> : vector<10240xf32>
    %reduce_sum3A_2 = vector.multi_reduction <add>, %get3A_1, %reduce_sum3A [0] : vector<32x10240xf32> to vector<10240xf32>
    %broadcast_in_dim3A = vector.shape_cast %reduce_sum3A_2 : vector<10240xf32> to vector<1x10240xf32>
    %add3A = arith.constant 1.000000e+00 : f32
    %add3A_3 = vector.broadcast %add3A : f32 to vector<1x10240xf32>
    %add3A_4 = arith.addf %add3A_3, %broadcast_in_dim3A : vector<1x10240xf32>
    %rsqrt3A = math.rsqrt %add3A_4 : vector<1x10240xf32>
    %swap3A = arith.constant 0 : index
    %swap3A_5 = arith.constant 0 : index
    %swap3A_6 = vector.load %arg2[%swap3A, %swap3A_5] : memref<1x10240xf32, #tpu.memory_space<vmem>>, vector<1x10240xf32>
    tpu.vector_store %arg2[%swap3A, %swap3A_5], %rsqrt3A {strides = array<i32>} : memref<1x10240xf32, #tpu.memory_space<vmem>>, vector<1x10240xf32>,
    %get3A_7 = arith.constant 0 : index
    %get3A_8 = arith.constant 0 : index
    %get3A_9 = vector.load %arg1[%get3A_7, %get3A_8] : memref<24x10240xf32, #tpu.memory_space<vmem>>, vector<24x10240xf32>
    %mul3A = vector.broadcast %rsqrt3A : vector<1x10240xf32> to vector<24x10240xf32>
    %mul3A_10 = arith.mulf %mul3A, %get3A_9 : vector<24x10240xf32>
    %swap3A_11 = arith.constant 0 : index
    %swap3A_12 = arith.constant 0 : index
    %swap3A_13 = vector.load %arg3[%swap3A_11, %swap3A_12] : memref<24x10240xf32, #tpu.memory_space<vmem>>, vector<24x10240xf32>
    tpu.vector_store %arg3[%swap3A_11, %swap3A_12], %mul3A_10 {strides = array<i32>} : memref<24x10240xf32, #tpu.memory_space<vmem>>, vector<24x10240xf32>,
    %convert_element_type3A = arith.truncf %mul3A_10 : vector<24x10240xf32> to vector<24x10240xbf16>
    %slice3A = vector.extract_strided_slice %convert_element_type3A {offsets = [0, 0], sizes = [12, 10240], strides = [1, 1]} : vector<24x10240xbf16> to vector<12x10240xbf16>
    %bitcast_convert_type3A = tpu.bitcast %slice3A : vector<12x10240xbf16> -> vector<12x10240xi16>
    %convert_element_type3A_14 = arith.extui %bitcast_convert_type3A : vector<12x10240xi16> to vector<12x10240xi32>
    %slice3A_15 = vector.extract_strided_slice %convert_element_type3A {offsets = [12, 0], sizes = [12, 10240], strides = [1, 1]} : vector<24x10240xbf16> to vector<12x10240xbf16>
    %bitcast_convert_type3A_16 = tpu.bitcast %slice3A_15 : vector<12x10240xbf16> -> vector<12x10240xi16>
    %convert_element_type3A_17 = arith.extui %bitcast_convert_type3A_16 : vector<12x10240xi16> to vector<12x10240xi32>
    %shift_left3A = arith.constant 16 : i32
    %shift_left3A_18 = vector.broadcast %shift_left3A : i32 to vector<12x10240xi32>
    %shift_left3A_19 = arith.shli %convert_element_type3A_17, %shift_left3A_18 : vector<12x10240xi32>
    %or3A = arith.ori %shift_left3A_19, %convert_element_type3A_14 : vector<12x10240xi32>
    %swap3A_20 = arith.constant 0 : index
    %swap3A_21 = arith.constant 0 : index
    %swap3A_22 = vector.load %arg4[%swap3A_20, %swap3A_21] : memref<12x10240xi32, #tpu.memory_space<vmem>>, vector<12x10240xi32>
    tpu.vector_store %arg4[%swap3A_20, %swap3A_21], %or3A {strides = array<i32>} : memref<12x10240xi32, #tpu.memory_space<vmem>>, vector<12x10240xi32>,
    return
  }
}

module attributes {stable_mosaic.version = 14 : i64} {
  func.func @body(%arg0: i32, %arg1: memref<192x2048xf32, #tpu.memory_space<vmem>>, %arg2: memref<24x2048xf32, #tpu.memory_space<vmem>>, %arg3: memref<1x2048xf32, #tpu.memory_space<vmem>>, %arg4: memref<32x2xf32, #tpu.memory_space<vmem>>, %arg5: memref<32x1xf32, #tpu.memory_space<vmem>>, %arg6: memref<32x2xf32, #tpu.memory_space<vmem>>, %arg7: memref<32x1xf32, #tpu.memory_space<vmem>>, %arg8: memref<1x12xf32, #tpu.memory_space<smem>>, %arg9: memref<12x32xf32, #tpu.memory_space<vmem>>, %arg10: memref<12x1xf32, #tpu.memory_space<vmem>>, %arg11: memref<12x2048xf32, #tpu.memory_space<vmem>>) attributes {dimension_semantics = [#tpu.dimension_semantics<arbitrary>], iteration_bounds = array<i64: 5>, scalar_prefetch = 0 : i64, scratch_operands = 0 : i64, tpu.core_type = #tpu.core_type<tc>, window_params = [{transform_indices = @transform_0, window_bounds = array<i64: 192, 2048>}, {transform_indices = @transform_1, window_bounds = array<i64: 24, 2048>}, {transform_indices = @transform_2, window_bounds = array<i64: 1, 2048>}, {pipeline_mode = #tpu.pipeline_mode<synchronous>, transform_indices = @transform_3, window_bounds = array<i64: 32, 2>}, {pipeline_mode = #tpu.pipeline_mode<synchronous>, transform_indices = @transform_4, window_bounds = array<i64: 32, 1>}, {pipeline_mode = #tpu.pipeline_mode<synchronous>, transform_indices = @transform_5, window_bounds = array<i64: 32, 2>}, {pipeline_mode = #tpu.pipeline_mode<synchronous>, transform_indices = @transform_6, window_bounds = array<i64: 32, 1>}, {transform_indices = @transform_7, window_bounds = array<i64: 1, 12>}, {pipeline_mode = #tpu.pipeline_mode<synchronous>, transform_indices = @transform_8, window_bounds = array<i64: 12, 32>}, {pipeline_mode = #tpu.pipeline_mode<synchronous>, transform_indices = @transform_9, window_bounds = array<i64: 12, 1>}, {transform_indices = @transform_10, window_bounds = array<i64: 12, 2048>}]} {
    %get3A = arith.constant 0 : index
    %get3A_0 = arith.constant 0 : index
    %get3A_1 = vector.load %arg1[%get3A, %get3A_0] : memref<192x2048xf32, #tpu.memory_space<vmem>>, vector<192x2048xf32>
    %slice3A = vector.extract_strided_slice %get3A_1 {offsets = [0, 0], sizes = [24, 2048], strides = [1, 1]} : vector<192x2048xf32> to vector<24x2048xf32>
    %add3A = arith.constant 0.000000e+00 : f32
    %add3A_2 = vector.broadcast %add3A : f32 to vector<24x2048xf32>
    %add3A_3 = arith.addf %add3A_2, %slice3A : vector<24x2048xf32>
    %slice3A_4 = vector.extract_strided_slice %get3A_1 {offsets = [24, 0], sizes = [24, 2048], strides = [1, 1]} : vector<192x2048xf32> to vector<24x2048xf32>
    %add3A_5 = arith.addf %add3A_3, %slice3A_4 : vector<24x2048xf32>
    %slice3A_6 = vector.extract_strided_slice %get3A_1 {offsets = [48, 0], sizes = [24, 2048], strides = [1, 1]} : vector<192x2048xf32> to vector<24x2048xf32>
    %add3A_7 = arith.addf %add3A_5, %slice3A_6 : vector<24x2048xf32>
    %slice3A_8 = vector.extract_strided_slice %get3A_1 {offsets = [72, 0], sizes = [24, 2048], strides = [1, 1]} : vector<192x2048xf32> to vector<24x2048xf32>
    %add3A_9 = arith.addf %add3A_7, %slice3A_8 : vector<24x2048xf32>
    %slice3A_10 = vector.extract_strided_slice %get3A_1 {offsets = [96, 0], sizes = [24, 2048], strides = [1, 1]} : vector<192x2048xf32> to vector<24x2048xf32>
    %add3A_11 = arith.addf %add3A_9, %slice3A_10 : vector<24x2048xf32>
    %slice3A_12 = vector.extract_strided_slice %get3A_1 {offsets = [120, 0], sizes = [24, 2048], strides = [1, 1]} : vector<192x2048xf32> to vector<24x2048xf32>
    %add3A_13 = arith.addf %add3A_11, %slice3A_12 : vector<24x2048xf32>
    %slice3A_14 = vector.extract_strided_slice %get3A_1 {offsets = [144, 0], sizes = [24, 2048], strides = [1, 1]} : vector<192x2048xf32> to vector<24x2048xf32>
    %add3A_15 = arith.addf %add3A_13, %slice3A_14 : vector<24x2048xf32>
    %slice3A_16 = vector.extract_strided_slice %get3A_1 {offsets = [168, 0], sizes = [24, 2048], strides = [1, 1]} : vector<192x2048xf32> to vector<24x2048xf32>
    %add3A_17 = arith.addf %add3A_15, %slice3A_16 : vector<24x2048xf32>
    %get3A_18 = arith.constant 0 : index
    %get3A_19 = arith.constant 0 : index
    %get3A_20 = vector.load %arg3[%get3A_18, %get3A_19] : memref<1x2048xf32, #tpu.memory_space<vmem>>, vector<1x2048xf32>
    %get3A_21 = arith.constant 0 : index
    %get3A_22 = arith.constant 0 : index
    %get3A_23 = vector.load %arg2[%get3A_21, %get3A_22] : memref<24x2048xf32, #tpu.memory_space<vmem>>, vector<24x2048xf32>
    %add3A_24 = arith.addf %add3A_17, %get3A_23 : vector<24x2048xf32>
    %mul3A = vector.broadcast %get3A_20 : vector<1x2048xf32> to vector<24x2048xf32>
    %mul3A_25 = arith.mulf %mul3A, %add3A_24 : vector<24x2048xf32>
    %get3A_26 = arith.constant 0 : index
    %get3A_27 = arith.constant 0 : index
    %get3A_28 = vector.load %arg4[%get3A_26, %get3A_27] : memref<32x2xf32, #tpu.memory_space<vmem>>, vector<32x2xf32>
    %get3A_29 = arith.constant 0 : index
    %get3A_30 = arith.constant 0 : index
    %get3A_31 = vector.load %arg6[%get3A_29, %get3A_30] : memref<32x2xf32, #tpu.memory_space<vmem>>, vector<32x2xf32>
    %get3A_32 = arith.constant 0 : index
    %get3A_33 = arith.constant 0 : index
    %get3A_34 = vector.load %arg5[%get3A_32, %get3A_33] : memref<32x1xf32, #tpu.memory_space<vmem>>, vector<32x1xf32>
    %get3A_35 = arith.constant 0 : index
    %get3A_36 = arith.constant 0 : index
    %get3A_37 = vector.load %arg7[%get3A_35, %get3A_36] : memref<32x1xf32, #tpu.memory_space<vmem>>, vector<32x1xf32>
    %broadcast_in_dim3A = arith.constant 0.000000e+00 : f32
    %broadcast_in_dim3A_38 = vector.broadcast %broadcast_in_dim3A : f32 to vector<32x2048xf32>
    %slice3A_39 = vector.extract_strided_slice %mul3A_25 {offsets = [0, 0], sizes = [1, 2048], strides = [1, 1]} : vector<24x2048xf32> to vector<1x2048xf32>
    %slice3A_40 = vector.extract_strided_slice %mul3A_25 {offsets = [12, 0], sizes = [1, 2048], strides = [1, 1]} : vector<24x2048xf32> to vector<1x2048xf32>
    %slice3A_41 = vector.extract_strided_slice %get3A_28 {offsets = [0, 0], sizes = [32, 1], strides = [1, 1]} : vector<32x2xf32> to vector<32x1xf32>
    %mul3A_42 = vector.broadcast %slice3A_41 : vector<32x1xf32> to vector<32x2048xf32>
    %mul3A_43 = vector.broadcast %slice3A_39 : vector<1x2048xf32> to vector<32x2048xf32>
    %mul3A_44 = arith.mulf %mul3A_42, %mul3A_43 : vector<32x2048xf32>
    %slice3A_45 = vector.extract_strided_slice %get3A_28 {offsets = [0, 1], sizes = [32, 1], strides = [1, 1]} : vector<32x2xf32> to vector<32x1xf32>
    %mul3A_46 = vector.broadcast %slice3A_45 : vector<32x1xf32> to vector<32x2048xf32>
    %mul3A_47 = vector.broadcast %slice3A_40 : vector<1x2048xf32> to vector<32x2048xf32>
    %mul3A_48 = arith.mulf %mul3A_46, %mul3A_47 : vector<32x2048xf32>
    %add3A_49 = arith.addf %mul3A_44, %mul3A_48 : vector<32x2048xf32>
    %add3A_50 = vector.broadcast %get3A_34 : vector<32x1xf32> to vector<32x2048xf32>
    %add3A_51 = arith.addf %add3A_49, %add3A_50 : vector<32x2048xf32>
    %tanh3A = math.tanh %add3A_51 : vector<32x2048xf32>
    %slice3A_52 = vector.extract_strided_slice %get3A_31 {offsets = [0, 0], sizes = [32, 1], strides = [1, 1]} : vector<32x2xf32> to vector<32x1xf32>
    %mul3A_53 = vector.broadcast %slice3A_52 : vector<32x1xf32> to vector<32x2048xf32>
    %mul3A_54 = vector.broadcast %slice3A_39 : vector<1x2048xf32> to vector<32x2048xf32>
    %mul3A_55 = arith.mulf %mul3A_53, %mul3A_54 : vector<32x2048xf32>
    %slice3A_56 = vector.extract_strided_slice %get3A_31 {offsets = [0, 1], sizes = [32, 1], strides = [1, 1]} : vector<32x2xf32> to vector<32x1xf32>
    %mul3A_57 = vector.broadcast %slice3A_56 : vector<32x1xf32> to vector<32x2048xf32>
    %mul3A_58 = vector.broadcast %slice3A_40 : vector<1x2048xf32> to vector<32x2048xf32>
    %mul3A_59 = arith.mulf %mul3A_57, %mul3A_58 : vector<32x2048xf32>
    %add3A_60 = arith.addf %mul3A_55, %mul3A_59 : vector<32x2048xf32>
    %add3A_61 = vector.broadcast %get3A_37 : vector<32x1xf32> to vector<32x2048xf32>
    %add3A_62 = arith.addf %add3A_60, %add3A_61 : vector<32x2048xf32>
    %tanh3A_63 = math.tanh %add3A_62 : vector<32x2048xf32>
    %get3A_64 = arith.constant 0 : index
    %get3A_65 = arith.constant 0 : index
    %get3A_66 = memref.load %arg8[%get3A_64, %get3A_65] : memref<1x12xf32, #tpu.memory_space<smem>>
    %add3A_67 = arith.constant 1.000000e+00 : f32
    %add3A_68 = vector.broadcast %add3A_67 : f32 to vector<32x2048xf32>
    %add3A_69 = arith.addf %add3A_68, %tanh3A : vector<32x2048xf32>
    %mul3A_70 = arith.mulf %add3A_69, %tanh3A_63 : vector<32x2048xf32>
    %mul3A_71 = vector.broadcast %get3A_66 : f32 to vector<32x2048xf32>
    %mul3A_72 = arith.mulf %mul3A_71, %mul3A_70 : vector<32x2048xf32>
    %add3A_73 = arith.addf %broadcast_in_dim3A_38, %mul3A_72 : vector<32x2048xf32>
    %slice3A_74 = vector.extract_strided_slice %mul3A_25 {offsets = [1, 0], sizes = [1, 2048], strides = [1, 1]} : vector<24x2048xf32> to vector<1x2048xf32>
    %slice3A_75 = vector.extract_strided_slice %mul3A_25 {offsets = [13, 0], sizes = [1, 2048], strides = [1, 1]} : vector<24x2048xf32> to vector<1x2048xf32>
    %slice3A_76 = vector.extract_strided_slice %get3A_28 {offsets = [0, 0], sizes = [32, 1], strides = [1, 1]} : vector<32x2xf32> to vector<32x1xf32>
    %mul3A_77 = vector.broadcast %slice3A_76 : vector<32x1xf32> to vector<32x2048xf32>
    %mul3A_78 = vector.broadcast %slice3A_74 : vector<1x2048xf32> to vector<32x2048xf32>
    %mul3A_79 = arith.mulf %mul3A_77, %mul3A_78 : vector<32x2048xf32>
    %slice3A_80 = vector.extract_strided_slice %get3A_28 {offsets = [0, 1], sizes = [32, 1], strides = [1, 1]} : vector<32x2xf32> to vector<32x1xf32>
    %mul3A_81 = vector.broadcast %slice3A_80 : vector<32x1xf32> to vector<32x2048xf32>
    %mul3A_82 = vector.broadcast %slice3A_75 : vector<1x2048xf32> to vector<32x2048xf32>
    %mul3A_83 = arith.mulf %mul3A_81, %mul3A_82 : vector<32x2048xf32>
    %add3A_84 = arith.addf %mul3A_79, %mul3A_83 : vector<32x2048xf32>
    %add3A_85 = vector.broadcast %get3A_34 : vector<32x1xf32> to vector<32x2048xf32>
    %add3A_86 = arith.addf %add3A_84, %add3A_85 : vector<32x2048xf32>
    %tanh3A_87 = math.tanh %add3A_86 : vector<32x2048xf32>
    %slice3A_88 = vector.extract_strided_slice %get3A_31 {offsets = [0, 0], sizes = [32, 1], strides = [1, 1]} : vector<32x2xf32> to vector<32x1xf32>
    %mul3A_89 = vector.broadcast %slice3A_88 : vector<32x1xf32> to vector<32x2048xf32>
    %mul3A_90 = vector.broadcast %slice3A_74 : vector<1x2048xf32> to vector<32x2048xf32>
    %mul3A_91 = arith.mulf %mul3A_89, %mul3A_90 : vector<32x2048xf32>
    %slice3A_92 = vector.extract_strided_slice %get3A_31 {offsets = [0, 1], sizes = [32, 1], strides = [1, 1]} : vector<32x2xf32> to vector<32x1xf32>
    %mul3A_93 = vector.broadcast %slice3A_92 : vector<32x1xf32> to vector<32x2048xf32>
    %mul3A_94 = vector.broadcast %slice3A_75 : vector<1x2048xf32> to vector<32x2048xf32>
    %mul3A_95 = arith.mulf %mul3A_93, %mul3A_94 : vector<32x2048xf32>
    %add3A_96 = arith.addf %mul3A_91, %mul3A_95 : vector<32x2048xf32>
    %add3A_97 = vector.broadcast %get3A_37 : vector<32x1xf32> to vector<32x2048xf32>
    %add3A_98 = arith.addf %add3A_96, %add3A_97 : vector<32x2048xf32>
    %tanh3A_99 = math.tanh %add3A_98 : vector<32x2048xf32>
    %get3A_100 = arith.constant 0 : index
    %get3A_101 = arith.constant 1 : index
    %get3A_102 = memref.load %arg8[%get3A_100, %get3A_101] : memref<1x12xf32, #tpu.memory_space<smem>>
    %add3A_103 = arith.constant 1.000000e+00 : f32
    %add3A_104 = vector.broadcast %add3A_103 : f32 to vector<32x2048xf32>
    %add3A_105 = arith.addf %add3A_104, %tanh3A_87 : vector<32x2048xf32>
    %mul3A_106 = arith.mulf %add3A_105, %tanh3A_99 : vector<32x2048xf32>
    %mul3A_107 = vector.broadcast %get3A_102 : f32 to vector<32x2048xf32>
    %mul3A_108 = arith.mulf %mul3A_107, %mul3A_106 : vector<32x2048xf32>
    %add3A_109 = arith.addf %add3A_73, %mul3A_108 : vector<32x2048xf32>
    %slice3A_110 = vector.extract_strided_slice %mul3A_25 {offsets = [2, 0], sizes = [1, 2048], strides = [1, 1]} : vector<24x2048xf32> to vector<1x2048xf32>
    %slice3A_111 = vector.extract_strided_slice %mul3A_25 {offsets = [14, 0], sizes = [1, 2048], strides = [1, 1]} : vector<24x2048xf32> to vector<1x2048xf32>
    %slice3A_112 = vector.extract_strided_slice %get3A_28 {offsets = [0, 0], sizes = [32, 1], strides = [1, 1]} : vector<32x2xf32> to vector<32x1xf32>
    %mul3A_113 = vector.broadcast %slice3A_112 : vector<32x1xf32> to vector<32x2048xf32>
    %mul3A_114 = vector.broadcast %slice3A_110 : vector<1x2048xf32> to vector<32x2048xf32>
    %mul3A_115 = arith.mulf %mul3A_113, %mul3A_114 : vector<32x2048xf32>
    %slice3A_116 = vector.extract_strided_slice %get3A_28 {offsets = [0, 1], sizes = [32, 1], strides = [1, 1]} : vector<32x2xf32> to vector<32x1xf32>
    %mul3A_117 = vector.broadcast %slice3A_116 : vector<32x1xf32> to vector<32x2048xf32>
    %mul3A_118 = vector.broadcast %slice3A_111 : vector<1x2048xf32> to vector<32x2048xf32>
    %mul3A_119 = arith.mulf %mul3A_117, %mul3A_118 : vector<32x2048xf32>
    %add3A_120 = arith.addf %mul3A_115, %mul3A_119 : vector<32x2048xf32>
    %add3A_121 = vector.broadcast %get3A_34 : vector<32x1xf32> to vector<32x2048xf32>
    %add3A_122 = arith.addf %add3A_120, %add3A_121 : vector<32x2048xf32>
    %tanh3A_123 = math.tanh %add3A_122 : vector<32x2048xf32>
    %slice3A_124 = vector.extract_strided_slice %get3A_31 {offsets = [0, 0], sizes = [32, 1], strides = [1, 1]} : vector<32x2xf32> to vector<32x1xf32>
    %mul3A_125 = vector.broadcast %slice3A_124 : vector<32x1xf32> to vector<32x2048xf32>
    %mul3A_126 = vector.broadcast %slice3A_110 : vector<1x2048xf32> to vector<32x2048xf32>
    %mul3A_127 = arith.mulf %mul3A_125, %mul3A_126 : vector<32x2048xf32>
    %slice3A_128 = vector.extract_strided_slice %get3A_31 {offsets = [0, 1], sizes = [32, 1], strides = [1, 1]} : vector<32x2xf32> to vector<32x1xf32>
    %mul3A_129 = vector.broadcast %slice3A_128 : vector<32x1xf32> to vector<32x2048xf32>
    %mul3A_130 = vector.broadcast %slice3A_111 : vector<1x2048xf32> to vector<32x2048xf32>
    %mul3A_131 = arith.mulf %mul3A_129, %mul3A_130 : vector<32x2048xf32>
    %add3A_132 = arith.addf %mul3A_127, %mul3A_131 : vector<32x2048xf32>
    %add3A_133 = vector.broadcast %get3A_37 : vector<32x1xf32> to vector<32x2048xf32>
    %add3A_134 = arith.addf %add3A_132, %add3A_133 : vector<32x2048xf32>
    %tanh3A_135 = math.tanh %add3A_134 : vector<32x2048xf32>
    %get3A_136 = arith.constant 0 : index
    %get3A_137 = arith.constant 2 : index
    %get3A_138 = memref.load %arg8[%get3A_136, %get3A_137] : memref<1x12xf32, #tpu.memory_space<smem>>
    %add3A_139 = arith.constant 1.000000e+00 : f32
    %add3A_140 = vector.broadcast %add3A_139 : f32 to vector<32x2048xf32>
    %add3A_141 = arith.addf %add3A_140, %tanh3A_123 : vector<32x2048xf32>
    %mul3A_142 = arith.mulf %add3A_141, %tanh3A_135 : vector<32x2048xf32>
    %mul3A_143 = vector.broadcast %get3A_138 : f32 to vector<32x2048xf32>
    %mul3A_144 = arith.mulf %mul3A_143, %mul3A_142 : vector<32x2048xf32>
    %add3A_145 = arith.addf %add3A_109, %mul3A_144 : vector<32x2048xf32>
    %slice3A_146 = vector.extract_strided_slice %mul3A_25 {offsets = [3, 0], sizes = [1, 2048], strides = [1, 1]} : vector<24x2048xf32> to vector<1x2048xf32>
    %slice3A_147 = vector.extract_strided_slice %mul3A_25 {offsets = [15, 0], sizes = [1, 2048], strides = [1, 1]} : vector<24x2048xf32> to vector<1x2048xf32>
    %slice3A_148 = vector.extract_strided_slice %get3A_28 {offsets = [0, 0], sizes = [32, 1], strides = [1, 1]} : vector<32x2xf32> to vector<32x1xf32>
    %mul3A_149 = vector.broadcast %slice3A_148 : vector<32x1xf32> to vector<32x2048xf32>
    %mul3A_150 = vector.broadcast %slice3A_146 : vector<1x2048xf32> to vector<32x2048xf32>
    %mul3A_151 = arith.mulf %mul3A_149, %mul3A_150 : vector<32x2048xf32>
    %slice3A_152 = vector.extract_strided_slice %get3A_28 {offsets = [0, 1], sizes = [32, 1], strides = [1, 1]} : vector<32x2xf32> to vector<32x1xf32>
    %mul3A_153 = vector.broadcast %slice3A_152 : vector<32x1xf32> to vector<32x2048xf32>
    %mul3A_154 = vector.broadcast %slice3A_147 : vector<1x2048xf32> to vector<32x2048xf32>
    %mul3A_155 = arith.mulf %mul3A_153, %mul3A_154 : vector<32x2048xf32>
    %add3A_156 = arith.addf %mul3A_151, %mul3A_155 : vector<32x2048xf32>
    %add3A_157 = vector.broadcast %get3A_34 : vector<32x1xf32> to vector<32x2048xf32>
    %add3A_158 = arith.addf %add3A_156, %add3A_157 : vector<32x2048xf32>
    %tanh3A_159 = math.tanh %add3A_158 : vector<32x2048xf32>
    %slice3A_160 = vector.extract_strided_slice %get3A_31 {offsets = [0, 0], sizes = [32, 1], strides = [1, 1]} : vector<32x2xf32> to vector<32x1xf32>
    %mul3A_161 = vector.broadcast %slice3A_160 : vector<32x1xf32> to vector<32x2048xf32>
    %mul3A_162 = vector.broadcast %slice3A_146 : vector<1x2048xf32> to vector<32x2048xf32>
    %mul3A_163 = arith.mulf %mul3A_161, %mul3A_162 : vector<32x2048xf32>
    %slice3A_164 = vector.extract_strided_slice %get3A_31 {offsets = [0, 1], sizes = [32, 1], strides = [1, 1]} : vector<32x2xf32> to vector<32x1xf32>
    %mul3A_165 = vector.broadcast %slice3A_164 : vector<32x1xf32> to vector<32x2048xf32>
    %mul3A_166 = vector.broadcast %slice3A_147 : vector<1x2048xf32> to vector<32x2048xf32>
    %mul3A_167 = arith.mulf %mul3A_165, %mul3A_166 : vector<32x2048xf32>
    %add3A_168 = arith.addf %mul3A_163, %mul3A_167 : vector<32x2048xf32>
    %add3A_169 = vector.broadcast %get3A_37 : vector<32x1xf32> to vector<32x2048xf32>
    %add3A_170 = arith.addf %add3A_168, %add3A_169 : vector<32x2048xf32>
    %tanh3A_171 = math.tanh %add3A_170 : vector<32x2048xf32>
    %get3A_172 = arith.constant 0 : index
    %get3A_173 = arith.constant 3 : index
    %get3A_174 = memref.load %arg8[%get3A_172, %get3A_173] : memref<1x12xf32, #tpu.memory_space<smem>>
    %add3A_175 = arith.constant 1.000000e+00 : f32
    %add3A_176 = vector.broadcast %add3A_175 : f32 to vector<32x2048xf32>
    %add3A_177 = arith.addf %add3A_176, %tanh3A_159 : vector<32x2048xf32>
    %mul3A_178 = arith.mulf %add3A_177, %tanh3A_171 : vector<32x2048xf32>
    %mul3A_179 = vector.broadcast %get3A_174 : f32 to vector<32x2048xf32>
    %mul3A_180 = arith.mulf %mul3A_179, %mul3A_178 : vector<32x2048xf32>
    %add3A_181 = arith.addf %add3A_145, %mul3A_180 : vector<32x2048xf32>
    %slice3A_182 = vector.extract_strided_slice %mul3A_25 {offsets = [4, 0], sizes = [1, 2048], strides = [1, 1]} : vector<24x2048xf32> to vector<1x2048xf32>
    %slice3A_183 = vector.extract_strided_slice %mul3A_25 {offsets = [16, 0], sizes = [1, 2048], strides = [1, 1]} : vector<24x2048xf32> to vector<1x2048xf32>
    %slice3A_184 = vector.extract_strided_slice %get3A_28 {offsets = [0, 0], sizes = [32, 1], strides = [1, 1]} : vector<32x2xf32> to vector<32x1xf32>
    %mul3A_185 = vector.broadcast %slice3A_184 : vector<32x1xf32> to vector<32x2048xf32>
    %mul3A_186 = vector.broadcast %slice3A_182 : vector<1x2048xf32> to vector<32x2048xf32>
    %mul3A_187 = arith.mulf %mul3A_185, %mul3A_186 : vector<32x2048xf32>
    %slice3A_188 = vector.extract_strided_slice %get3A_28 {offsets = [0, 1], sizes = [32, 1], strides = [1, 1]} : vector<32x2xf32> to vector<32x1xf32>
    %mul3A_189 = vector.broadcast %slice3A_188 : vector<32x1xf32> to vector<32x2048xf32>
    %mul3A_190 = vector.broadcast %slice3A_183 : vector<1x2048xf32> to vector<32x2048xf32>
    %mul3A_191 = arith.mulf %mul3A_189, %mul3A_190 : vector<32x2048xf32>
    %add3A_192 = arith.addf %mul3A_187, %mul3A_191 : vector<32x2048xf32>
    %add3A_193 = vector.broadcast %get3A_34 : vector<32x1xf32> to vector<32x2048xf32>
    %add3A_194 = arith.addf %add3A_192, %add3A_193 : vector<32x2048xf32>
    %tanh3A_195 = math.tanh %add3A_194 : vector<32x2048xf32>
    %slice3A_196 = vector.extract_strided_slice %get3A_31 {offsets = [0, 0], sizes = [32, 1], strides = [1, 1]} : vector<32x2xf32> to vector<32x1xf32>
    %mul3A_197 = vector.broadcast %slice3A_196 : vector<32x1xf32> to vector<32x2048xf32>
    %mul3A_198 = vector.broadcast %slice3A_182 : vector<1x2048xf32> to vector<32x2048xf32>
    %mul3A_199 = arith.mulf %mul3A_197, %mul3A_198 : vector<32x2048xf32>
    %slice3A_200 = vector.extract_strided_slice %get3A_31 {offsets = [0, 1], sizes = [32, 1], strides = [1, 1]} : vector<32x2xf32> to vector<32x1xf32>
    %mul3A_201 = vector.broadcast %slice3A_200 : vector<32x1xf32> to vector<32x2048xf32>
    %mul3A_202 = vector.broadcast %slice3A_183 : vector<1x2048xf32> to vector<32x2048xf32>
    %mul3A_203 = arith.mulf %mul3A_201, %mul3A_202 : vector<32x2048xf32>
    %add3A_204 = arith.addf %mul3A_199, %mul3A_203 : vector<32x2048xf32>
    %add3A_205 = vector.broadcast %get3A_37 : vector<32x1xf32> to vector<32x2048xf32>
    %add3A_206 = arith.addf %add3A_204, %add3A_205 : vector<32x2048xf32>
    %tanh3A_207 = math.tanh %add3A_206 : vector<32x2048xf32>
    %get3A_208 = arith.constant 0 : index
    %get3A_209 = arith.constant 4 : index
    %get3A_210 = memref.load %arg8[%get3A_208, %get3A_209] : memref<1x12xf32, #tpu.memory_space<smem>>
    %add3A_211 = arith.constant 1.000000e+00 : f32
    %add3A_212 = vector.broadcast %add3A_211 : f32 to vector<32x2048xf32>
    %add3A_213 = arith.addf %add3A_212, %tanh3A_195 : vector<32x2048xf32>
    %mul3A_214 = arith.mulf %add3A_213, %tanh3A_207 : vector<32x2048xf32>
    %mul3A_215 = vector.broadcast %get3A_210 : f32 to vector<32x2048xf32>
    %mul3A_216 = arith.mulf %mul3A_215, %mul3A_214 : vector<32x2048xf32>
    %add3A_217 = arith.addf %add3A_181, %mul3A_216 : vector<32x2048xf32>
    %slice3A_218 = vector.extract_strided_slice %mul3A_25 {offsets = [5, 0], sizes = [1, 2048], strides = [1, 1]} : vector<24x2048xf32> to vector<1x2048xf32>
    %slice3A_219 = vector.extract_strided_slice %mul3A_25 {offsets = [17, 0], sizes = [1, 2048], strides = [1, 1]} : vector<24x2048xf32> to vector<1x2048xf32>
    %slice3A_220 = vector.extract_strided_slice %get3A_28 {offsets = [0, 0], sizes = [32, 1], strides = [1, 1]} : vector<32x2xf32> to vector<32x1xf32>
    %mul3A_221 = vector.broadcast %slice3A_220 : vector<32x1xf32> to vector<32x2048xf32>
    %mul3A_222 = vector.broadcast %slice3A_218 : vector<1x2048xf32> to vector<32x2048xf32>
    %mul3A_223 = arith.mulf %mul3A_221, %mul3A_222 : vector<32x2048xf32>
    %slice3A_224 = vector.extract_strided_slice %get3A_28 {offsets = [0, 1], sizes = [32, 1], strides = [1, 1]} : vector<32x2xf32> to vector<32x1xf32>
    %mul3A_225 = vector.broadcast %slice3A_224 : vector<32x1xf32> to vector<32x2048xf32>
    %mul3A_226 = vector.broadcast %slice3A_219 : vector<1x2048xf32> to vector<32x2048xf32>
    %mul3A_227 = arith.mulf %mul3A_225, %mul3A_226 : vector<32x2048xf32>
    %add3A_228 = arith.addf %mul3A_223, %mul3A_227 : vector<32x2048xf32>
    %add3A_229 = vector.broadcast %get3A_34 : vector<32x1xf32> to vector<32x2048xf32>
    %add3A_230 = arith.addf %add3A_228, %add3A_229 : vector<32x2048xf32>
    %tanh3A_231 = math.tanh %add3A_230 : vector<32x2048xf32>
    %slice3A_232 = vector.extract_strided_slice %get3A_31 {offsets = [0, 0], sizes = [32, 1], strides = [1, 1]} : vector<32x2xf32> to vector<32x1xf32>
    %mul3A_233 = vector.broadcast %slice3A_232 : vector<32x1xf32> to vector<32x2048xf32>
    %mul3A_234 = vector.broadcast %slice3A_218 : vector<1x2048xf32> to vector<32x2048xf32>
    %mul3A_235 = arith.mulf %mul3A_233, %mul3A_234 : vector<32x2048xf32>
    %slice3A_236 = vector.extract_strided_slice %get3A_31 {offsets = [0, 1], sizes = [32, 1], strides = [1, 1]} : vector<32x2xf32> to vector<32x1xf32>
    %mul3A_237 = vector.broadcast %slice3A_236 : vector<32x1xf32> to vector<32x2048xf32>
    %mul3A_238 = vector.broadcast %slice3A_219 : vector<1x2048xf32> to vector<32x2048xf32>
    %mul3A_239 = arith.mulf %mul3A_237, %mul3A_238 : vector<32x2048xf32>
    %add3A_240 = arith.addf %mul3A_235, %mul3A_239 : vector<32x2048xf32>
    %add3A_241 = vector.broadcast %get3A_37 : vector<32x1xf32> to vector<32x2048xf32>
    %add3A_242 = arith.addf %add3A_240, %add3A_241 : vector<32x2048xf32>
    %tanh3A_243 = math.tanh %add3A_242 : vector<32x2048xf32>
    %get3A_244 = arith.constant 0 : index
    %get3A_245 = arith.constant 5 : index
    %get3A_246 = memref.load %arg8[%get3A_244, %get3A_245] : memref<1x12xf32, #tpu.memory_space<smem>>
    %add3A_247 = arith.constant 1.000000e+00 : f32
    %add3A_248 = vector.broadcast %add3A_247 : f32 to vector<32x2048xf32>
    %add3A_249 = arith.addf %add3A_248, %tanh3A_231 : vector<32x2048xf32>
    %mul3A_250 = arith.mulf %add3A_249, %tanh3A_243 : vector<32x2048xf32>
    %mul3A_251 = vector.broadcast %get3A_246 : f32 to vector<32x2048xf32>
    %mul3A_252 = arith.mulf %mul3A_251, %mul3A_250 : vector<32x2048xf32>
    %add3A_253 = arith.addf %add3A_217, %mul3A_252 : vector<32x2048xf32>
    %slice3A_254 = vector.extract_strided_slice %mul3A_25 {offsets = [6, 0], sizes = [1, 2048], strides = [1, 1]} : vector<24x2048xf32> to vector<1x2048xf32>
    %slice3A_255 = vector.extract_strided_slice %mul3A_25 {offsets = [18, 0], sizes = [1, 2048], strides = [1, 1]} : vector<24x2048xf32> to vector<1x2048xf32>
    %slice3A_256 = vector.extract_strided_slice %get3A_28 {offsets = [0, 0], sizes = [32, 1], strides = [1, 1]} : vector<32x2xf32> to vector<32x1xf32>
    %mul3A_257 = vector.broadcast %slice3A_256 : vector<32x1xf32> to vector<32x2048xf32>
    %mul3A_258 = vector.broadcast %slice3A_254 : vector<1x2048xf32> to vector<32x2048xf32>
    %mul3A_259 = arith.mulf %mul3A_257, %mul3A_258 : vector<32x2048xf32>
    %slice3A_260 = vector.extract_strided_slice %get3A_28 {offsets = [0, 1], sizes = [32, 1], strides = [1, 1]} : vector<32x2xf32> to vector<32x1xf32>
    %mul3A_261 = vector.broadcast %slice3A_260 : vector<32x1xf32> to vector<32x2048xf32>
    %mul3A_262 = vector.broadcast %slice3A_255 : vector<1x2048xf32> to vector<32x2048xf32>
    %mul3A_263 = arith.mulf %mul3A_261, %mul3A_262 : vector<32x2048xf32>
    %add3A_264 = arith.addf %mul3A_259, %mul3A_263 : vector<32x2048xf32>
    %add3A_265 = vector.broadcast %get3A_34 : vector<32x1xf32> to vector<32x2048xf32>
    %add3A_266 = arith.addf %add3A_264, %add3A_265 : vector<32x2048xf32>
    %tanh3A_267 = math.tanh %add3A_266 : vector<32x2048xf32>
    %slice3A_268 = vector.extract_strided_slice %get3A_31 {offsets = [0, 0], sizes = [32, 1], strides = [1, 1]} : vector<32x2xf32> to vector<32x1xf32>
    %mul3A_269 = vector.broadcast %slice3A_268 : vector<32x1xf32> to vector<32x2048xf32>
    %mul3A_270 = vector.broadcast %slice3A_254 : vector<1x2048xf32> to vector<32x2048xf32>
    %mul3A_271 = arith.mulf %mul3A_269, %mul3A_270 : vector<32x2048xf32>
    %slice3A_272 = vector.extract_strided_slice %get3A_31 {offsets = [0, 1], sizes = [32, 1], strides = [1, 1]} : vector<32x2xf32> to vector<32x1xf32>
    %mul3A_273 = vector.broadcast %slice3A_272 : vector<32x1xf32> to vector<32x2048xf32>
    %mul3A_274 = vector.broadcast %slice3A_255 : vector<1x2048xf32> to vector<32x2048xf32>
    %mul3A_275 = arith.mulf %mul3A_273, %mul3A_274 : vector<32x2048xf32>
    %add3A_276 = arith.addf %mul3A_271, %mul3A_275 : vector<32x2048xf32>
    %add3A_277 = vector.broadcast %get3A_37 : vector<32x1xf32> to vector<32x2048xf32>
    %add3A_278 = arith.addf %add3A_276, %add3A_277 : vector<32x2048xf32>
    %tanh3A_279 = math.tanh %add3A_278 : vector<32x2048xf32>
    %get3A_280 = arith.constant 0 : index
    %get3A_281 = arith.constant 6 : index
    %get3A_282 = memref.load %arg8[%get3A_280, %get3A_281] : memref<1x12xf32, #tpu.memory_space<smem>>
    %add3A_283 = arith.constant 1.000000e+00 : f32
    %add3A_284 = vector.broadcast %add3A_283 : f32 to vector<32x2048xf32>
    %add3A_285 = arith.addf %add3A_284, %tanh3A_267 : vector<32x2048xf32>
    %mul3A_286 = arith.mulf %add3A_285, %tanh3A_279 : vector<32x2048xf32>
    %mul3A_287 = vector.broadcast %get3A_282 : f32 to vector<32x2048xf32>
    %mul3A_288 = arith.mulf %mul3A_287, %mul3A_286 : vector<32x2048xf32>
    %add3A_289 = arith.addf %add3A_253, %mul3A_288 : vector<32x2048xf32>
    %slice3A_290 = vector.extract_strided_slice %mul3A_25 {offsets = [7, 0], sizes = [1, 2048], strides = [1, 1]} : vector<24x2048xf32> to vector<1x2048xf32>
    %slice3A_291 = vector.extract_strided_slice %mul3A_25 {offsets = [19, 0], sizes = [1, 2048], strides = [1, 1]} : vector<24x2048xf32> to vector<1x2048xf32>
    %slice3A_292 = vector.extract_strided_slice %get3A_28 {offsets = [0, 0], sizes = [32, 1], strides = [1, 1]} : vector<32x2xf32> to vector<32x1xf32>
    %mul3A_293 = vector.broadcast %slice3A_292 : vector<32x1xf32> to vector<32x2048xf32>
    %mul3A_294 = vector.broadcast %slice3A_290 : vector<1x2048xf32> to vector<32x2048xf32>
    %mul3A_295 = arith.mulf %mul3A_293, %mul3A_294 : vector<32x2048xf32>
    %slice3A_296 = vector.extract_strided_slice %get3A_28 {offsets = [0, 1], sizes = [32, 1], strides = [1, 1]} : vector<32x2xf32> to vector<32x1xf32>
    %mul3A_297 = vector.broadcast %slice3A_296 : vector<32x1xf32> to vector<32x2048xf32>
    %mul3A_298 = vector.broadcast %slice3A_291 : vector<1x2048xf32> to vector<32x2048xf32>
    %mul3A_299 = arith.mulf %mul3A_297, %mul3A_298 : vector<32x2048xf32>
    %add3A_300 = arith.addf %mul3A_295, %mul3A_299 : vector<32x2048xf32>
    %add3A_301 = vector.broadcast %get3A_34 : vector<32x1xf32> to vector<32x2048xf32>
    %add3A_302 = arith.addf %add3A_300, %add3A_301 : vector<32x2048xf32>
    %tanh3A_303 = math.tanh %add3A_302 : vector<32x2048xf32>
    %slice3A_304 = vector.extract_strided_slice %get3A_31 {offsets = [0, 0], sizes = [32, 1], strides = [1, 1]} : vector<32x2xf32> to vector<32x1xf32>
    %mul3A_305 = vector.broadcast %slice3A_304 : vector<32x1xf32> to vector<32x2048xf32>
    %mul3A_306 = vector.broadcast %slice3A_290 : vector<1x2048xf32> to vector<32x2048xf32>
    %mul3A_307 = arith.mulf %mul3A_305, %mul3A_306 : vector<32x2048xf32>
    %slice3A_308 = vector.extract_strided_slice %get3A_31 {offsets = [0, 1], sizes = [32, 1], strides = [1, 1]} : vector<32x2xf32> to vector<32x1xf32>
    %mul3A_309 = vector.broadcast %slice3A_308 : vector<32x1xf32> to vector<32x2048xf32>
    %mul3A_310 = vector.broadcast %slice3A_291 : vector<1x2048xf32> to vector<32x2048xf32>
    %mul3A_311 = arith.mulf %mul3A_309, %mul3A_310 : vector<32x2048xf32>
    %add3A_312 = arith.addf %mul3A_307, %mul3A_311 : vector<32x2048xf32>
    %add3A_313 = vector.broadcast %get3A_37 : vector<32x1xf32> to vector<32x2048xf32>
    %add3A_314 = arith.addf %add3A_312, %add3A_313 : vector<32x2048xf32>
    %tanh3A_315 = math.tanh %add3A_314 : vector<32x2048xf32>
    %get3A_316 = arith.constant 0 : index
    %get3A_317 = arith.constant 7 : index
    %get3A_318 = memref.load %arg8[%get3A_316, %get3A_317] : memref<1x12xf32, #tpu.memory_space<smem>>
    %add3A_319 = arith.constant 1.000000e+00 : f32
    %add3A_320 = vector.broadcast %add3A_319 : f32 to vector<32x2048xf32>
    %add3A_321 = arith.addf %add3A_320, %tanh3A_303 : vector<32x2048xf32>
    %mul3A_322 = arith.mulf %add3A_321, %tanh3A_315 : vector<32x2048xf32>
    %mul3A_323 = vector.broadcast %get3A_318 : f32 to vector<32x2048xf32>
    %mul3A_324 = arith.mulf %mul3A_323, %mul3A_322 : vector<32x2048xf32>
    %add3A_325 = arith.addf %add3A_289, %mul3A_324 : vector<32x2048xf32>
    %slice3A_326 = vector.extract_strided_slice %mul3A_25 {offsets = [8, 0], sizes = [1, 2048], strides = [1, 1]} : vector<24x2048xf32> to vector<1x2048xf32>
    %slice3A_327 = vector.extract_strided_slice %mul3A_25 {offsets = [20, 0], sizes = [1, 2048], strides = [1, 1]} : vector<24x2048xf32> to vector<1x2048xf32>
    %slice3A_328 = vector.extract_strided_slice %get3A_28 {offsets = [0, 0], sizes = [32, 1], strides = [1, 1]} : vector<32x2xf32> to vector<32x1xf32>
    %mul3A_329 = vector.broadcast %slice3A_328 : vector<32x1xf32> to vector<32x2048xf32>
    %mul3A_330 = vector.broadcast %slice3A_326 : vector<1x2048xf32> to vector<32x2048xf32>
    %mul3A_331 = arith.mulf %mul3A_329, %mul3A_330 : vector<32x2048xf32>
    %slice3A_332 = vector.extract_strided_slice %get3A_28 {offsets = [0, 1], sizes = [32, 1], strides = [1, 1]} : vector<32x2xf32> to vector<32x1xf32>
    %mul3A_333 = vector.broadcast %slice3A_332 : vector<32x1xf32> to vector<32x2048xf32>
    %mul3A_334 = vector.broadcast %slice3A_327 : vector<1x2048xf32> to vector<32x2048xf32>
    %mul3A_335 = arith.mulf %mul3A_333, %mul3A_334 : vector<32x2048xf32>
    %add3A_336 = arith.addf %mul3A_331, %mul3A_335 : vector<32x2048xf32>
    %add3A_337 = vector.broadcast %get3A_34 : vector<32x1xf32> to vector<32x2048xf32>
    %add3A_338 = arith.addf %add3A_336, %add3A_337 : vector<32x2048xf32>
    %tanh3A_339 = math.tanh %add3A_338 : vector<32x2048xf32>
    %slice3A_340 = vector.extract_strided_slice %get3A_31 {offsets = [0, 0], sizes = [32, 1], strides = [1, 1]} : vector<32x2xf32> to vector<32x1xf32>
    %mul3A_341 = vector.broadcast %slice3A_340 : vector<32x1xf32> to vector<32x2048xf32>
    %mul3A_342 = vector.broadcast %slice3A_326 : vector<1x2048xf32> to vector<32x2048xf32>
    %mul3A_343 = arith.mulf %mul3A_341, %mul3A_342 : vector<32x2048xf32>
    %slice3A_344 = vector.extract_strided_slice %get3A_31 {offsets = [0, 1], sizes = [32, 1], strides = [1, 1]} : vector<32x2xf32> to vector<32x1xf32>
    %mul3A_345 = vector.broadcast %slice3A_344 : vector<32x1xf32> to vector<32x2048xf32>
    %mul3A_346 = vector.broadcast %slice3A_327 : vector<1x2048xf32> to vector<32x2048xf32>
    %mul3A_347 = arith.mulf %mul3A_345, %mul3A_346 : vector<32x2048xf32>
    %add3A_348 = arith.addf %mul3A_343, %mul3A_347 : vector<32x2048xf32>
    %add3A_349 = vector.broadcast %get3A_37 : vector<32x1xf32> to vector<32x2048xf32>
    %add3A_350 = arith.addf %add3A_348, %add3A_349 : vector<32x2048xf32>
    %tanh3A_351 = math.tanh %add3A_350 : vector<32x2048xf32>
    %get3A_352 = arith.constant 0 : index
    %get3A_353 = arith.constant 8 : index
    %get3A_354 = memref.load %arg8[%get3A_352, %get3A_353] : memref<1x12xf32, #tpu.memory_space<smem>>
    %add3A_355 = arith.constant 1.000000e+00 : f32
    %add3A_356 = vector.broadcast %add3A_355 : f32 to vector<32x2048xf32>
    %add3A_357 = arith.addf %add3A_356, %tanh3A_339 : vector<32x2048xf32>
    %mul3A_358 = arith.mulf %add3A_357, %tanh3A_351 : vector<32x2048xf32>
    %mul3A_359 = vector.broadcast %get3A_354 : f32 to vector<32x2048xf32>
    %mul3A_360 = arith.mulf %mul3A_359, %mul3A_358 : vector<32x2048xf32>
    %add3A_361 = arith.addf %add3A_325, %mul3A_360 : vector<32x2048xf32>
    %slice3A_362 = vector.extract_strided_slice %mul3A_25 {offsets = [9, 0], sizes = [1, 2048], strides = [1, 1]} : vector<24x2048xf32> to vector<1x2048xf32>
    %slice3A_363 = vector.extract_strided_slice %mul3A_25 {offsets = [21, 0], sizes = [1, 2048], strides = [1, 1]} : vector<24x2048xf32> to vector<1x2048xf32>
    %slice3A_364 = vector.extract_strided_slice %get3A_28 {offsets = [0, 0], sizes = [32, 1], strides = [1, 1]} : vector<32x2xf32> to vector<32x1xf32>
    %mul3A_365 = vector.broadcast %slice3A_364 : vector<32x1xf32> to vector<32x2048xf32>
    %mul3A_366 = vector.broadcast %slice3A_362 : vector<1x2048xf32> to vector<32x2048xf32>
    %mul3A_367 = arith.mulf %mul3A_365, %mul3A_366 : vector<32x2048xf32>
    %slice3A_368 = vector.extract_strided_slice %get3A_28 {offsets = [0, 1], sizes = [32, 1], strides = [1, 1]} : vector<32x2xf32> to vector<32x1xf32>
    %mul3A_369 = vector.broadcast %slice3A_368 : vector<32x1xf32> to vector<32x2048xf32>
    %mul3A_370 = vector.broadcast %slice3A_363 : vector<1x2048xf32> to vector<32x2048xf32>
    %mul3A_371 = arith.mulf %mul3A_369, %mul3A_370 : vector<32x2048xf32>
    %add3A_372 = arith.addf %mul3A_367, %mul3A_371 : vector<32x2048xf32>
    %add3A_373 = vector.broadcast %get3A_34 : vector<32x1xf32> to vector<32x2048xf32>
    %add3A_374 = arith.addf %add3A_372, %add3A_373 : vector<32x2048xf32>
    %tanh3A_375 = math.tanh %add3A_374 : vector<32x2048xf32>
    %slice3A_376 = vector.extract_strided_slice %get3A_31 {offsets = [0, 0], sizes = [32, 1], strides = [1, 1]} : vector<32x2xf32> to vector<32x1xf32>
    %mul3A_377 = vector.broadcast %slice3A_376 : vector<32x1xf32> to vector<32x2048xf32>
    %mul3A_378 = vector.broadcast %slice3A_362 : vector<1x2048xf32> to vector<32x2048xf32>
    %mul3A_379 = arith.mulf %mul3A_377, %mul3A_378 : vector<32x2048xf32>
    %slice3A_380 = vector.extract_strided_slice %get3A_31 {offsets = [0, 1], sizes = [32, 1], strides = [1, 1]} : vector<32x2xf32> to vector<32x1xf32>
    %mul3A_381 = vector.broadcast %slice3A_380 : vector<32x1xf32> to vector<32x2048xf32>
    %mul3A_382 = vector.broadcast %slice3A_363 : vector<1x2048xf32> to vector<32x2048xf32>
    %mul3A_383 = arith.mulf %mul3A_381, %mul3A_382 : vector<32x2048xf32>
    %add3A_384 = arith.addf %mul3A_379, %mul3A_383 : vector<32x2048xf32>
    %add3A_385 = vector.broadcast %get3A_37 : vector<32x1xf32> to vector<32x2048xf32>
    %add3A_386 = arith.addf %add3A_384, %add3A_385 : vector<32x2048xf32>
    %tanh3A_387 = math.tanh %add3A_386 : vector<32x2048xf32>
    %get3A_388 = arith.constant 0 : index
    %get3A_389 = arith.constant 9 : index
    %get3A_390 = memref.load %arg8[%get3A_388, %get3A_389] : memref<1x12xf32, #tpu.memory_space<smem>>
    %add3A_391 = arith.constant 1.000000e+00 : f32
    %add3A_392 = vector.broadcast %add3A_391 : f32 to vector<32x2048xf32>
    %add3A_393 = arith.addf %add3A_392, %tanh3A_375 : vector<32x2048xf32>
    %mul3A_394 = arith.mulf %add3A_393, %tanh3A_387 : vector<32x2048xf32>
    %mul3A_395 = vector.broadcast %get3A_390 : f32 to vector<32x2048xf32>
    %mul3A_396 = arith.mulf %mul3A_395, %mul3A_394 : vector<32x2048xf32>
    %add3A_397 = arith.addf %add3A_361, %mul3A_396 : vector<32x2048xf32>
    %slice3A_398 = vector.extract_strided_slice %mul3A_25 {offsets = [10, 0], sizes = [1, 2048], strides = [1, 1]} : vector<24x2048xf32> to vector<1x2048xf32>
    %slice3A_399 = vector.extract_strided_slice %mul3A_25 {offsets = [22, 0], sizes = [1, 2048], strides = [1, 1]} : vector<24x2048xf32> to vector<1x2048xf32>
    %slice3A_400 = vector.extract_strided_slice %get3A_28 {offsets = [0, 0], sizes = [32, 1], strides = [1, 1]} : vector<32x2xf32> to vector<32x1xf32>
    %mul3A_401 = vector.broadcast %slice3A_400 : vector<32x1xf32> to vector<32x2048xf32>
    %mul3A_402 = vector.broadcast %slice3A_398 : vector<1x2048xf32> to vector<32x2048xf32>
    %mul3A_403 = arith.mulf %mul3A_401, %mul3A_402 : vector<32x2048xf32>
    %slice3A_404 = vector.extract_strided_slice %get3A_28 {offsets = [0, 1], sizes = [32, 1], strides = [1, 1]} : vector<32x2xf32> to vector<32x1xf32>
    %mul3A_405 = vector.broadcast %slice3A_404 : vector<32x1xf32> to vector<32x2048xf32>
    %mul3A_406 = vector.broadcast %slice3A_399 : vector<1x2048xf32> to vector<32x2048xf32>
    %mul3A_407 = arith.mulf %mul3A_405, %mul3A_406 : vector<32x2048xf32>
    %add3A_408 = arith.addf %mul3A_403, %mul3A_407 : vector<32x2048xf32>
    %add3A_409 = vector.broadcast %get3A_34 : vector<32x1xf32> to vector<32x2048xf32>
    %add3A_410 = arith.addf %add3A_408, %add3A_409 : vector<32x2048xf32>
    %tanh3A_411 = math.tanh %add3A_410 : vector<32x2048xf32>
    %slice3A_412 = vector.extract_strided_slice %get3A_31 {offsets = [0, 0], sizes = [32, 1], strides = [1, 1]} : vector<32x2xf32> to vector<32x1xf32>
    %mul3A_413 = vector.broadcast %slice3A_412 : vector<32x1xf32> to vector<32x2048xf32>
    %mul3A_414 = vector.broadcast %slice3A_398 : vector<1x2048xf32> to vector<32x2048xf32>
    %mul3A_415 = arith.mulf %mul3A_413, %mul3A_414 : vector<32x2048xf32>
    %slice3A_416 = vector.extract_strided_slice %get3A_31 {offsets = [0, 1], sizes = [32, 1], strides = [1, 1]} : vector<32x2xf32> to vector<32x1xf32>
    %mul3A_417 = vector.broadcast %slice3A_416 : vector<32x1xf32> to vector<32x2048xf32>
    %mul3A_418 = vector.broadcast %slice3A_399 : vector<1x2048xf32> to vector<32x2048xf32>
    %mul3A_419 = arith.mulf %mul3A_417, %mul3A_418 : vector<32x2048xf32>
    %add3A_420 = arith.addf %mul3A_415, %mul3A_419 : vector<32x2048xf32>
    %add3A_421 = vector.broadcast %get3A_37 : vector<32x1xf32> to vector<32x2048xf32>
    %add3A_422 = arith.addf %add3A_420, %add3A_421 : vector<32x2048xf32>
    %tanh3A_423 = math.tanh %add3A_422 : vector<32x2048xf32>
    %get3A_424 = arith.constant 0 : index
    %get3A_425 = arith.constant 10 : index
    %get3A_426 = memref.load %arg8[%get3A_424, %get3A_425] : memref<1x12xf32, #tpu.memory_space<smem>>
    %add3A_427 = arith.constant 1.000000e+00 : f32
    %add3A_428 = vector.broadcast %add3A_427 : f32 to vector<32x2048xf32>
    %add3A_429 = arith.addf %add3A_428, %tanh3A_411 : vector<32x2048xf32>
    %mul3A_430 = arith.mulf %add3A_429, %tanh3A_423 : vector<32x2048xf32>
    %mul3A_431 = vector.broadcast %get3A_426 : f32 to vector<32x2048xf32>
    %mul3A_432 = arith.mulf %mul3A_431, %mul3A_430 : vector<32x2048xf32>
    %add3A_433 = arith.addf %add3A_397, %mul3A_432 : vector<32x2048xf32>
    %slice3A_434 = vector.extract_strided_slice %mul3A_25 {offsets = [11, 0], sizes = [1, 2048], strides = [1, 1]} : vector<24x2048xf32> to vector<1x2048xf32>
    %slice3A_435 = vector.extract_strided_slice %mul3A_25 {offsets = [23, 0], sizes = [1, 2048], strides = [1, 1]} : vector<24x2048xf32> to vector<1x2048xf32>
    %slice3A_436 = vector.extract_strided_slice %get3A_28 {offsets = [0, 0], sizes = [32, 1], strides = [1, 1]} : vector<32x2xf32> to vector<32x1xf32>
    %mul3A_437 = vector.broadcast %slice3A_436 : vector<32x1xf32> to vector<32x2048xf32>
    %mul3A_438 = vector.broadcast %slice3A_434 : vector<1x2048xf32> to vector<32x2048xf32>
    %mul3A_439 = arith.mulf %mul3A_437, %mul3A_438 : vector<32x2048xf32>
    %slice3A_440 = vector.extract_strided_slice %get3A_28 {offsets = [0, 1], sizes = [32, 1], strides = [1, 1]} : vector<32x2xf32> to vector<32x1xf32>
    %mul3A_441 = vector.broadcast %slice3A_440 : vector<32x1xf32> to vector<32x2048xf32>
    %mul3A_442 = vector.broadcast %slice3A_435 : vector<1x2048xf32> to vector<32x2048xf32>
    %mul3A_443 = arith.mulf %mul3A_441, %mul3A_442 : vector<32x2048xf32>
    %add3A_444 = arith.addf %mul3A_439, %mul3A_443 : vector<32x2048xf32>
    %add3A_445 = vector.broadcast %get3A_34 : vector<32x1xf32> to vector<32x2048xf32>
    %add3A_446 = arith.addf %add3A_444, %add3A_445 : vector<32x2048xf32>
    %tanh3A_447 = math.tanh %add3A_446 : vector<32x2048xf32>
    %slice3A_448 = vector.extract_strided_slice %get3A_31 {offsets = [0, 0], sizes = [32, 1], strides = [1, 1]} : vector<32x2xf32> to vector<32x1xf32>
    %mul3A_449 = vector.broadcast %slice3A_448 : vector<32x1xf32> to vector<32x2048xf32>
    %mul3A_450 = vector.broadcast %slice3A_434 : vector<1x2048xf32> to vector<32x2048xf32>
    %mul3A_451 = arith.mulf %mul3A_449, %mul3A_450 : vector<32x2048xf32>
    %slice3A_452 = vector.extract_strided_slice %get3A_31 {offsets = [0, 1], sizes = [32, 1], strides = [1, 1]} : vector<32x2xf32> to vector<32x1xf32>
    %mul3A_453 = vector.broadcast %slice3A_452 : vector<32x1xf32> to vector<32x2048xf32>
    %mul3A_454 = vector.broadcast %slice3A_435 : vector<1x2048xf32> to vector<32x2048xf32>
    %mul3A_455 = arith.mulf %mul3A_453, %mul3A_454 : vector<32x2048xf32>
    %add3A_456 = arith.addf %mul3A_451, %mul3A_455 : vector<32x2048xf32>
    %add3A_457 = vector.broadcast %get3A_37 : vector<32x1xf32> to vector<32x2048xf32>
    %add3A_458 = arith.addf %add3A_456, %add3A_457 : vector<32x2048xf32>
    %tanh3A_459 = math.tanh %add3A_458 : vector<32x2048xf32>
    %get3A_460 = arith.constant 0 : index
    %get3A_461 = arith.constant 11 : index
    %get3A_462 = memref.load %arg8[%get3A_460, %get3A_461] : memref<1x12xf32, #tpu.memory_space<smem>>
    %add3A_463 = arith.constant 1.000000e+00 : f32
    %add3A_464 = vector.broadcast %add3A_463 : f32 to vector<32x2048xf32>
    %add3A_465 = arith.addf %add3A_464, %tanh3A_447 : vector<32x2048xf32>
    %mul3A_466 = arith.mulf %add3A_465, %tanh3A_459 : vector<32x2048xf32>
    %mul3A_467 = vector.broadcast %get3A_462 : f32 to vector<32x2048xf32>
    %mul3A_468 = arith.mulf %mul3A_467, %mul3A_466 : vector<32x2048xf32>
    %add3A_469 = arith.addf %add3A_433, %mul3A_468 : vector<32x2048xf32>
    %get3A_470 = arith.constant 0 : index
    %get3A_471 = arith.constant 0 : index
    %get3A_472 = vector.load %arg9[%get3A_470, %get3A_471] : memref<12x32xf32, #tpu.memory_space<vmem>>, vector<12x32xf32>
    %max3A = arith.constant 0.000000e+00 : f32
    %max3A_473 = vector.broadcast %max3A : f32 to vector<32x2048xf32>
    %max3A_474 = arith.maximumf %add3A_469, %max3A_473 : vector<32x2048xf32>
    %dot_general3A = arith.constant dense<0.000000e+00> : vector<12x2048xf32>
    %dot_general3A_475 = tpu.matmul %get3A_472, %max3A_474, %dot_general3A {dimension_numbers = #tpu.dot_dimension_numbers<[1], [0], [0], [1], [0, 0, 1, 1], [], []>, transpose_lhs_hint = false} : vector<12x32xf32>, vector<32x2048xf32>, vector<12x2048xf32> -> vector<12x2048xf32>
    %get3A_476 = arith.constant 0 : index
    %get3A_477 = arith.constant 0 : index
    %get3A_478 = vector.load %arg10[%get3A_476, %get3A_477] : memref<12x1xf32, #tpu.memory_space<vmem>>, vector<12x1xf32>
    %add3A_479 = vector.broadcast %get3A_478 : vector<12x1xf32> to vector<12x2048xf32>
    %add3A_480 = arith.addf %dot_general3A_475, %add3A_479 : vector<12x2048xf32>
    %swap3A = arith.constant 0 : index
    %swap3A_481 = arith.constant 0 : index
    %swap3A_482 = vector.load %arg11[%swap3A, %swap3A_481] : memref<12x2048xf32, #tpu.memory_space<vmem>>, vector<12x2048xf32>
    tpu.vector_store %arg11[%swap3A, %swap3A_481], %add3A_480 {strides = array<i32>} : memref<12x2048xf32, #tpu.memory_space<vmem>>, vector<12x2048xf32>,
    return
  }
  func.func @transform_0(%arg0: i32) -> (i32, i32) {
    %c0_i32 = arith.constant 0 : i32
    %c0_i32_0 = arith.constant 0 : i32
    return %c0_i32, %arg0 : i32, i32
  }
  func.func @transform_1(%arg0: i32) -> (i32, i32) {
    %c0_i32 = arith.constant 0 : i32
    %c0_i32_0 = arith.constant 0 : i32
    return %c0_i32, %arg0 : i32, i32
  }
  func.func @transform_2(%arg0: i32) -> (i32, i32) {
    %c0_i32 = arith.constant 0 : i32
    %c0_i32_0 = arith.constant 0 : i32
    return %c0_i32, %arg0 : i32, i32
  }
  func.func @transform_3(%arg0: i32) -> (i32, i32) {
    %c0_i32 = arith.constant 0 : i32
    %c0_i32_0 = arith.constant 0 : i32
    %c0_i32_1 = arith.constant 0 : i32
    return %c0_i32, %c0_i32_0 : i32, i32
  }
  func.func @transform_4(%arg0: i32) -> (i32, i32) {
    %c0_i32 = arith.constant 0 : i32
    %c0_i32_0 = arith.constant 0 : i32
    %c0_i32_1 = arith.constant 0 : i32
    return %c0_i32, %c0_i32_0 : i32, i32
  }
  func.func @transform_5(%arg0: i32) -> (i32, i32) {
    %c0_i32 = arith.constant 0 : i32
    %c0_i32_0 = arith.constant 0 : i32
    %c0_i32_1 = arith.constant 0 : i32
    return %c0_i32, %c0_i32_0 : i32, i32
  }
  func.func @transform_6(%arg0: i32) -> (i32, i32) {
    %c0_i32 = arith.constant 0 : i32
    %c0_i32_0 = arith.constant 0 : i32
    %c0_i32_1 = arith.constant 0 : i32
    return %c0_i32, %c0_i32_0 : i32, i32
  }
  func.func @transform_7(%arg0: i32) -> (i32, i32) {
    %c0_i32 = arith.constant 0 : i32
    %c0_i32_0 = arith.constant 0 : i32
    %c0_i32_1 = arith.constant 0 : i32
    return %c0_i32, %c0_i32_0 : i32, i32
  }
  func.func @transform_8(%arg0: i32) -> (i32, i32) {
    %c0_i32 = arith.constant 0 : i32
    %c0_i32_0 = arith.constant 0 : i32
    %c0_i32_1 = arith.constant 0 : i32
    return %c0_i32, %c0_i32_0 : i32, i32
  }
  func.func @transform_9(%arg0: i32) -> (i32, i32) {
    %c0_i32 = arith.constant 0 : i32
    %c0_i32_0 = arith.constant 0 : i32
    %c0_i32_1 = arith.constant 0 : i32
    return %c0_i32, %c0_i32_0 : i32, i32
  }
  func.func @transform_10(%arg0: i32) -> (i32, i32) {
    %c0_i32 = arith.constant 0 : i32
    %c0_i32_0 = arith.constant 0 : i32
    return %c0_i32, %arg0 : i32, i32
  }
}

</mosaic_0001>

<sc_bundles>
// kernel: kernel.10.cloned.1.call-start
scs
__scs_entry_jumppad:
0x0: {  	(pc) =	sbr.rel $0x88, $3  }
0x1: {  	(tag) =	ssettag $0x0;
	lr =	simm.s32 $0x1  }
0x2: {  	[smem:$0x3F93] =	sst lr;
	_ =	strace $0xD0000000  }
0x3: {  	_ = 	snop  }
0x4: {  	_ = 	snop  }
0x5: {  	_ = 	snop  }
0x6: {  	_ = 	snop  }
0x7: {  	_ = 	snop  }
__scs_overlays_trampoline_lowered:
0x8: {  	[smem:$0x3FA2] =	sst s0  }
0x9: {  	[smem:$0x3FA3] =	sst s1  }
0xa: {  	[smem:$0x3FA4] =	sst s2  }
0xb: {  	[smem:$0x3FA5] =	sst s3  }
0xc: {  	[smem:$0x3FA6] =	sst s4  }
0xd: {  	[smem:$0x3FA7] =	sst s5  }
0xe: {  	[smem:$0x3FA8] =	sst s6  }
0xf: {  	[smem:$0x3FA9] =	sst s7  }
0x10: {  	[smem:$0x3FAA] =	sst s8  }
0x11: {  	[smem:$0x3FAB] =	sst s9;
	s0 =	simm.s32 @!p0 $0x0  }
0x12: {  	s1 =	sld [smem:$0x3F91];
	s0 =	simm.s32 @p0 $0x1  }
0x13: {  	[smem:$0x3FAC] =	sst s0;
	s0 =	simm.s32 @!p1 $0x0  }
0x14: {  	s2 =	sld [smem:$0x3F90];
	s0 =	simm.s32 @p1 $0x1  }
0x15: {  	[smem:$0x3FAD] =	sst s0;
	s0 =	simm.s32 @!p2 $0x0  }
0x16: {  	s3 =	sld [smem:$0x3FDB];
	s0 =	simm.s32 @p2 $0x1  }
0x17: {  	s4 =	simm.s32 $0x1BF5;
	[smem:$0x3FAF] =	sst s0  }
0x18: {  	s0 =	sld [smem:$0x3F92];
	_ =	swait.ge [sflag:s4], $0x0  }
0x19: {  	s7 =	sld [smem:$0x3F93]  }
0x1a: {  	s8 =	sadd.s32 $0xFFFFE003, lr  }
0x1b: {  	s9 =	sadd.s32 $0xFFFFFEF7, lr;
	s5 =	simm.s32 $0xFFFFFFFF;
	p2 =	slt.u32 s8, $0xFFFFF086  }
0x1c: {  	p1 =	slt.u32 s9, $0xF7A;
	s5 =	simm.s32 @!p2 $0x0  }
0x1d: {  	s5 =	simm.s32 @p1 $0x1;
	p0 =	seq.s32 s7, s2  }
0x1e: {  	s7 =	smul.u32 @!p0 $0xF7A, s2;
	p2 =	seq.s32 @!p0 s5, $0x0  }
0x1f: {  	s9 =	smul.u32 $0xF7A, s1;
	s8 =	simm.s32 @!p0 $0x1BF5;
	p2 =	por !p2, p0  }
0x20: {  	[sflag:s8] =	ssyncset.s32 @!p0 $0xFFFFF086;
	s6 =	sadd.s32 @!p0 s3, s7;
	s7 =	simm.s32 @!p0 $0x108  }
0x21: {  	s3 =	sadd.s32 s3, s9;
	s6 =	sadd.s32 @!p0 $0x88, s6;
	s7 =	simm.s32 @p2 $0x1082  }
0x22: {  	[simem:s7], [sflag:s8] =	dma.local @!p0 [hbm:s6], $0xF7A  }
0x23: {  	s9 =	sor.u32 $0xD0000000, s2;
	s6 =	simm.s32 $0x108;
	_ =	swait.ge @!p0 [sflag:s8], $0x0  }
0x24: {  	s3 =	sadd.s32 $0x88, s3;
	s6 =	simm.s32 @!p1 $0x1082;
	[sflag:s4] =	ssyncset.s32 $0xFFFFF086  }
0x25: {  	[simem:s6], [sflag:s4] =	dma.local [hbm:s3], $0xF7A  }
0x26: {  	[smem:$0x3F93] =	sst s1;
	(tag) =	ssettag s2;
	_ =	strace s9  }
0x27: {  	s1 =	sld [smem:$0x3FA3]  }
0x28: {  	s2 =	sld [smem:$0x3FA4]  }
0x29: {  	s4 =	sld [smem:$0x3FA6]  }
0x2a: {  	p0 =	seq.s32 s5, $0x0;
	s5 =	sld [smem:$0x3FA7]  }
0x2b: {  	s6 =	sld [smem:$0x3FA8]  }
0x2c: {  	s7 =	sld [smem:$0x3FA9]  }
0x2d: {  	s3 =	simm.s32 $0x108;
	s8 =	sld [smem:$0x3FAA]  }
0x2e: {  	s3 =	simm.s32 @!p0 $0x1082;
	s9 =	sld [smem:$0x3FAB]  }
0x2f: {  	lr =	sadd.s32 s0, s3;
	s0 =	sld [smem:$0x3FA2]  }
0x30: {  	s3 =	sld [smem:$0x3FA5]  }
0x31: {  	[smem:$0x3FAE] =	sst s10  }
0x32: {  	s10 =	sld [smem:$0x3FAC];
	_ =	sdelay $0x3  }
0x33: {  	p0 =	seq.s32 s10, $0x1;
	s10 =	sld [smem:$0x3FAE];
	_ =	sdelay $0x3  }
0x34: {  	[smem:$0x3FAE] =	sst s10  }
0x35: {  	s10 =	sld [smem:$0x3FAD];
	_ =	sdelay $0x3  }
0x36: {  	p1 =	seq.s32 s10, $0x1;
	s10 =	sld [smem:$0x3FAE];
	_ =	sdelay $0x3  }
0x37: {  	[smem:$0x3FAE] =	sst s10  }
0x38: {  	s10 =	sld [smem:$0x3FAF]  }
0x39: {  	_ = 	snop;
	(pc) =	sbr.ind lr, $3  }
0x3a: {  	_ = 	snop  }
0x3b: {  	_ = 	snop  }
0x3c: {  	p2 =	seq.s32 s10, $0x1;
	s10 =	sld [smem:$0x3FAE]  }
0x3d: {  	_ =	shalt  }
0x3e: {  	_ =	shalt  }
0x3f: {  	_ =	shalt  }
0x40: {  	_ =	shalt  }
0x41: {  	_ =	shalt  }
0x42: {  	_ =	shalt  }
0x43: {  	_ =	shalt  }
0x44: {  	_ =	shalt  }
0x45: {  	_ =	shalt  }
0x46: {  	_ =	shalt  }
0x47: {  	_ =	shalt  }
0x48: {  	_ =	shalt  }
0x49: {  	_ =	shalt  }
0x4a: {  	_ =	shalt  }
0x4b: {  	_ =	shalt  }
0x4c: {  	_ =	shalt  }
0x4d: {  	_ =	shalt  }
0x4e: {  	_ =	shalt  }
0x4f: {  	_ =	shalt  }
0x50: {  	_ =	shalt  }
0x51: {  	_ =	shalt  }
0x52: {  	_ =	shalt  }
0x53: {  	_ =	shalt  }
0x54: {  	_ =	shalt  }
0x55: {  	_ =	shalt  }
0x56: {  	_ =	shalt  }
0x57: {  	_ =	shalt  }
0x58: {  	_ =	shalt  }
0x59: {  	_ =	shalt  }
0x5a: {  	_ =	shalt  }
0x5b: {  	_ =	shalt  }
0x5c: {  	_ =	shalt  }
0x5d: {  	_ =	shalt  }
0x5e: {  	_ =	shalt  }
0x5f: {  	_ =	shalt  }
0x60: {  	_ =	shalt  }
0x61: {  	_ =	shalt  }
0x62: {  	_ =	shalt  }
0x63: {  	_ =	shalt  }
0x64: {  	_ =	shalt  }
0x65: {  	_ =	shalt  }
0x66: {  	_ =	shalt  }
0x67: {  	_ =	shalt  }
0x68: {  	_ =	shalt  }
0x69: {  	_ =	shalt  }
0x6a: {  	_ =	shalt  }
0x6b: {  	_ =	shalt  }
0x6c: {  	_ =	shalt  }
0x6d: {  	_ =	shalt  }
0x6e: {  	_ =	shalt  }
0x6f: {  	_ =	shalt  }
0x70: {  	_ =	shalt  }
0x71: {  	_ =	shalt  }
0x72: {  	_ =	shalt  }
0x73: {  	_ =	shalt  }
0x74: {  	_ =	shalt  }
0x75: {  	_ =	shalt  }
0x76: {  	_ =	shalt  }
0x77: {  	_ =	shalt  }
0x78: {  	_ =	shalt  }
0x79: {  	_ =	shalt  }
0x7a: {  	_ =	shalt  }
0x7b: {  	_ =	shalt  }
0x7c: {  	_ =	shalt  }
0x7d: {  	_ =	shalt  }
0x7e: {  	_ =	shalt  }
0x7f: {  	_ =	shalt  }
0x80: {  	_ =	shalt  }
0x81: {  	_ =	shalt  }
0x82: {  	_ =	shalt  }
0x83: {  	_ =	shalt  }
0x84: {  	_ =	shalt  }
0x85: {  	_ =	shalt  }
0x86: {  	_ =	shalt  }
0x87: {  	_ =	shalt  }
.Lfunc_end0:
.L_simem_size_0:
called_computation.1_lowered:
.L_overlay_start_0:
0x88: {  	s2 =	sld [smem:$0x3FD9]  }
0x89: {  	s3 =	sld [smem:$0x3FFE];
	_ =	sdelay $0x1  }
0x8a: {  	s1 =	srdreg.scid  }
0x8b: {  	s0 =	sand.u32 $0x1, s1  }
0x8c: {  	s17 =	sshll.u32 s0, $0xA;
	s2 =	sadd.s32 s3, s2  }
0x8d: {  	s2 =	sadd.s32 s2, s17  }
0x8e: {  	[smem:$0x3FBA] =	sst s2  }
0x8f: {  	_ = 	snop  }
0x90: {  	s2 =	sld [smem:$0x3FC7];
	(tm) =	ssettm $0x1  }
0x91: {  	s18 =	sld [smem:$0x3FFB];
	_ =	sdelay $0x3  }
0x92: {  	_ =	strace s18  }
0x93: {  	s3 =	sld [smem:$0x3FFC];
	_ =	sdelay $0x3  }
0x94: {  	_ =	strace s3  }
0x95: {  	s3 =	sld [smem:$0x3FFD];
	_ =	sdelay $0x3  }
0x96: {  	_ =	strace s3  }
0x97: {  	_ =	strace $0x8FFFFFFF  }
0x98: {  	s19 =	sld [smem:$0x3FDB];
	_ =	sdelay $0x1  }
0x99: {  	s4 =	simm.s32 $_scs_section_size  }
0x9a: {  	s5 =	simm.s32 $_size__tile_overlayer_lowered;
	s6 =	simm.s32 $_tile_overlayer_lowered  }
0x9b: {  	s22 =	simm.s32 $0x1BFF;
	s21 =	sshll.u32 s6, $0x1;
	s3 =	sadd.s32 s4, s19  }
0x9c: {  	s7 =	simm.s32 $0x0;
	s20 =	sshll.u32 s5, $0x1;
	s5 =	sadd.s32 s21, s3  }
0x9d: {  	[timem:s7], [sflag:s22] =	dma.local [hbm:s5], s20  }
0x9e: {  	_ =	swait.ge [sflag:s22], s20  }
0x9f: {  	s4 =	ssub.s32 $0x0, s20;
	[sflag:s22] =	ssyncset.done $0x0  }
0xa0: {  	[sflag:s22] =	ssyncadd.s32 s4;
	_ =	sdelay $0x1  }
0xa1: {  	s23 =	simm.s32 $0x1B8B  }
0xa2: {  	_ =	swait.ge [sflag:s23], $0x1  }
0xa3: {  	[sflag:s23] =	ssyncset.done $0x0  }
0xa4: {  	s25 =	simm.s32 $0x1B8E;
	s24 =	sld [smem:$0x3FFE];
	[sflag:s23] =	ssyncadd.s32 $0xFFFFFFFF  }
0xa5: {  	s26 =	simm.s32 $execute0_lowered;
	[smem:$0x3FD2] =	sst s25  }
0xa6: {  	s5 =	sshll.u32 s26, $0x1;
	_ =	strace $0x80000049;
	[dreg:$0x1] =	wrdreg $0xFFFFFFFF  }
0xa7: {  	s28 =	simm.s32 $_size_execute0_lowered;
	s3 =	sadd.s32 s3, s5;
	[dreg:$0x0] =	wrdreg $0x0  }
0xa8: {  	s5 =	sshll.u32 s28, $0x1;
	[dreg:$0x2] =	wrdreg s3  }
0xa9: {  	[dreg:$0x3] =	wrdreg s5  }
0xaa: {  	[dreg:$0x4] =	wrdreg $0xC0  }
0xab: {  	_ =	task [dreg:s7], $0x5FFFF  }
0xac: {  	[dreg:$0x1] =	wrdreg $0xFFFFFFFF  }
0xad: {  	[dreg:$0x0] =	wrdreg $0x60  }
0xae: {  	[dreg:$0x2] =	wrdreg s24  }
0xaf: {  	[dreg:$0x3] =	wrdreg s2  }
0xb0: {  	[dreg:$0x4] =	wrdreg $0x9  }
0xb1: {  	_ =	task.clear_ibuf [dreg:s7], $0x5FFFF;
	_ =	strace $0x90000049  }
0xb2: {  	s29 =	simm.s32 $0x9;
	_ =	strace $0x8000004B  }
0xb3: {  	_ =	swait.ge [sflag:s29], $0x1  }
0xb4: {  	[sflag:s29] =	ssyncadd.s32 $0xFFFFFFFF  }
0xb5: {  	_ =	strace $0x9000004B  }
0xb6: {  	_ =	sfence  }
0xb7: {  	s30 =	sld [smem:$0x0];
	_ =	sdelay $0x2  }
0xb8: {  	s31 =	sshll.u32 s1, $0xD;
	s1 =	sshrl.u32 s1, $0x2  }
0xb9: {  	s3 =	sand.u32 $0x4000, s31;
	s1 =	sadd.s32 s1, s30  }
0xba: {  	s0 =	sor.u32 s3, s0;
	s1 =	sshll.u32 s1, $0x11  }
0xbb: {  	s0 =	sor.u32 s1, s0  }
0xbc: {  	s0 =	sadd.s32 $0x8F2B, s0  }
0xbd: {  	[sflag:s0] =	ssyncadd.remote.s32 $0x1  }
0xbe: {  	_ =	sfence.sel $0xFFFF  }
0xbf: {  	[dreg:$0x0] =	wrdreg $0xFFFFFFFF;
	(pc) =	sbr.abs _section_cstart, $3  }
0xc0: {  	[dreg:$0x1] =	wrdreg $0xFFFFFFFF  }
0xc1: {  	_ =	task.clear_ibuf [dreg:s7], $0x2FFFF;
	_ =	strace $0x9FFFFFFF  }
0xc2: {  	(tm) =	ssettm $0x7FFFFFFF  }
0xc3: {  	_ =	shalt  }
tec
execute0_lowered:
.L_overlay_start_1:
0x0: {  	(tag) =	ssettag $0x1  }
0x1: {  	s0 =	srdreg.scid;
	s1 =	rddreg [dreg:$0x0]  }
0x2: {  	s2 =	rddreg [dreg:$0x1];
	s4 =	stileid.u32;
	s7 =	simm.s32 $0x1  }
0x3: {  	s28 =	simm.s32 $0x17800;
	s29 =	simm.s32 $0x19800;
	s30 =	simm.s32 $0x7800  }
0x4: {  	s31 =	simm.s32 $0xF000;
	s0 =	sand.u32 $0x1, s0;
	s6 =	sand.u32 $0x3, s4  }
0x5: {  	s10 =	sadd.s32 $0xC000, s1;
	s3 =	sshll.u32 s0, $0x4;
	p1 =	sne.s32 s6, $0x0  }
0x6: {  	s8 =	ssub.s32 $0x2, s0;
	s9 =	smul.u32 $0x3, s6;
	s0 =	sadd.s32 $0x11000, s1  }
0x7: {  	s6 =	smul.u32 $0x180, s6;
	s5 =	sor.u32 s4, s3;
	s3 =	simm.s32 $0x0  }
0x8: {  	s4 =	sadd.s32 $0x2200, s1;
	s24 =	sshrl.u32 s8, $0x1;
	p0 =	seq.s32 s5, $0x0  }
0x9: {  	[smem:$0x7FF] =	sst s3;
	s5 =	sshrl.u32 s5, $0x2;
	s11 =	sshrl.u32 s9, $0x3  }
0xa: {  	s26 =	sadd.s32 $0x1, s9;
	s15 =	sadd.s32 $0x2, s9;
	p0 =	por !p1, !p0  }
0xb: {  	s11 =	smul.u32 $0x14000, s11;
	s14 =	sshrl.u32 s26, $0x3;
	p0 =	por !p0, !p0  }
0xc: {  	s16 =	sshrl.u32 s15, $0x3;
	s14 =	smul.u32 $0x14000, s14;
	s7 =	simm.s32 @!p0 $0x0  }
0xd: {  	s1 =	ssub.s32 s8, s24;
	s17 =	smul.u32 $0x14000, s16;
	s7 =	ssub.s32 s5, s7  }
0xe: {  	s6 =	sand.u32 $0x380, s6;
	s15 =	sshll.u32 s15, $0x7;
	s12 =	smul.u32 $0x9C40, s7  }
0xf: {  	_ =	strace $0x8000004A;
	s19 =	sand.u32 $0x380, s15;
	s7 =	smul.u32 $0x18, s7  }
0x10: {  	s11 =	sor.u32 s6, s11;
	s5 =	simm.s32 $0x1;
	s25 =	sshrl.u32 s12, $0x3  }
0x11: {  	s11 =	sshrl.u32 s11, $0x3;
	s7 =	sadd.s32 s9, s7;
	s13 =	sadd.s32 s4, s25  }
0x12: {  	s8 =	sadd.s32 s2, s25;
	s21 =	sshrl.u32 s7, $0x3;
	[dreg:$0x3] =	wrdreg s13  }
0x13: {  	s24 =	sadd.s32 $0x1, s7;
	[dreg:$0x4] =	wrdreg s8;
	s13 =	sshll.u32 s26, $0x7  }
0x14: {  	s8 =	sadd.s32 s10, s11;
	s11 =	sor.u32 s19, s17;
	s23 =	smul.u32 $0x14000, s21  }
0x15: {  	s25 =	sshrl.u32 s24, $0x3;
	s26 =	sadd.s32 $0x2, s7;
	s9 =	sshll.u32 s24, $0x7  }
0x16: {  	s19 =	sadd.s32 $0xC, s7;
	s21 =	sadd.s32 $0xD, s7;
	s7 =	sadd.s32 $0xE, s7  }
0x17: {  	[dreg:$0x5] =	wrdreg s8;
	s18 =	sand.u32 $0x380, s13;
	s20 =	sshrl.u32 s11, $0x3  }
0x18: {  	s11 =	sadd.s32 $0xFA0, s12;
	s12 =	sadd.s32 $0x1F40, s12;
	s9 =	sand.u32 $0x380, s9  }
0x19: {  	s8 =	sor.u32 s18, s14;
	s22 =	sadd.s32 s10, s20;
	s6 =	sor.u32 s6, s23  }
0x1a: {  	s14 =	sshrl.u32 s26, $0x3;
	s20 =	sshrl.u32 s19, $0x3;
	s23 =	sshrl.u32 s7, $0x3  }
0x1b: {  	s7 =	sshll.u32 s7, $0x7;
	s8 =	sshrl.u32 s8, $0x3;
	[dreg:$0x7] =	wrdreg s22  }
0x1c: {  	s13 =	smul.u32 $0x14000, s14;
	s6 =	sshrl.u32 s6, $0x3;
	s22 =	sshrl.u32 s21, $0x3  }
0x1d: {  	s7 =	sand.u32 $0x380, s7;
	s8 =	sadd.s32 s10, s8;
	s10 =	sshll.u32 s26, $0x7  }
0x1e: {  	s6 =	sadd.s32 s0, s6;
	s26 =	smax.u32 s1, $0x1;
	[dreg:$0x6] =	wrdreg s8  }
0x1f: {  	s1 =	simm.s32 $0x11800;
	s8 =	smul.u32 $0x14000, s25;
	[dreg:$0x8] =	wrdreg s6  }
0x20: {  	s15 =	sand.u32 $0x380, s10;
	s10 =	smul.u32 $0x14000, s22;
	[dreg:$0xe] =	wrdreg s26  }
0x21: {  	s26 =	simm.s32 $0x5000;
	s17 =	sor.u32 s15, s13;
	s13 =	smul.u32 $0x14000, s23  }
0x22: {  	s8 =	sor.u32 s9, s8;
	s18 =	sshrl.u32 s17, $0x3;
	s9 =	sshll.u32 s21, $0x7  }
0x23: {  	s21 =	simm.s32 $0x14000;
	s16 =	sshrl.u32 s8, $0x3;
	s8 =	sshll.u32 s19, $0x7  }
0x24: {  	s9 =	sand.u32 $0x380, s9;
	s7 =	sor.u32 s7, s13;
	s6 =	sadd.s32 s0, s16  }
0x25: {  	s13 =	simm.s32 $0x400;
	[dreg:$0x9] =	wrdreg s6;
	s6 =	sadd.s32 s0, s18  }
0x26: {  	s8 =	sand.u32 $0x380, s8;
	[dreg:$0xa] =	wrdreg s6;
	s6 =	smul.u32 $0x14000, s20  }
0x27: {  	s24 =	sor.u32 s9, s10;
	s7 =	sshrl.u32 s7, $0x3;
	s10 =	simm.s32 $0x80  }
0x28: {  	s20 =	simm.s32 $0xC800;
	s6 =	sor.u32 s8, s6;
	s8 =	sshrl.u32 s24, $0x3  }
0x29: {  	s24 =	simm.s32 $0x3;
	s6 =	sshrl.u32 s6, $0x3;
	s25 =	sadd.s32 s0, s8  }
0x2a: {  	s6 =	sadd.s32 s0, s6;
	[dreg:$0xc] =	wrdreg s25;
	s0 =	sadd.s32 s0, s7  }
0x2b: {  	s25 =	simm.s32 $0x2800;
	s7 =	simm.s32 $0x0;
	[dreg:$0xb] =	wrdreg s6  }
0x2c: {  	v0 =	vimm.f32 $0.0e+00;
	[dreg:$0xd] =	wrdreg s0;
	s0 =	simm.s32 $0xA000;
	s6 =	simm.s32 $0x2  }
.LBB2_1:
0x2d: {  	s8 =	rddreg [dreg:$0x3];
	s9 =	simm.s32 $0x16800  }
0x2e: {  	[tilespmem:s9], [sflag:$0x1] =	stream.linear.gather [hbm4b:s8+s3], $0xFA0, $0x38;
	[tilespmem:$0x1A800] =	vst v63  }
0x2f: {  	s17 =	rddreg [dreg:$0x4];
	s18 =	simm.s32 $0x18800  }
0x30: {  	[tilespmem:s18], [sflag:$0x1] =	stream.linear.gather [hbm4b:s17+s3], $0xFA0, $0x38;
	[tilespmem:$0x1A800] =	vst v63  }
0x31: {  	s19 =	rddreg [dreg:$0x5]  }
0x32: {  	[tilespmem:s3], [sflag:$0x3] =	stream.strided.gather [hbm4b:s19+s10], $0x2800, s13, s10, $0x38;
	[tilespmem:$0x1A800] =	vst v63  }
0x33: {  	_ =	swait.ge [sflag:s24], $0x2800  }
0x34: {  	[sflag:s24] =	ssyncset.done $0x0  }
0x35: {  	s22 =	rddreg [dreg:$0x6];
	[sflag:s24] =	ssyncadd.s32 $0xFFFFD800  }
0x36: {  	[tilespmem:s25], [sflag:$0x3] =	stream.strided.gather [hbm4b:s22+s10], $0x2800, s13, s10, $0x38;
	[tilespmem:$0x1A800] =	vst v63  }
0x37: {  	_ =	swait.ge [sflag:s24], $0x2800  }
0x38: {  	[sflag:s24] =	ssyncset.done $0x0  }
0x39: {  	s23 =	rddreg [dreg:$0x7];
	[sflag:s24] =	ssyncadd.s32 $0xFFFFD800  }
0x3a: {  	[tilespmem:s26], [sflag:$0x3] =	stream.strided.gather [hbm4b:s23+s10], $0x2800, s13, s10, $0x38;
	[tilespmem:$0x1A800] =	vst v63  }
0x3b: {  	_ =	swait.ge [sflag:s24], $0x2800  }
0x3c: {  	[sflag:s24] =	ssyncset.done $0x0  }
0x3d: {  	s14 =	simm.s32 $0x7840;
	[sflag:s24] =	ssyncadd.s32 $0xFFFFD800  }
0x3e: {  	[tilespmem:s14+$0x10] =	vst v0  }
0x3f: {  	[tilespmem:s14+$0xFFFFFFD0] =	vst v0  }
0x40: {  	[tilespmem:s14+$0xFFFFFFF0] =	vst v0  }
0x41: {  	[tilespmem:s14+$0x0] =	vst v0  }
0x42: {  	[tilespmem:s14+$0x20] =	vst v0  }
0x43: {  	[tilespmem:s14+$0x30] =	vst v0  }
0x44: {  	[tilespmem:s14+$0xFFFFFFE0] =	vst v0  }
0x45: {  	s16 =	simm.s32 $0xA040;
	[tilespmem:s14+$0xFFFFFFC0] =	vst v0  }
0x46: {  	[tilespmem:s16+$0xFFFFFFC0] =	vst v0  }
0x47: {  	[tilespmem:s16+$0xFFFFFFE0] =	vst v0  }
0x48: {  	[tilespmem:s16+$0x30] =	vst v0  }
0x49: {  	[tilespmem:s16+$0x20] =	vst v0  }
0x4a: {  	[tilespmem:s16+$0x0] =	vst v0  }
0x4b: {  	[tilespmem:s16+$0x10] =	vst v0  }
0x4c: {  	[tilespmem:s16+$0xFFFFFFD0] =	vst v0  }
0x4d: {  	s15 =	simm.s32 $0xC840;
	[tilespmem:s16+$0xFFFFFFF0] =	vst v0  }
0x4e: {  	[tilespmem:s15+$0xFFFFFFC0] =	vst v0  }
0x4f: {  	[tilespmem:s15+$0xFFFFFFE0] =	vst v0  }
0x50: {  	[tilespmem:s15+$0x20] =	vst v0  }
0x51: {  	s10 =	simm.s32 $0xF040;
	[tilespmem:s15+$0x30] =	vst v0  }
0x52: {  	[tilespmem:s10+$0xFFFFFFC0] =	vst v0  }
0x53: {  	[tilespmem:s10+$0xFFFFFFE0] =	vst v0  }
0x54: {  	s13 =	simm.s32 $0x11840;
	[tilespmem:s10+$0x30] =	vst v0  }
0x55: {  	[tilespmem:s13+$0xFFFFFFC0] =	vst v0  }
0x56: {  	s9 =	simm.s32 $0x14040;
	[tilespmem:s13+$0xFFFFFFE0] =	vst v0  }
0x57: {  	s17 =	simm.s32 $0x0;
	s18 =	simm.s32 $0x140C0;
	[tilespmem:s9+$0xFFFFFFC0] =	vst v0  }
0x58: {  	s19 =	simm.s32 $0xC8C0;
	s22 =	simm.s32 $0xF0C0;
	s23 =	simm.s32 $0x118C0;
	[tilespmem:s9+$0xFFFFFFE0] =	vst v0  }
.LBB2_2:
0x59: {  	s17 =	sadd.s32 $0x8, s17;
	[tilespmem:s15+$0x10] =	vst v0;
	s14 =	sadd.s32 $0x80, s14;
	s16 =	sadd.s32 $0x80, s16  }
0x5a: {  	p0 =	slt.u32 s17, $0x278;
	[tilespmem:s15+$0xFFFFFFF0] =	vst v0  }
0x5b: {  	[tilespmem:s15+$0xFFFFFFD0] =	vst v0  }
0x5c: {  	[tilespmem:s10+$0xFFFFFFF0] =	vst v0  }
0x5d: {  	[tilespmem:s15+$0x0] =	vst v0;
	s15 =	smov.u32 s19  }
0x5e: {  	[tilespmem:s10+$0x0] =	vst v0  }
0x5f: {  	[tilespmem:s10+$0x10] =	vst v0  }
0x60: {  	[tilespmem:s13+$0x30] =	vst v0  }
0x61: {  	[tilespmem:s9+$0x30] =	vst v0  }
0x62: {  	[tilespmem:s10+$0x20] =	vst v0  }
0x63: {  	[tilespmem:s13+$0x10] =	vst v0  }
0x64: {  	[tilespmem:s9+$0x10] =	vst v0  }
0x65: {  	[tilespmem:s13+$0xFFFFFFF0] =	vst v0  }
0x66: {  	[tilespmem:s13+$0x20] =	vst v0  }
0x67: {  	[tilespmem:s13+$0x0] =	vst v0  }
0x68: {  	[tilespmem:s10+$0xFFFFFFD0] =	vst v0;
	s10 =	smov.u32 s22  }
0x69: {  	[tilespmem:s13+$0xFFFFFFD0] =	vst v0;
	s13 =	smov.u32 s23  }
0x6a: {  	[tilespmem:s9+$0xFFFFFFD0] =	vst v0  }
0x6b: {  	[tilespmem:s9+$0xFFFFFFF0] =	vst v0  }
0x6c: {  	[tilespmem:s9+$0x20] =	vst v0  }
0x6d: {  	[tilespmem:s9+$0x0] =	vst v0;
	s9 =	smov.u32 s18  }
0x6e: {  	[tilespmem:s14+$0x10] =	vst v0  }
0x6f: {  	[tilespmem:s14+$0xFFFFFFD0] =	vst v0  }
0x70: {  	[tilespmem:s14+$0xFFFFFFF0] =	vst v0  }
0x71: {  	[tilespmem:s14+$0x0] =	vst v0  }
0x72: {  	[tilespmem:s14+$0x20] =	vst v0  }
0x73: {  	[tilespmem:s14+$0x30] =	vst v0  }
0x74: {  	[tilespmem:s14+$0xFFFFFFE0] =	vst v0  }
0x75: {  	[tilespmem:s14+$0xFFFFFFC0] =	vst v0  }
0x76: {  	[tilespmem:s16+$0xFFFFFFC0] =	vst v0  }
0x77: {  	[tilespmem:s19+$0xFFFFFFC0] =	vst v0  }
0x78: {  	[tilespmem:s22+$0xFFFFFFC0] =	vst v0  }
0x79: {  	[tilespmem:s23+$0xFFFFFFC0] =	vst v0  }
0x7a: {  	[tilespmem:s18+$0xFFFFFFC0] =	vst v0  }
0x7b: {  	[tilespmem:s16+$0xFFFFFFE0] =	vst v0  }
0x7c: {  	[tilespmem:s19+$0xFFFFFFE0] =	vst v0  }
0x7d: {  	[tilespmem:s22+$0xFFFFFFE0] =	vst v0  }
0x7e: {  	[tilespmem:s23+$0xFFFFFFE0] =	vst v0  }
0x7f: {  	[tilespmem:s18+$0xFFFFFFE0] =	vst v0  }
0x80: {  	[tilespmem:s16+$0x30] =	vst v0  }
0x81: {  	[tilespmem:s16+$0x20] =	vst v0  }
0x82: {  	[tilespmem:s19+$0x20] =	vst v0  }
0x83: {  	[tilespmem:s16+$0x0] =	vst v0  }
.Ltmp0:
0x84: {  	[tilespmem:s19+$0x30] =	vst v0;
	(pc) =	sbr.rel @p0 .LBB2_2-.Ltmp0, $4  }
0x85: {  	[tilespmem:s22+$0x30] =	vst v0  }
0x86: {  	[tilespmem:s16+$0x10] =	vst v0  }
0x87: {  	s8 =	simm.s32 $0x0;
	s18 =	sadd.s32 $0x80, s18;
	[tilespmem:s16+$0xFFFFFFD0] =	vst v0  }
0x88: {  	s23 =	sadd.s32 $0x80, s23;
	s19 =	sadd.s32 $0x80, s19;
	s22 =	sadd.s32 $0x80, s22;
	[tilespmem:s16+$0xFFFFFFF0] =	vst v0  }
0x89: {  	[tilespmem:s15+$0x10] =	vst v0  }
0x8a: {  	[tilespmem:s15+$0xFFFFFFF0] =	vst v0  }
0x8b: {  	[tilespmem:s15+$0xFFFFFFD0] =	vst v0  }
0x8c: {  	[tilespmem:s15+$0x0] =	vst v0  }
0x8d: {  	[tilespmem:s13+$0x30] =	vst v0  }
0x8e: {  	[tilespmem:s10+$0x20] =	vst v0  }
0x8f: {  	[tilespmem:s10+$0xFFFFFFF0] =	vst v0  }
0x90: {  	[tilespmem:s10+$0x0] =	vst v0  }
0x91: {  	[tilespmem:s10+$0x10] =	vst v0  }
0x92: {  	[tilespmem:s9+$0x30] =	vst v0  }
0x93: {  	[tilespmem:s13+$0x20] =	vst v0  }
0x94: {  	[tilespmem:s10+$0xFFFFFFD0] =	vst v0  }
0x95: {  	[tilespmem:s13+$0x10] =	vst v0  }
0x96: {  	[tilespmem:s13+$0xFFFFFFF0] =	vst v0  }
0x97: {  	[tilespmem:s13+$0x0] =	vst v0  }
0x98: {  	[tilespmem:s13+$0xFFFFFFD0] =	vst v0  }
0x99: {  	[tilespmem:s9+$0x20] =	vst v0  }
0x9a: {  	[tilespmem:s9+$0x10] =	vst v0  }
0x9b: {  	[tilespmem:s9+$0xFFFFFFD0] =	vst v0  }
0x9c: {  	[tilespmem:s9+$0xFFFFFFF0] =	vst v0  }
0x9d: {  	[tilespmem:s9+$0x0] =	vst v0  }
.LBB2_4:
0x9e: {  	s9 =	smul.u32 $0x1F40, s8;
	_ =	sdelay $0x1  }
0x9f: {  	s10 =	sadd.s32 s9, s11  }
0xa0: {  	s10 =	sshrl.u32 s10, $0x3  }
0xa1: {  	s13 =	sadd.s32 s4, s10  }
0xa2: {  	[tilespmem:s28], [sflag:$0x2] =	stream.linear.gather [hbm4b:s13+s3], $0xFA0, $0x38;
	[tilespmem:$0x1A800] =	vst v63  }
0xa3: {  	s10 =	sadd.s32 s2, s10  }
0xa4: {  	[tilespmem:s29], [sflag:$0x2] =	stream.linear.gather [hbm4b:s10+s3], $0xFA0, $0x38;
	[tilespmem:$0x1A800] =	vst v63  }
0xa5: {  	_ =	swait.ge [sflag:s5], $0xFA0  }
0xa6: {  	[sflag:s5] =	ssyncset.done $0x0  }
0xa7: {  	[sflag:s5] =	ssyncadd.s32 $0xFFFFF060  }
0xa8: {  	_ =	swait.ge [sflag:s5], $0xFA0  }
0xa9: {  	[sflag:s5] =	ssyncset.done $0x0  }
0xaa: {  	s23 =	simm.s32 $0x16840;
	[sflag:s5] =	ssyncadd.s32 $0xFFFFF060  }
0xab: {  	v1 =	vld [tilespmem:s23+$0x30]  }
0xac: {  	v2 =	vld [tilespmem:s23+$0xFFFFFFD0]  }
0xad: {  	v3 =	vld [tilespmem:s23+$0xFFFFFFE0]  }
0xae: {  	v16 =	vld [tilespmem:s23+$0xFFFFFFF0]  }
0xaf: {  	v22 =	vld [tilespmem:s23+$0x0]  }
0xb0: {  	v24 =	vld [tilespmem:s23+$0x10];
	v23 =	vand.u32 $0xFFFF, v1  }
0xb1: {  	v4 =	vld [tilespmem:s23+$0xFFFFFFC0]  }
0xb2: {  	s13 =	simm.s32 $0x18840;
	v25 =	vld [tilespmem:s23+$0x20]  }
0xb3: {  	v27 =	vld [tilespmem:s13+$0x30]  }
0xb4: {  	s10 =	simm.s32 $0x0;
	v21 =	vld [tilespmem:s13+$0xFFFFFFC0]  }
0xb5: {  	v6 =	vand.u32 $0xFFFF, v2;
	v5 =	vld.idx.msk [tilespmem:v23+s10+$0x0], $0xffff  }
0xb6: {  	v15 =	vld [tilespmem:s13+$0xFFFFFFD0];
	v8 =	vand.u32 $0xFFFF, v3  }
0xb7: {  	v14 =	vld [tilespmem:s13+$0xFFFFFFE0];
	v18 =	vand.u32 $0xFFFF, v4  }
0xb8: {  	v10 =	vld [tilespmem:s13+$0xFFFFFFF0];
	v30 =	vshrl.u32 v1, $0x10  }
0xb9: {  	v7 =	vld [tilespmem:s13+$0x0]  }
0xba: {  	v26 =	vld.idx.msk [tilespmem:v6+s10+$0x0], $0xffff;
	v1 =	vunpack.i.l.bf16.f32 v5  }
0xbb: {  	v9 =	vand.u32 $0xFFFF, v16;
	v28 =	vld.idx.msk [tilespmem:v8+s10+$0x0], $0xffff;
	v5 =	vunpack.i.u.bf16.f32 v5;
	v1 =	vmul.f32 v1, v27  }
0xbc: {  	v11 =	vand.u32 $0xFFFF, v22;
	v19 =	vld.idx.msk [tilespmem:v18+s10+$0x0], $0xffff;
	v5 =	vmul.f32 v5, v27  }
0xbd: {  	v12 =	vand.u32 $0xFFFF, v24;
	[tilespmem:v30+s30+$0x0] =	vst.idx.add.f32.msk $0xffff, v1  }
0xbe: {  	v13 =	vand.u32 $0xFFFF, v25;
	[tilespmem:v30+s31+$0x0] =	vst.idx.add.f32.msk $0xffff, v5  }
0xbf: {  	v1 =	vld.idx.msk [tilespmem:v23+s25+$0x0], $0xffff  }
0xc0: {  	v17 =	vshrl.u32 v4, $0x10;
	v29 =	vld.idx.msk [tilespmem:v9+s10+$0x0], $0xffff  }
0xc1: {  	v31 =	vld.idx.msk [tilespmem:v11+s10+$0x0], $0xffff  }
0xc2: {  	v32 =	vld.idx.msk [tilespmem:v12+s10+$0x0], $0xffff;
	v4 =	vunpack.i.l.bf16.f32 v19  }
0xc3: {  	v33 =	vld.idx.msk [tilespmem:v13+s10+$0x0], $0xffff;
	v34 =	vmul.f32 v4, v21  }
0xc4: {  	v4 =	vld [tilespmem:s13+$0x20];
	v20 =	vunpack.i.l.bf16.f32 v1  }
0xc5: {  	[tilespmem:v17+s30+$0x0] =	vst.idx.add.f32.msk $0xffff, v34;
	v1 =	vunpack.i.u.bf16.f32 v1;
	v35 =	vmul.f32 v20, v27  }
0xc6: {  	v5 =	vld [tilespmem:s13+$0x10];
	v20 =	vshrl.u32 v2, $0x10;
	v1 =	vmul.f32 v1, v27;
	v2 =	vunpack.i.u.bf16.f32 v19  }
0xc7: {  	v19 =	vshrl.u32 v3, $0x10;
	v2 =	vmul.f32 v2, v21;
	[tilespmem:v30+s0+$0x0] =	vst.idx.add.f32.msk $0xffff, v35  }
0xc8: {  	v3 =	vunpack.i.l.bf16.f32 v26;
	[tilespmem:v30+s1+$0x0] =	vst.idx.add.f32.msk $0xffff, v1  }
0xc9: {  	v57 =	vunpack.i.l.bf16.f32 v28;
	v3 =	vmul.f32 v3, v15;
	[tilespmem:v17+s31+$0x0] =	vst.idx.add.f32.msk $0xffff, v2  }
0xca: {  	v1 =	vunpack.i.u.bf16.f32 v26;
	v26 =	vmul.f32 v57, v14;
	v23 =	vld.idx.msk [tilespmem:v23+s26+$0x0], $0xffff  }
0xcb: {  	v2 =	vunpack.i.u.bf16.f32 v28;
	v58 =	vmul.f32 v1, v15;
	[tilespmem:v20+s30+$0x0] =	vst.idx.add.f32.msk $0xffff, v3  }
0xcc: {  	v16 =	vshrl.u32 v16, $0x10;
	v2 =	vmul.f32 v2, v14;
	[tilespmem:v19+s30+$0x0] =	vst.idx.add.f32.msk $0xffff, v26  }
0xcd: {  	[tilespmem:v20+s31+$0x0] =	vst.idx.add.f32.msk $0xffff, v58  }
0xce: {  	v1 =	vshrl.u32 v22, $0x10;
	v3 =	vunpack.i.l.bf16.f32 v29;
	[tilespmem:v19+s31+$0x0] =	vst.idx.add.f32.msk $0xffff, v2  }
0xcf: {  	v59 =	vunpack.i.u.bf16.f32 v29;
	v3 =	vmul.f32 v3, v10;
	v34 =	vld.idx.msk [tilespmem:v6+s25+$0x0], $0xffff  }
0xd0: {  	v60 =	vunpack.i.l.bf16.f32 v31;
	v22 =	vmul.f32 v59, v10;
	v35 =	vld.idx.msk [tilespmem:v8+s25+$0x0], $0xffff  }
0xd1: {  	v63 =	vunpack.i.u.bf16.f32 v31;
	v26 =	vmul.f32 v60, v7;
	[tilespmem:v16+s30+$0x0] =	vst.idx.add.f32.msk $0xffff, v3  }
0xd2: {  	v2 =	vshrl.u32 v24, $0x10;
	v24 =	vmul.f32 v63, v7;
	[tilespmem:v16+s31+$0x0] =	vst.idx.add.f32.msk $0xffff, v22  }
0xd3: {  	[tilespmem:v1+s30+$0x0] =	vst.idx.add.f32.msk $0xffff, v26  }
0xd4: {  	v3 =	vunpack.i.l.bf16.f32 v23;
	[tilespmem:v1+s31+$0x0] =	vst.idx.add.f32.msk $0xffff, v24  }
0xd5: {  	v28 =	vunpack.i.l.bf16.f32 v32;
	v62 =	vmul.f32 v3, v27;
	v36 =	vld.idx.msk [tilespmem:v9+s25+$0x0], $0xffff  }
0xd6: {  	v61 =	vunpack.i.u.bf16.f32 v23;
	v3 =	vshrl.u32 v25, $0x10;
	v25 =	vmul.f32 v28, v5;
	v26 =	vld.idx.msk [tilespmem:v11+s25+$0x0], $0xffff  }
0xd7: {  	v29 =	vunpack.i.u.bf16.f32 v32;
	v22 =	vmul.f32 v61, v27;
	[tilespmem:v30+s20+$0x0] =	vst.idx.add.f32.msk $0xffff, v62  }
0xd8: {  	v23 =	vmul.f32 v29, v5;
	[tilespmem:v2+s30+$0x0] =	vst.idx.add.f32.msk $0xffff, v25  }
0xd9: {  	[tilespmem:v30+s21+$0x0] =	vst.idx.add.f32.msk $0xffff, v22  }
0xda: {  	v31 =	vunpack.i.u.bf16.f32 v33;
	v40 =	vunpack.i.l.bf16.f32 v34;
	[tilespmem:v2+s31+$0x0] =	vst.idx.add.f32.msk $0xffff, v23  }
0xdb: {  	v42 =	vunpack.i.l.bf16.f32 v35;
	v30 =	vunpack.i.l.bf16.f32 v33;
	v33 =	vld.idx.msk [tilespmem:v18+s25+$0x0], $0xffff;
	v41 =	vmul.f32 v40, v15  }
0xdc: {  	v45 =	vmul.f32 v42, v14;
	v38 =	vld.idx.msk [tilespmem:v12+s25+$0x0], $0xffff  }
0xdd: {  	v23 =	vunpack.i.u.bf16.f32 v34;
	v22 =	vmul.f32 v30, v4;
	[tilespmem:v20+s0+$0x0] =	vst.idx.add.f32.msk $0xffff, v41  }
0xde: {  	v44 =	vunpack.i.u.bf16.f32 v35;
	v43 =	vmul.f32 v23, v15;
	[tilespmem:v19+s0+$0x0] =	vst.idx.add.f32.msk $0xffff, v45  }
0xdf: {  	v47 =	vmul.f32 v44, v14;
	[tilespmem:v3+s30+$0x0] =	vst.idx.add.f32.msk $0xffff, v22  }
0xe0: {  	v32 =	vmul.f32 v31, v4;
	[tilespmem:v20+s1+$0x0] =	vst.idx.add.f32.msk $0xffff, v43  }
0xe1: {  	[tilespmem:v19+s1+$0x0] =	vst.idx.add.f32.msk $0xffff, v47  }
0xe2: {  	[tilespmem:v3+s31+$0x0] =	vst.idx.add.f32.msk $0xffff, v32  }
0xe3: {  	v46 =	vunpack.i.l.bf16.f32 v36;
	v6 =	vld.idx.msk [tilespmem:v6+s26+$0x0], $0xffff  }
0xe4: {  	v48 =	vunpack.i.u.bf16.f32 v36;
	v49 =	vmul.f32 v46, v10;
	v8 =	vld.idx.msk [tilespmem:v8+s26+$0x0], $0xffff  }
0xe5: {  	v50 =	vunpack.i.l.bf16.f32 v26;
	v23 =	vmul.f32 v48, v10;
	v39 =	vld.idx.msk [tilespmem:v13+s25+$0x0], $0xffff  }
0xe6: {  	v25 =	vmul.f32 v50, v7;
	[tilespmem:v16+s0+$0x0] =	vst.idx.add.f32.msk $0xffff, v49  }
0xe7: {  	v37 =	vunpack.i.l.bf16.f32 v33;
	[tilespmem:v16+s1+$0x0] =	vst.idx.add.f32.msk $0xffff, v23  }
0xe8: {  	v22 =	vunpack.i.u.bf16.f32 v33;
	v27 =	vmul.f32 v37, v21;
	[tilespmem:v1+s0+$0x0] =	vst.idx.add.f32.msk $0xffff, v25  }
0xe9: {  	v22 =	vmul.f32 v22, v21;
	v52 =	vunpack.i.l.bf16.f32 v38;
	v9 =	vld.idx.msk [tilespmem:v9+s26+$0x0], $0xffff  }
0xea: {  	v53 =	vunpack.i.u.bf16.f32 v38;
	v24 =	vmul.f32 v52, v5;
	[tilespmem:v17+s0+$0x0] =	vst.idx.add.f32.msk $0xffff, v27  }
0xeb: {  	v23 =	vmul.f32 v53, v5;
	[tilespmem:v17+s1+$0x0] =	vst.idx.add.f32.msk $0xffff, v22  }
0xec: {  	v51 =	vunpack.i.u.bf16.f32 v26;
	[tilespmem:v2+s0+$0x0] =	vst.idx.add.f32.msk $0xffff, v24  }
0xed: {  	v22 =	vmul.f32 v51, v7;
	[tilespmem:v2+s1+$0x0] =	vst.idx.add.f32.msk $0xffff, v23  }
0xee: {  	v18 =	vld.idx.msk [tilespmem:v18+s26+$0x0], $0xffff  }
0xef: {  	v59 =	vunpack.i.l.bf16.f32 v6;
	[tilespmem:v1+s1+$0x0] =	vst.idx.add.f32.msk $0xffff, v22  }
0xf0: {  	v60 =	vunpack.i.u.bf16.f32 v8;
	v8 =	vunpack.i.l.bf16.f32 v8;
	v61 =	vmul.f32 v59, v15;
	v12 =	vld.idx.msk [tilespmem:v12+s26+$0x0], $0xffff  }
0xf1: {  	v54 =	vunpack.i.l.bf16.f32 v39;
	v8 =	vmul.f32 v8, v14;
	v11 =	vld.idx.msk [tilespmem:v11+s26+$0x0], $0xffff  }
0xf2: {  	v56 =	vunpack.i.u.bf16.f32 v39;
	v55 =	vmul.f32 v54, v4;
	[tilespmem:v20+s20+$0x0] =	vst.idx.add.f32.msk $0xffff, v61  }
0xf3: {  	v57 =	vmul.f32 v56, v4;
	[tilespmem:v19+s20+$0x0] =	vst.idx.add.f32.msk $0xffff, v8  }
0xf4: {  	v6 =	vunpack.i.u.bf16.f32 v6;
	[tilespmem:v3+s0+$0x0] =	vst.idx.add.f32.msk $0xffff, v55  }
0xf5: {  	v6 =	vmul.f32 v6, v15;
	[tilespmem:v3+s1+$0x0] =	vst.idx.add.f32.msk $0xffff, v57  }
0xf6: {  	v62 =	vunpack.i.u.bf16.f32 v9;
	v9 =	vunpack.i.l.bf16.f32 v9;
	v13 =	vld.idx.msk [tilespmem:v13+s26+$0x0], $0xffff  }
0xf7: {  	[tilespmem:v20+s21+$0x0] =	vst.idx.add.f32.msk $0xffff, v6;
	v6 =	vmul.f32 v60, v14;
	v8 =	vmul.f32 v9, v10;
	v58 =	vunpack.i.l.bf16.f32 v18  }
0xf8: {  	v63 =	vmul.f32 v62, v10;
	v18 =	vunpack.i.u.bf16.f32 v18;
	v22 =	vmul.f32 v58, v21  }
0xf9: {  	[tilespmem:v19+s21+$0x0] =	vst.idx.add.f32.msk $0xffff, v6;
	v18 =	vmul.f32 v18, v21;
	v15 =	vunpack.i.u.bf16.f32 v11;
	v11 =	vunpack.i.l.bf16.f32 v11  }
0xfa: {  	[tilespmem:v17+s20+$0x0] =	vst.idx.add.f32.msk $0xffff, v22;
	v10 =	vmul.f32 v11, v7;
	v9 =	vmul.f32 v15, v7  }
0xfb: {  	[tilespmem:v17+s21+$0x0] =	vst.idx.add.f32.msk $0xffff, v18;
	v17 =	vunpack.i.u.bf16.f32 v12;
	v12 =	vunpack.i.l.bf16.f32 v12;
	v20 =	vunpack.i.u.bf16.f32 v13  }
0xfc: {  	[tilespmem:v16+s20+$0x0] =	vst.idx.add.f32.msk $0xffff, v8;
	v6 =	vunpack.i.l.bf16.f32 v13;
	v18 =	vmul.f32 v12, v5;
	v17 =	vmul.f32 v17, v5  }
0xfd: {  	s14 =	simm.s32 $0x0;
	s15 =	simm.s32 $0x168C0;
	[tilespmem:v16+s21+$0x0] =	vst.idx.add.f32.msk $0xffff, v63;
	v6 =	vmul.f32 v6, v4;
	v4 =	vmul.f32 v20, v4  }
.LBB2_5:
0xfe: {  	v19 =	vld [tilespmem:s15+$0x30]  }
0xff: {  	v5 =	vld [tilespmem:s15+$0xFFFFFFD0]  }
0x100: {  	v12 =	vld [tilespmem:s15+$0xFFFFFFE0]  }
0x101: {  	s14 =	sadd.s32 $0x8, s14;
	v13 =	vld [tilespmem:s15+$0xFFFFFFF0]  }
0x102: {  	p0 =	slt.u32 s14, $0xF0;
	v15 =	vld [tilespmem:s15+$0x0]  }
0x103: {  	v16 =	vld [tilespmem:s15+$0x10];
	v28 =	vand.u32 $0xFFFF, v19  }
0x104: {  	v8 =	vshrl.u32 v5, $0x10;
	v11 =	vand.u32 $0xFFFF, v5;
	v20 =	vld [tilespmem:s15+$0x20]  }
0x105: {  	v21 =	vld [tilespmem:s15+$0xFFFFFFC0];
	v7 =	vshrl.u32 v12, $0x10;
	v12 =	vand.u32 $0xFFFF, v12  }
0x106: {  	v5 =	vshrl.u32 v13, $0x10;
	v13 =	vand.u32 $0xFFFF, v13;
	[tilespmem:v1+s20+$0x0] =	vst.idx.add.f32.msk $0xffff, v10  }
0x107: {  	v14 =	vand.u32 $0xFFFF, v15;
	[tilespmem:v1+s21+$0x0] =	vst.idx.add.f32.msk $0xffff, v9;
	v1 =	vshrl.u32 v15, $0x10  }
0x108: {  	v27 =	vshrl.u32 v16, $0x10;
	v15 =	vand.u32 $0xFFFF, v16;
	v22 =	vld.idx.msk [tilespmem:v28+s10+$0x0], $0xffff  }
0x109: {  	s13 =	sadd.s32 $0x80, s13;
	v23 =	vld.idx.msk [tilespmem:v11+s10+$0x0], $0xffff;
	v10 =	vshrl.u32 v20, $0x10;
	v16 =	vand.u32 $0xFFFF, v20  }
0x10a: {  	v9 =	vshrl.u32 v21, $0x10;
	v24 =	vand.u32 $0xFFFF, v21;
	v29 =	vld [tilespmem:s13+$0x30]  }
0x10b: {  	v20 =	vld.idx.msk [tilespmem:v12+s10+$0x0], $0xffff  }
0x10c: {  	v30 =	vshrl.u32 v19, $0x10;
	v21 =	vld.idx.msk [tilespmem:v13+s10+$0x0], $0xffff  }
0x10d: {  	v19 =	vld.idx.msk [tilespmem:v14+s10+$0x0], $0xffff  }
0x10e: {  	v26 =	vunpack.i.l.bf16.f32 v22;
	v25 =	vld.idx.msk [tilespmem:v15+s10+$0x0], $0xffff  }
0x10f: {  	v22 =	vunpack.i.u.bf16.f32 v22;
	v32 =	vunpack.i.u.bf16.f32 v23;
	v31 =	vld.idx.msk [tilespmem:v24+s10+$0x0], $0xffff;
	v26 =	vmul.f32 v26, v29  }
0x110: {  	v33 =	vunpack.i.l.bf16.f32 v23;
	v22 =	vmul.f32 v22, v29;
	v34 =	vld.idx.msk [tilespmem:v16+s10+$0x0], $0xffff  }
0x111: {  	v35 =	vunpack.i.u.bf16.f32 v20;
	v36 =	vunpack.i.l.bf16.f32 v20;
	[tilespmem:v30+s30+$0x0] =	vst.idx.add.f32.msk $0xffff, v26  }
0x112: {  	v37 =	vunpack.i.u.bf16.f32 v21;
	v38 =	vunpack.i.l.bf16.f32 v21;
	[tilespmem:v30+s31+$0x0] =	vst.idx.add.f32.msk $0xffff, v22  }
0x113: {  	v39 =	vunpack.i.u.bf16.f32 v19;
	v40 =	vunpack.i.l.bf16.f32 v19;
	v41 =	vld.idx.msk [tilespmem:v28+s25+$0x0], $0xffff  }
0x114: {  	v42 =	vunpack.i.u.bf16.f32 v25;
	v43 =	vunpack.i.l.bf16.f32 v25;
	v26 =	vld [tilespmem:s13+$0xFFFFFFC0]  }
0x115: {  	v20 =	vunpack.i.u.bf16.f32 v31;
	v21 =	vunpack.i.l.bf16.f32 v31;
	v25 =	vld [tilespmem:s13+$0xFFFFFFD0]  }
0x116: {  	v31 =	vunpack.i.u.bf16.f32 v34;
	v34 =	vunpack.i.l.bf16.f32 v34;
	v23 =	vld [tilespmem:s13+$0xFFFFFFE0]  }
0x117: {  	v22 =	vld [tilespmem:s13+$0xFFFFFFF0]  }
0x118: {  	v19 =	vld [tilespmem:s13+$0x0]  }
0x119: {  	v46 =	vunpack.i.l.bf16.f32 v41;
	v44 =	vmul.f32 v21, v26;
	v45 =	vmul.f32 v20, v26;
	v20 =	vld [tilespmem:s13+$0x10]  }
0x11a: {  	v41 =	vunpack.i.u.bf16.f32 v41;
	v46 =	vmul.f32 v46, v29;
	v33 =	vmul.f32 v33, v25;
	v21 =	vld [tilespmem:s13+$0x20]  }
0x11b: {  	v41 =	vmul.f32 v41, v29;
	v32 =	vmul.f32 v32, v25;
	[tilespmem:v9+s30+$0x0] =	vst.idx.add.f32.msk $0xffff, v44  }
0x11c: {  	v36 =	vmul.f32 v36, v23;
	v35 =	vmul.f32 v35, v23;
	[tilespmem:v30+s0+$0x0] =	vst.idx.add.f32.msk $0xffff, v46  }
0x11d: {  	v38 =	vmul.f32 v38, v22;
	v37 =	vmul.f32 v37, v22;
	[tilespmem:v30+s1+$0x0] =	vst.idx.add.f32.msk $0xffff, v41  }
0x11e: {  	v40 =	vmul.f32 v40, v19;
	v39 =	vmul.f32 v39, v19;
	v28 =	vld.idx.msk [tilespmem:v28+s26+$0x0], $0xffff  }
0x11f: {  	v41 =	vmul.f32 v43, v20;
	v42 =	vmul.f32 v42, v20;
	[tilespmem:v9+s31+$0x0] =	vst.idx.add.f32.msk $0xffff, v45  }
0x120: {  	v31 =	vmul.f32 v31, v21;
	[tilespmem:v8+s30+$0x0] =	vst.idx.add.f32.msk $0xffff, v33;
	v33 =	vmul.f32 v34, v21  }
0x121: {  	[tilespmem:v8+s31+$0x0] =	vst.idx.add.f32.msk $0xffff, v32  }
0x122: {  	[tilespmem:v7+s30+$0x0] =	vst.idx.add.f32.msk $0xffff, v36  }
0x123: {  	[tilespmem:v7+s31+$0x0] =	vst.idx.add.f32.msk $0xffff, v35  }
0x124: {  	v32 =	vunpack.i.l.bf16.f32 v28;
	[tilespmem:v5+s30+$0x0] =	vst.idx.add.f32.msk $0xffff, v38  }
0x125: {  	v28 =	vunpack.i.u.bf16.f32 v28;
	v32 =	vmul.f32 v32, v29;
	[tilespmem:v5+s31+$0x0] =	vst.idx.add.f32.msk $0xffff, v37  }
0x126: {  	v28 =	vmul.f32 v28, v29;
	[tilespmem:v1+s30+$0x0] =	vst.idx.add.f32.msk $0xffff, v40  }
0x127: {  	[tilespmem:v30+s20+$0x0] =	vst.idx.add.f32.msk $0xffff, v32  }
0x128: {  	[tilespmem:v30+s21+$0x0] =	vst.idx.add.f32.msk $0xffff, v28  }
0x129: {  	[tilespmem:v1+s31+$0x0] =	vst.idx.add.f32.msk $0xffff, v39  }
0x12a: {  	[tilespmem:v27+s30+$0x0] =	vst.idx.add.f32.msk $0xffff, v41  }
0x12b: {  	[tilespmem:v27+s31+$0x0] =	vst.idx.add.f32.msk $0xffff, v42  }
0x12c: {  	[tilespmem:v10+s30+$0x0] =	vst.idx.add.f32.msk $0xffff, v33  }
0x12d: {  	[tilespmem:v10+s31+$0x0] =	vst.idx.add.f32.msk $0xffff, v31  }
0x12e: {  	v28 =	vld.idx.msk [tilespmem:v24+s25+$0x0], $0xffff  }
0x12f: {  	v29 =	vld.idx.msk [tilespmem:v11+s25+$0x0], $0xffff  }
0x130: {  	v30 =	vld.idx.msk [tilespmem:v12+s25+$0x0], $0xffff  }
0x131: {  	v31 =	vld.idx.msk [tilespmem:v13+s25+$0x0], $0xffff  }
0x132: {  	v32 =	vld.idx.msk [tilespmem:v14+s25+$0x0], $0xffff  }
0x133: {  	v33 =	vld.idx.msk [tilespmem:v15+s25+$0x0], $0xffff  }
0x134: {  	v34 =	vunpack.i.u.bf16.f32 v28;
	v28 =	vunpack.i.l.bf16.f32 v28;
	v35 =	vld.idx.msk [tilespmem:v16+s25+$0x0], $0xffff  }
0x135: {  	v28 =	vmul.f32 v28, v26;
	v36 =	vunpack.i.u.bf16.f32 v29;
	v29 =	vunpack.i.l.bf16.f32 v29;
	[tilespmem:v2+s20+$0x0] =	vst.idx.add.f32.msk $0xffff, v18  }
0x136: {  	v18 =	vmul.f32 v34, v26;
	v34 =	vunpack.i.u.bf16.f32 v30;
	v30 =	vunpack.i.l.bf16.f32 v30;
	[tilespmem:v2+s21+$0x0] =	vst.idx.add.f32.msk $0xffff, v17;
	v2 =	vmovc v27  }
0x137: {  	v17 =	vmul.f32 v29, v25;
	v27 =	vunpack.i.u.bf16.f32 v31;
	[tilespmem:v9+s0+$0x0] =	vst.idx.add.f32.msk $0xffff, v28;
	v28 =	vunpack.i.l.bf16.f32 v31  }
0x138: {  	v29 =	vunpack.i.u.bf16.f32 v32;
	v31 =	vunpack.i.l.bf16.f32 v32;
	[tilespmem:v9+s1+$0x0] =	vst.idx.add.f32.msk $0xffff, v18;
	v18 =	vmul.f32 v36, v25  }
0x139: {  	v32 =	vunpack.i.l.bf16.f32 v33;
	[tilespmem:v8+s0+$0x0] =	vst.idx.add.f32.msk $0xffff, v17;
	v17 =	vmul.f32 v30, v23;
	v30 =	vunpack.i.u.bf16.f32 v33  }
0x13a: {  	v33 =	vunpack.i.u.bf16.f32 v35;
	[tilespmem:v8+s1+$0x0] =	vst.idx.add.f32.msk $0xffff, v18;
	v18 =	vmul.f32 v34, v23;
	v34 =	vunpack.i.l.bf16.f32 v35  }
0x13b: {  	v27 =	vmul.f32 v27, v22;
	[tilespmem:v7+s0+$0x0] =	vst.idx.add.f32.msk $0xffff, v17;
	v17 =	vmul.f32 v28, v22  }
0x13c: {  	v28 =	vmul.f32 v29, v19;
	[tilespmem:v7+s1+$0x0] =	vst.idx.add.f32.msk $0xffff, v18;
	v18 =	vmul.f32 v31, v19  }
0x13d: {  	v29 =	vmul.f32 v30, v20;
	[tilespmem:v5+s0+$0x0] =	vst.idx.add.f32.msk $0xffff, v17;
	v17 =	vmul.f32 v32, v20  }
0x13e: {  	v30 =	vmul.f32 v33, v21;
	[tilespmem:v5+s1+$0x0] =	vst.idx.add.f32.msk $0xffff, v27;
	v27 =	vmul.f32 v34, v21  }
0x13f: {  	[tilespmem:v1+s0+$0x0] =	vst.idx.add.f32.msk $0xffff, v18  }
0x140: {  	[tilespmem:v1+s1+$0x0] =	vst.idx.add.f32.msk $0xffff, v28  }
0x141: {  	[tilespmem:v2+s0+$0x0] =	vst.idx.add.f32.msk $0xffff, v17  }
0x142: {  	[tilespmem:v2+s1+$0x0] =	vst.idx.add.f32.msk $0xffff, v29  }
0x143: {  	[tilespmem:v10+s0+$0x0] =	vst.idx.add.f32.msk $0xffff, v27  }
0x144: {  	[tilespmem:v10+s1+$0x0] =	vst.idx.add.f32.msk $0xffff, v30  }
0x145: {  	v17 =	vld.idx.msk [tilespmem:v24+s26+$0x0], $0xffff  }
0x146: {  	v11 =	vld.idx.msk [tilespmem:v11+s26+$0x0], $0xffff  }
0x147: {  	v12 =	vld.idx.msk [tilespmem:v12+s26+$0x0], $0xffff  }
0x148: {  	v13 =	vld.idx.msk [tilespmem:v13+s26+$0x0], $0xffff  }
0x149: {  	v14 =	vld.idx.msk [tilespmem:v14+s26+$0x0], $0xffff  }
0x14a: {  	v15 =	vld.idx.msk [tilespmem:v15+s26+$0x0], $0xffff  }
0x14b: {  	v18 =	vunpack.i.u.bf16.f32 v17;
	v17 =	vunpack.i.l.bf16.f32 v17;
	v16 =	vld.idx.msk [tilespmem:v16+s26+$0x0], $0xffff  }
0x14c: {  	v17 =	vmul.f32 v17, v26;
	v24 =	vunpack.i.u.bf16.f32 v11;
	v11 =	vunpack.i.l.bf16.f32 v11;
	[tilespmem:v3+s20+$0x0] =	vst.idx.add.f32.msk $0xffff, v6  }
0x14d: {  	v6 =	vmul.f32 v18, v26;
	v18 =	vunpack.i.u.bf16.f32 v12;
	v12 =	vunpack.i.l.bf16.f32 v12;
	[tilespmem:v3+s21+$0x0] =	vst.idx.add.f32.msk $0xffff, v4;
	v3 =	vmovc v10  }
0x14e: {  	v4 =	vmul.f32 v11, v25;
	v10 =	vunpack.i.u.bf16.f32 v13;
	v11 =	vunpack.i.l.bf16.f32 v13;
	[tilespmem:v9+s20+$0x0] =	vst.idx.add.f32.msk $0xffff, v17  }
0x14f: {  	v13 =	vunpack.i.l.bf16.f32 v14;
	[tilespmem:v9+s21+$0x0] =	vst.idx.add.f32.msk $0xffff, v6;
	v6 =	vmul.f32 v24, v25;
	v9 =	vunpack.i.u.bf16.f32 v14  }
0x150: {  	v14 =	vunpack.i.l.bf16.f32 v15;
	[tilespmem:v8+s20+$0x0] =	vst.idx.add.f32.msk $0xffff, v4;
	v4 =	vmul.f32 v12, v23;
	v12 =	vunpack.i.u.bf16.f32 v15  }
.Ltmp1:
0x151: {  	v15 =	vunpack.i.l.bf16.f32 v16;
	[tilespmem:v8+s21+$0x0] =	vst.idx.add.f32.msk $0xffff, v6;
	v6 =	vmul.f32 v18, v23;
	v8 =	vunpack.i.u.bf16.f32 v16;
	(pc) =	sbr.rel @p0 .LBB2_5-.Ltmp1, $4  }
0x152: {  	[tilespmem:v7+s20+$0x0] =	vst.idx.add.f32.msk $0xffff, v4;
	v4 =	vmul.f32 v11, v22;
	v11 =	vmul.f32 v10, v22  }
0x153: {  	v9 =	vmul.f32 v9, v19;
	v10 =	vmul.f32 v13, v19;
	[tilespmem:v7+s21+$0x0] =	vst.idx.add.f32.msk $0xffff, v6  }
0x154: {  	v18 =	vmul.f32 v14, v20;
	v17 =	vmul.f32 v12, v20;
	[tilespmem:v5+s20+$0x0] =	vst.idx.add.f32.msk $0xffff, v4  }
0x155: {  	s15 =	sadd.s32 $0x80, s15;
	v6 =	vmul.f32 v15, v21;
	v4 =	vmul.f32 v8, v21;
	[tilespmem:v5+s21+$0x0] =	vst.idx.add.f32.msk $0xffff, v11  }
0x156: {  	_ =	sdelay $0x3  }
0x157: {  	[tilespmem:v1+s20+$0x0] =	vst.idx.add.f32.msk $0xffff, v10  }
0x158: {  	[tilespmem:v2+s20+$0x0] =	vst.idx.add.f32.msk $0xffff, v18  }
0x159: {  	[tilespmem:v1+s21+$0x0] =	vst.idx.add.f32.msk $0xffff, v9  }
0x15a: {  	[tilespmem:v2+s21+$0x0] =	vst.idx.add.f32.msk $0xffff, v17  }
0x15b: {  	[tilespmem:v3+s20+$0x0] =	vst.idx.add.f32.msk $0xffff, v6  }
0x15c: {  	[tilespmem:v3+s21+$0x0] =	vst.idx.add.f32.msk $0xffff, v4  }
.LBB2_7:
0x15d: {  	s13 =	sshra.s32 s10, $0x2  }
0x15e: {  	v1 =	vld [tilespmem:s13+$0x17780];
	_ =	sdelay $0x4  }
0x15f: {  	v2 =	vand.u32 $0xFFFF, v1;
	_ =	sdelay $0x4  }
0x160: {  	v3 =	vld.idx.msk [tilespmem:v2+s3+$0x0], $0xffff  }
0x161: {  	v4 =	vld [tilespmem:s13+$0x19780];
	_ =	sdelay $0x1  }
0x162: {  	v1 =	vshrl.u32 v1, $0x10;
	_ =	sdelay $0x1  }
0x163: {  	v5 =	vunpack.i.l.bf16.f32 v3  }
0x164: {  	v3 =	vunpack.i.u.bf16.f32 v3;
	v5 =	vmul.f32 v5, v4  }
0x165: {  	v3 =	vmul.f32 v3, v4  }
0x166: {  	[tilespmem:v1+s30+$0x0] =	vst.idx.add.f32.msk $0xffff, v5  }
0x167: {  	[tilespmem:v1+s31+$0x0] =	vst.idx.add.f32.msk $0xffff, v3  }
0x168: {  	v3 =	vld.idx.msk [tilespmem:v2+s25+$0x0], $0xffff;
	_ =	sdelay $0x4  }
0x169: {  	v63 =	vunpack.i.l.bf16.f32 v3  }
0x16a: {  	v3 =	vunpack.i.u.bf16.f32 v3;
	v5 =	vmul.f32 v63, v4  }
0x16b: {  	v3 =	vmul.f32 v3, v4  }
0x16c: {  	[tilespmem:v1+s0+$0x0] =	vst.idx.add.f32.msk $0xffff, v5  }
0x16d: {  	[tilespmem:v1+s1+$0x0] =	vst.idx.add.f32.msk $0xffff, v3  }
0x16e: {  	v2 =	vld.idx.msk [tilespmem:v2+s26+$0x0], $0xffff;
	_ =	sdelay $0x3  }
0x16f: {  	p0 =	sne.s32 s10, $0x40  }
.Ltmp2:
0x170: {  	v3 =	vunpack.i.l.bf16.f32 v2;
	(pc) =	sbr.rel @p0 .LBB2_7-.Ltmp2, $4  }
0x171: {  	v2 =	vunpack.i.u.bf16.f32 v2;
	v3 =	vmul.f32 v3, v4  }
0x172: {  	v2 =	vmul.f32 v2, v4  }
0x173: {  	[tilespmem:v1+s20+$0x0] =	vst.idx.add.f32.msk $0xffff, v3  }
0x174: {  	s10 =	sadd.s32 $0x40, s10;
	[tilespmem:v1+s21+$0x0] =	vst.idx.add.f32.msk $0xffff, v2  }
0x175: {  	p0 =	seq.s32 s8, $0x4  }
0x176: {  	s9 =	sadd.s32 @!p0 s9, s12  }
0x177: {  	s9 =	sshrl.u32 @!p0 s9, $0x3  }
0x178: {  	s13 =	simm.s32 @!p0 $0x0;
	s14 =	simm.s32 @!p0 $0x16800;
	s10 =	sadd.s32 @!p0 s4, s9  }
0x179: {  	[tilespmem:s14], [sflag:$0x1] =	stream.linear.gather @!p0 [hbm4b:s10+s13], $0xFA0, $0x38;
	[tilespmem:$0x1A800] =	vst v63  }
0x17a: {  	s9 =	sadd.s32 @!p0 s2, s9;
	s10 =	simm.s32 @!p0 $0x18800  }
0x17b: {  	[tilespmem:s10], [sflag:$0x1] =	stream.linear.gather @!p0 [hbm4b:s9+s13], $0xFA0, $0x38;
	[tilespmem:$0x1A800] =	vst v63  }
0x17c: {  	_ =	swait.ge [sflag:s6], $0xFA0  }
0x17d: {  	[sflag:s6] =	ssyncset.done $0x0  }
0x17e: {  	[sflag:s6] =	ssyncadd.s32 $0xFFFFF060  }
0x17f: {  	_ =	swait.ge [sflag:s6], $0xFA0  }
0x180: {  	[sflag:s6] =	ssyncset.done $0x0  }
0x181: {  	s23 =	simm.s32 $0x17840;
	[sflag:s6] =	ssyncadd.s32 $0xFFFFF060  }
0x182: {  	v1 =	vld [tilespmem:s23+$0x30]  }
0x183: {  	v2 =	vld [tilespmem:s23+$0xFFFFFFD0]  }
0x184: {  	v3 =	vld [tilespmem:s23+$0xFFFFFFE0]  }
0x185: {  	v16 =	vld [tilespmem:s23+$0xFFFFFFF0]  }
0x186: {  	v22 =	vld [tilespmem:s23+$0x0]  }
0x187: {  	v24 =	vld [tilespmem:s23+$0x10];
	v23 =	vand.u32 $0xFFFF, v1  }
0x188: {  	v4 =	vld [tilespmem:s23+$0xFFFFFFC0]  }
0x189: {  	s10 =	simm.s32 $0x19840;
	v25 =	vld [tilespmem:s23+$0x20]  }
0x18a: {  	v27 =	vld [tilespmem:s10+$0x30]  }
0x18b: {  	s9 =	simm.s32 $0x0;
	v21 =	vld [tilespmem:s10+$0xFFFFFFC0]  }
0x18c: {  	v6 =	vand.u32 $0xFFFF, v2;
	v5 =	vld.idx.msk [tilespmem:v23+s9+$0x0], $0xffff  }
0x18d: {  	v15 =	vld [tilespmem:s10+$0xFFFFFFD0];
	v8 =	vand.u32 $0xFFFF, v3  }
0x18e: {  	v14 =	vld [tilespmem:s10+$0xFFFFFFE0];
	v18 =	vand.u32 $0xFFFF, v4  }
0x18f: {  	v10 =	vld [tilespmem:s10+$0xFFFFFFF0];
	v30 =	vshrl.u32 v1, $0x10  }
0x190: {  	v7 =	vld [tilespmem:s10+$0x0]  }
0x191: {  	v26 =	vld.idx.msk [tilespmem:v6+s9+$0x0], $0xffff;
	v1 =	vunpack.i.l.bf16.f32 v5  }
0x192: {  	v9 =	vand.u32 $0xFFFF, v16;
	v28 =	vld.idx.msk [tilespmem:v8+s9+$0x0], $0xffff;
	v5 =	vunpack.i.u.bf16.f32 v5;
	v1 =	vmul.f32 v1, v27  }
0x193: {  	v11 =	vand.u32 $0xFFFF, v22;
	v19 =	vld.idx.msk [tilespmem:v18+s9+$0x0], $0xffff;
	v5 =	vmul.f32 v5, v27  }
0x194: {  	v12 =	vand.u32 $0xFFFF, v24;
	[tilespmem:v30+s30+$0x0] =	vst.idx.add.f32.msk $0xffff, v1  }
0x195: {  	v13 =	vand.u32 $0xFFFF, v25;
	[tilespmem:v30+s31+$0x0] =	vst.idx.add.f32.msk $0xffff, v5  }
0x196: {  	v1 =	vld.idx.msk [tilespmem:v23+s25+$0x0], $0xffff  }
0x197: {  	v17 =	vshrl.u32 v4, $0x10;
	v29 =	vld.idx.msk [tilespmem:v9+s9+$0x0], $0xffff  }
0x198: {  	v31 =	vld.idx.msk [tilespmem:v11+s9+$0x0], $0xffff  }
0x199: {  	v32 =	vld.idx.msk [tilespmem:v12+s9+$0x0], $0xffff;
	v4 =	vunpack.i.l.bf16.f32 v19  }
0x19a: {  	v33 =	vld.idx.msk [tilespmem:v13+s9+$0x0], $0xffff;
	v34 =	vmul.f32 v4, v21  }
0x19b: {  	v4 =	vld [tilespmem:s10+$0x20];
	v20 =	vunpack.i.l.bf16.f32 v1  }
0x19c: {  	[tilespmem:v17+s30+$0x0] =	vst.idx.add.f32.msk $0xffff, v34;
	v1 =	vunpack.i.u.bf16.f32 v1;
	v35 =	vmul.f32 v20, v27  }
0x19d: {  	v5 =	vld [tilespmem:s10+$0x10];
	v20 =	vshrl.u32 v2, $0x10;
	v1 =	vmul.f32 v1, v27;
	v2 =	vunpack.i.u.bf16.f32 v19  }
0x19e: {  	v19 =	vshrl.u32 v3, $0x10;
	v2 =	vmul.f32 v2, v21;
	[tilespmem:v30+s0+$0x0] =	vst.idx.add.f32.msk $0xffff, v35  }
0x19f: {  	v3 =	vunpack.i.l.bf16.f32 v26;
	[tilespmem:v30+s1+$0x0] =	vst.idx.add.f32.msk $0xffff, v1  }
0x1a0: {  	v57 =	vunpack.i.l.bf16.f32 v28;
	v3 =	vmul.f32 v3, v15;
	[tilespmem:v17+s31+$0x0] =	vst.idx.add.f32.msk $0xffff, v2  }
0x1a1: {  	v1 =	vunpack.i.u.bf16.f32 v26;
	v26 =	vmul.f32 v57, v14;
	v23 =	vld.idx.msk [tilespmem:v23+s26+$0x0], $0xffff  }
0x1a2: {  	v2 =	vunpack.i.u.bf16.f32 v28;
	v58 =	vmul.f32 v1, v15;
	[tilespmem:v20+s30+$0x0] =	vst.idx.add.f32.msk $0xffff, v3  }
0x1a3: {  	v16 =	vshrl.u32 v16, $0x10;
	v2 =	vmul.f32 v2, v14;
	[tilespmem:v19+s30+$0x0] =	vst.idx.add.f32.msk $0xffff, v26  }
0x1a4: {  	[tilespmem:v20+s31+$0x0] =	vst.idx.add.f32.msk $0xffff, v58  }
0x1a5: {  	v1 =	vshrl.u32 v22, $0x10;
	v3 =	vunpack.i.l.bf16.f32 v29;
	[tilespmem:v19+s31+$0x0] =	vst.idx.add.f32.msk $0xffff, v2  }
0x1a6: {  	v59 =	vunpack.i.u.bf16.f32 v29;
	v3 =	vmul.f32 v3, v10;
	v34 =	vld.idx.msk [tilespmem:v6+s25+$0x0], $0xffff  }
0x1a7: {  	v60 =	vunpack.i.l.bf16.f32 v31;
	v22 =	vmul.f32 v59, v10;
	v35 =	vld.idx.msk [tilespmem:v8+s25+$0x0], $0xffff  }
0x1a8: {  	v63 =	vunpack.i.u.bf16.f32 v31;
	v26 =	vmul.f32 v60, v7;
	[tilespmem:v16+s30+$0x0] =	vst.idx.add.f32.msk $0xffff, v3  }
0x1a9: {  	v2 =	vshrl.u32 v24, $0x10;
	v24 =	vmul.f32 v63, v7;
	[tilespmem:v16+s31+$0x0] =	vst.idx.add.f32.msk $0xffff, v22  }
0x1aa: {  	[tilespmem:v1+s30+$0x0] =	vst.idx.add.f32.msk $0xffff, v26  }
0x1ab: {  	v3 =	vunpack.i.l.bf16.f32 v23;
	[tilespmem:v1+s31+$0x0] =	vst.idx.add.f32.msk $0xffff, v24  }
0x1ac: {  	v28 =	vunpack.i.l.bf16.f32 v32;
	v62 =	vmul.f32 v3, v27;
	v36 =	vld.idx.msk [tilespmem:v9+s25+$0x0], $0xffff  }
0x1ad: {  	v61 =	vunpack.i.u.bf16.f32 v23;
	v3 =	vshrl.u32 v25, $0x10;
	v25 =	vmul.f32 v28, v5;
	v26 =	vld.idx.msk [tilespmem:v11+s25+$0x0], $0xffff  }
0x1ae: {  	v29 =	vunpack.i.u.bf16.f32 v32;
	v22 =	vmul.f32 v61, v27;
	[tilespmem:v30+s20+$0x0] =	vst.idx.add.f32.msk $0xffff, v62  }
0x1af: {  	v23 =	vmul.f32 v29, v5;
	[tilespmem:v2+s30+$0x0] =	vst.idx.add.f32.msk $0xffff, v25  }
0x1b0: {  	[tilespmem:v30+s21+$0x0] =	vst.idx.add.f32.msk $0xffff, v22  }
0x1b1: {  	v31 =	vunpack.i.u.bf16.f32 v33;
	v40 =	vunpack.i.l.bf16.f32 v34;
	[tilespmem:v2+s31+$0x0] =	vst.idx.add.f32.msk $0xffff, v23  }
0x1b2: {  	v42 =	vunpack.i.l.bf16.f32 v35;
	v30 =	vunpack.i.l.bf16.f32 v33;
	v33 =	vld.idx.msk [tilespmem:v18+s25+$0x0], $0xffff;
	v41 =	vmul.f32 v40, v15  }
0x1b3: {  	v45 =	vmul.f32 v42, v14;
	v38 =	vld.idx.msk [tilespmem:v12+s25+$0x0], $0xffff  }
0x1b4: {  	v23 =	vunpack.i.u.bf16.f32 v34;
	v22 =	vmul.f32 v30, v4;
	[tilespmem:v20+s0+$0x0] =	vst.idx.add.f32.msk $0xffff, v41  }
0x1b5: {  	v44 =	vunpack.i.u.bf16.f32 v35;
	v43 =	vmul.f32 v23, v15;
	[tilespmem:v19+s0+$0x0] =	vst.idx.add.f32.msk $0xffff, v45  }
0x1b6: {  	v47 =	vmul.f32 v44, v14;
	[tilespmem:v3+s30+$0x0] =	vst.idx.add.f32.msk $0xffff, v22  }
0x1b7: {  	v32 =	vmul.f32 v31, v4;
	[tilespmem:v20+s1+$0x0] =	vst.idx.add.f32.msk $0xffff, v43  }
0x1b8: {  	[tilespmem:v19+s1+$0x0] =	vst.idx.add.f32.msk $0xffff, v47  }
0x1b9: {  	[tilespmem:v3+s31+$0x0] =	vst.idx.add.f32.msk $0xffff, v32  }
0x1ba: {  	v46 =	vunpack.i.l.bf16.f32 v36;
	v6 =	vld.idx.msk [tilespmem:v6+s26+$0x0], $0xffff  }
0x1bb: {  	v48 =	vunpack.i.u.bf16.f32 v36;
	v49 =	vmul.f32 v46, v10;
	v8 =	vld.idx.msk [tilespmem:v8+s26+$0x0], $0xffff  }
0x1bc: {  	v50 =	vunpack.i.l.bf16.f32 v26;
	v23 =	vmul.f32 v48, v10;
	v39 =	vld.idx.msk [tilespmem:v13+s25+$0x0], $0xffff  }
0x1bd: {  	v25 =	vmul.f32 v50, v7;
	[tilespmem:v16+s0+$0x0] =	vst.idx.add.f32.msk $0xffff, v49  }
0x1be: {  	v37 =	vunpack.i.l.bf16.f32 v33;
	[tilespmem:v16+s1+$0x0] =	vst.idx.add.f32.msk $0xffff, v23  }
0x1bf: {  	v22 =	vunpack.i.u.bf16.f32 v33;
	v27 =	vmul.f32 v37, v21;
	[tilespmem:v1+s0+$0x0] =	vst.idx.add.f32.msk $0xffff, v25  }
0x1c0: {  	v22 =	vmul.f32 v22, v21;
	v52 =	vunpack.i.l.bf16.f32 v38;
	v9 =	vld.idx.msk [tilespmem:v9+s26+$0x0], $0xffff  }
0x1c1: {  	v53 =	vunpack.i.u.bf16.f32 v38;
	v24 =	vmul.f32 v52, v5;
	[tilespmem:v17+s0+$0x0] =	vst.idx.add.f32.msk $0xffff, v27  }
0x1c2: {  	v23 =	vmul.f32 v53, v5;
	[tilespmem:v17+s1+$0x0] =	vst.idx.add.f32.msk $0xffff, v22  }
0x1c3: {  	v51 =	vunpack.i.u.bf16.f32 v26;
	[tilespmem:v2+s0+$0x0] =	vst.idx.add.f32.msk $0xffff, v24  }
0x1c4: {  	v22 =	vmul.f32 v51, v7;
	[tilespmem:v2+s1+$0x0] =	vst.idx.add.f32.msk $0xffff, v23  }
0x1c5: {  	v18 =	vld.idx.msk [tilespmem:v18+s26+$0x0], $0xffff  }
0x1c6: {  	v59 =	vunpack.i.l.bf16.f32 v6;
	[tilespmem:v1+s1+$0x0] =	vst.idx.add.f32.msk $0xffff, v22  }
0x1c7: {  	v60 =	vunpack.i.u.bf16.f32 v8;
	v8 =	vunpack.i.l.bf16.f32 v8;
	v61 =	vmul.f32 v59, v15;
	v12 =	vld.idx.msk [tilespmem:v12+s26+$0x0], $0xffff  }
0x1c8: {  	v54 =	vunpack.i.l.bf16.f32 v39;
	v8 =	vmul.f32 v8, v14;
	v11 =	vld.idx.msk [tilespmem:v11+s26+$0x0], $0xffff  }
0x1c9: {  	v56 =	vunpack.i.u.bf16.f32 v39;
	v55 =	vmul.f32 v54, v4;
	[tilespmem:v20+s20+$0x0] =	vst.idx.add.f32.msk $0xffff, v61  }
0x1ca: {  	v57 =	vmul.f32 v56, v4;
	[tilespmem:v19+s20+$0x0] =	vst.idx.add.f32.msk $0xffff, v8  }
0x1cb: {  	v6 =	vunpack.i.u.bf16.f32 v6;
	[tilespmem:v3+s0+$0x0] =	vst.idx.add.f32.msk $0xffff, v55  }
0x1cc: {  	v6 =	vmul.f32 v6, v15;
	[tilespmem:v3+s1+$0x0] =	vst.idx.add.f32.msk $0xffff, v57  }
0x1cd: {  	v62 =	vunpack.i.u.bf16.f32 v9;
	v9 =	vunpack.i.l.bf16.f32 v9;
	v13 =	vld.idx.msk [tilespmem:v13+s26+$0x0], $0xffff  }
0x1ce: {  	[tilespmem:v20+s21+$0x0] =	vst.idx.add.f32.msk $0xffff, v6;
	v6 =	vmul.f32 v60, v14;
	v8 =	vmul.f32 v9, v10;
	v58 =	vunpack.i.l.bf16.f32 v18  }
0x1cf: {  	v63 =	vmul.f32 v62, v10;
	v18 =	vunpack.i.u.bf16.f32 v18;
	v22 =	vmul.f32 v58, v21  }
0x1d0: {  	[tilespmem:v19+s21+$0x0] =	vst.idx.add.f32.msk $0xffff, v6;
	v18 =	vmul.f32 v18, v21;
	v15 =	vunpack.i.u.bf16.f32 v11;
	v11 =	vunpack.i.l.bf16.f32 v11  }
0x1d1: {  	[tilespmem:v17+s20+$0x0] =	vst.idx.add.f32.msk $0xffff, v22;
	v10 =	vmul.f32 v11, v7;
	v9 =	vmul.f32 v15, v7  }
0x1d2: {  	[tilespmem:v17+s21+$0x0] =	vst.idx.add.f32.msk $0xffff, v18;
	v17 =	vunpack.i.u.bf16.f32 v12;
	v12 =	vunpack.i.l.bf16.f32 v12;
	v20 =	vunpack.i.u.bf16.f32 v13  }
0x1d3: {  	[tilespmem:v16+s20+$0x0] =	vst.idx.add.f32.msk $0xffff, v8;
	v6 =	vunpack.i.l.bf16.f32 v13;
	v18 =	vmul.f32 v12, v5;
	v17 =	vmul.f32 v17, v5  }
0x1d4: {  	s14 =	simm.s32 $0x178C0;
	s13 =	simm.s32 $0x0;
	[tilespmem:v16+s21+$0x0] =	vst.idx.add.f32.msk $0xffff, v63;
	v6 =	vmul.f32 v6, v4;
	v4 =	vmul.f32 v20, v4  }
.LBB2_9:
0x1d5: {  	v19 =	vld [tilespmem:s14+$0x30]  }
0x1d6: {  	v5 =	vld [tilespmem:s14+$0xFFFFFFD0]  }
0x1d7: {  	v12 =	vld [tilespmem:s14+$0xFFFFFFE0]  }
0x1d8: {  	s13 =	sadd.s32 $0x8, s13;
	v13 =	vld [tilespmem:s14+$0xFFFFFFF0]  }
0x1d9: {  	p0 =	slt.u32 s13, $0xF0;
	v15 =	vld [tilespmem:s14+$0x0]  }
0x1da: {  	v16 =	vld [tilespmem:s14+$0x10];
	v28 =	vand.u32 $0xFFFF, v19  }
0x1db: {  	v8 =	vshrl.u32 v5, $0x10;
	v11 =	vand.u32 $0xFFFF, v5;
	v20 =	vld [tilespmem:s14+$0x20]  }
0x1dc: {  	v21 =	vld [tilespmem:s14+$0xFFFFFFC0];
	v7 =	vshrl.u32 v12, $0x10;
	v12 =	vand.u32 $0xFFFF, v12  }
0x1dd: {  	v5 =	vshrl.u32 v13, $0x10;
	v13 =	vand.u32 $0xFFFF, v13;
	[tilespmem:v1+s20+$0x0] =	vst.idx.add.f32.msk $0xffff, v10  }
0x1de: {  	v14 =	vand.u32 $0xFFFF, v15;
	[tilespmem:v1+s21+$0x0] =	vst.idx.add.f32.msk $0xffff, v9;
	v1 =	vshrl.u32 v15, $0x10  }
0x1df: {  	v27 =	vshrl.u32 v16, $0x10;
	v15 =	vand.u32 $0xFFFF, v16;
	v22 =	vld.idx.msk [tilespmem:v28+s9+$0x0], $0xffff  }
0x1e0: {  	s10 =	sadd.s32 $0x80, s10;
	v23 =	vld.idx.msk [tilespmem:v11+s9+$0x0], $0xffff;
	v10 =	vshrl.u32 v20, $0x10;
	v16 =	vand.u32 $0xFFFF, v20  }
0x1e1: {  	v9 =	vshrl.u32 v21, $0x10;
	v24 =	vand.u32 $0xFFFF, v21;
	v29 =	vld [tilespmem:s10+$0x30]  }
0x1e2: {  	v20 =	vld.idx.msk [tilespmem:v12+s9+$0x0], $0xffff  }
0x1e3: {  	v30 =	vshrl.u32 v19, $0x10;
	v21 =	vld.idx.msk [tilespmem:v13+s9+$0x0], $0xffff  }
0x1e4: {  	v19 =	vld.idx.msk [tilespmem:v14+s9+$0x0], $0xffff  }
0x1e5: {  	v26 =	vunpack.i.l.bf16.f32 v22;
	v25 =	vld.idx.msk [tilespmem:v15+s9+$0x0], $0xffff  }
0x1e6: {  	v22 =	vunpack.i.u.bf16.f32 v22;
	v32 =	vunpack.i.u.bf16.f32 v23;
	v31 =	vld.idx.msk [tilespmem:v24+s9+$0x0], $0xffff;
	v26 =	vmul.f32 v26, v29  }
0x1e7: {  	v33 =	vunpack.i.l.bf16.f32 v23;
	v22 =	vmul.f32 v22, v29;
	v34 =	vld.idx.msk [tilespmem:v16+s9+$0x0], $0xffff  }
0x1e8: {  	v35 =	vunpack.i.u.bf16.f32 v20;
	v36 =	vunpack.i.l.bf16.f32 v20;
	[tilespmem:v30+s30+$0x0] =	vst.idx.add.f32.msk $0xffff, v26  }
0x1e9: {  	v37 =	vunpack.i.u.bf16.f32 v21;
	v38 =	vunpack.i.l.bf16.f32 v21;
	[tilespmem:v30+s31+$0x0] =	vst.idx.add.f32.msk $0xffff, v22  }
0x1ea: {  	v39 =	vunpack.i.u.bf16.f32 v19;
	v40 =	vunpack.i.l.bf16.f32 v19;
	v41 =	vld.idx.msk [tilespmem:v28+s25+$0x0], $0xffff  }
0x1eb: {  	v42 =	vunpack.i.u.bf16.f32 v25;
	v43 =	vunpack.i.l.bf16.f32 v25;
	v26 =	vld [tilespmem:s10+$0xFFFFFFC0]  }
0x1ec: {  	v20 =	vunpack.i.u.bf16.f32 v31;
	v21 =	vunpack.i.l.bf16.f32 v31;
	v25 =	vld [tilespmem:s10+$0xFFFFFFD0]  }
0x1ed: {  	v31 =	vunpack.i.u.bf16.f32 v34;
	v34 =	vunpack.i.l.bf16.f32 v34;
	v23 =	vld [tilespmem:s10+$0xFFFFFFE0]  }
0x1ee: {  	v22 =	vld [tilespmem:s10+$0xFFFFFFF0]  }
0x1ef: {  	v19 =	vld [tilespmem:s10+$0x0]  }
0x1f0: {  	v46 =	vunpack.i.l.bf16.f32 v41;
	v44 =	vmul.f32 v21, v26;
	v45 =	vmul.f32 v20, v26;
	v20 =	vld [tilespmem:s10+$0x10]  }
0x1f1: {  	v41 =	vunpack.i.u.bf16.f32 v41;
	v46 =	vmul.f32 v46, v29;
	v33 =	vmul.f32 v33, v25;
	v21 =	vld [tilespmem:s10+$0x20]  }
0x1f2: {  	v41 =	vmul.f32 v41, v29;
	v32 =	vmul.f32 v32, v25;
	[tilespmem:v9+s30+$0x0] =	vst.idx.add.f32.msk $0xffff, v44  }
0x1f3: {  	v36 =	vmul.f32 v36, v23;
	v35 =	vmul.f32 v35, v23;
	[tilespmem:v30+s0+$0x0] =	vst.idx.add.f32.msk $0xffff, v46  }
0x1f4: {  	v38 =	vmul.f32 v38, v22;
	v37 =	vmul.f32 v37, v22;
	[tilespmem:v30+s1+$0x0] =	vst.idx.add.f32.msk $0xffff, v41  }
0x1f5: {  	v40 =	vmul.f32 v40, v19;
	v39 =	vmul.f32 v39, v19;
	v28 =	vld.idx.msk [tilespmem:v28+s26+$0x0], $0xffff  }
0x1f6: {  	v41 =	vmul.f32 v43, v20;
	v42 =	vmul.f32 v42, v20;
	[tilespmem:v9+s31+$0x0] =	vst.idx.add.f32.msk $0xffff, v45  }
0x1f7: {  	v31 =	vmul.f32 v31, v21;
	[tilespmem:v8+s30+$0x0] =	vst.idx.add.f32.msk $0xffff, v33;
	v33 =	vmul.f32 v34, v21  }
0x1f8: {  	[tilespmem:v8+s31+$0x0] =	vst.idx.add.f32.msk $0xffff, v32  }
0x1f9: {  	[tilespmem:v7+s30+$0x0] =	vst.idx.add.f32.msk $0xffff, v36  }
0x1fa: {  	[tilespmem:v7+s31+$0x0] =	vst.idx.add.f32.msk $0xffff, v35  }
0x1fb: {  	v32 =	vunpack.i.l.bf16.f32 v28;
	[tilespmem:v5+s30+$0x0] =	vst.idx.add.f32.msk $0xffff, v38  }
0x1fc: {  	v28 =	vunpack.i.u.bf16.f32 v28;
	v32 =	vmul.f32 v32, v29;
	[tilespmem:v5+s31+$0x0] =	vst.idx.add.f32.msk $0xffff, v37  }
0x1fd: {  	v28 =	vmul.f32 v28, v29;
	[tilespmem:v1+s30+$0x0] =	vst.idx.add.f32.msk $0xffff, v40  }
0x1fe: {  	[tilespmem:v30+s20+$0x0] =	vst.idx.add.f32.msk $0xffff, v32  }
0x1ff: {  	[tilespmem:v30+s21+$0x0] =	vst.idx.add.f32.msk $0xffff, v28  }
0x200: {  	[tilespmem:v1+s31+$0x0] =	vst.idx.add.f32.msk $0xffff, v39  }
0x201: {  	[tilespmem:v27+s30+$0x0] =	vst.idx.add.f32.msk $0xffff, v41  }
0x202: {  	[tilespmem:v27+s31+$0x0] =	vst.idx.add.f32.msk $0xffff, v42  }
0x203: {  	[tilespmem:v10+s30+$0x0] =	vst.idx.add.f32.msk $0xffff, v33  }
0x204: {  	[tilespmem:v10+s31+$0x0] =	vst.idx.add.f32.msk $0xffff, v31  }
0x205: {  	v28 =	vld.idx.msk [tilespmem:v24+s25+$0x0], $0xffff  }
0x206: {  	v29 =	vld.idx.msk [tilespmem:v11+s25+$0x0], $0xffff  }
0x207: {  	v30 =	vld.idx.msk [tilespmem:v12+s25+$0x0], $0xffff  }
0x208: {  	v31 =	vld.idx.msk [tilespmem:v13+s25+$0x0], $0xffff  }
0x209: {  	v32 =	vld.idx.msk [tilespmem:v14+s25+$0x0], $0xffff  }
0x20a: {  	v33 =	vld.idx.msk [tilespmem:v15+s25+$0x0], $0xffff  }
0x20b: {  	v34 =	vunpack.i.u.bf16.f32 v28;
	v28 =	vunpack.i.l.bf16.f32 v28;
	v35 =	vld.idx.msk [tilespmem:v16+s25+$0x0], $0xffff  }
0x20c: {  	v28 =	vmul.f32 v28, v26;
	v36 =	vunpack.i.u.bf16.f32 v29;
	v29 =	vunpack.i.l.bf16.f32 v29;
	[tilespmem:v2+s20+$0x0] =	vst.idx.add.f32.msk $0xffff, v18  }
0x20d: {  	v18 =	vmul.f32 v34, v26;
	v34 =	vunpack.i.u.bf16.f32 v30;
	v30 =	vunpack.i.l.bf16.f32 v30;
	[tilespmem:v2+s21+$0x0] =	vst.idx.add.f32.msk $0xffff, v17;
	v2 =	vmovc v27  }
0x20e: {  	v17 =	vmul.f32 v29, v25;
	v27 =	vunpack.i.u.bf16.f32 v31;
	[tilespmem:v9+s0+$0x0] =	vst.idx.add.f32.msk $0xffff, v28;
	v28 =	vunpack.i.l.bf16.f32 v31  }
0x20f: {  	v29 =	vunpack.i.u.bf16.f32 v32;
	v31 =	vunpack.i.l.bf16.f32 v32;
	[tilespmem:v9+s1+$0x0] =	vst.idx.add.f32.msk $0xffff, v18;
	v18 =	vmul.f32 v36, v25  }
0x210: {  	v32 =	vunpack.i.l.bf16.f32 v33;
	[tilespmem:v8+s0+$0x0] =	vst.idx.add.f32.msk $0xffff, v17;
	v17 =	vmul.f32 v30, v23;
	v30 =	vunpack.i.u.bf16.f32 v33  }
0x211: {  	v33 =	vunpack.i.u.bf16.f32 v35;
	[tilespmem:v8+s1+$0x0] =	vst.idx.add.f32.msk $0xffff, v18;
	v18 =	vmul.f32 v34, v23;
	v34 =	vunpack.i.l.bf16.f32 v35  }
0x212: {  	v27 =	vmul.f32 v27, v22;
	[tilespmem:v7+s0+$0x0] =	vst.idx.add.f32.msk $0xffff, v17;
	v17 =	vmul.f32 v28, v22  }
0x213: {  	v28 =	vmul.f32 v29, v19;
	[tilespmem:v7+s1+$0x0] =	vst.idx.add.f32.msk $0xffff, v18;
	v18 =	vmul.f32 v31, v19  }
0x214: {  	v29 =	vmul.f32 v30, v20;
	[tilespmem:v5+s0+$0x0] =	vst.idx.add.f32.msk $0xffff, v17;
	v17 =	vmul.f32 v32, v20  }
0x215: {  	v30 =	vmul.f32 v33, v21;
	[tilespmem:v5+s1+$0x0] =	vst.idx.add.f32.msk $0xffff, v27;
	v27 =	vmul.f32 v34, v21  }
0x216: {  	[tilespmem:v1+s0+$0x0] =	vst.idx.add.f32.msk $0xffff, v18  }
0x217: {  	[tilespmem:v1+s1+$0x0] =	vst.idx.add.f32.msk $0xffff, v28  }
0x218: {  	[tilespmem:v2+s0+$0x0] =	vst.idx.add.f32.msk $0xffff, v17  }
0x219: {  	[tilespmem:v2+s1+$0x0] =	vst.idx.add.f32.msk $0xffff, v29  }
0x21a: {  	[tilespmem:v10+s0+$0x0] =	vst.idx.add.f32.msk $0xffff, v27  }
0x21b: {  	[tilespmem:v10+s1+$0x0] =	vst.idx.add.f32.msk $0xffff, v30  }
0x21c: {  	v17 =	vld.idx.msk [tilespmem:v24+s26+$0x0], $0xffff  }
0x21d: {  	v11 =	vld.idx.msk [tilespmem:v11+s26+$0x0], $0xffff  }
0x21e: {  	v12 =	vld.idx.msk [tilespmem:v12+s26+$0x0], $0xffff  }
0x21f: {  	v13 =	vld.idx.msk [tilespmem:v13+s26+$0x0], $0xffff  }
0x220: {  	v14 =	vld.idx.msk [tilespmem:v14+s26+$0x0], $0xffff  }
0x221: {  	v15 =	vld.idx.msk [tilespmem:v15+s26+$0x0], $0xffff  }
0x222: {  	v18 =	vunpack.i.u.bf16.f32 v17;
	v17 =	vunpack.i.l.bf16.f32 v17;
	v16 =	vld.idx.msk [tilespmem:v16+s26+$0x0], $0xffff  }
0x223: {  	v17 =	vmul.f32 v17, v26;
	v24 =	vunpack.i.u.bf16.f32 v11;
	v11 =	vunpack.i.l.bf16.f32 v11;
	[tilespmem:v3+s20+$0x0] =	vst.idx.add.f32.msk $0xffff, v6  }
0x224: {  	v6 =	vmul.f32 v18, v26;
	v18 =	vunpack.i.u.bf16.f32 v12;
	v12 =	vunpack.i.l.bf16.f32 v12;
	[tilespmem:v3+s21+$0x0] =	vst.idx.add.f32.msk $0xffff, v4;
	v3 =	vmovc v10  }
0x225: {  	v4 =	vmul.f32 v11, v25;
	v10 =	vunpack.i.u.bf16.f32 v13;
	v11 =	vunpack.i.l.bf16.f32 v13;
	[tilespmem:v9+s20+$0x0] =	vst.idx.add.f32.msk $0xffff, v17  }
0x226: {  	v13 =	vunpack.i.l.bf16.f32 v14;
	[tilespmem:v9+s21+$0x0] =	vst.idx.add.f32.msk $0xffff, v6;
	v6 =	vmul.f32 v24, v25;
	v9 =	vunpack.i.u.bf16.f32 v14  }
0x227: {  	v14 =	vunpack.i.l.bf16.f32 v15;
	[tilespmem:v8+s20+$0x0] =	vst.idx.add.f32.msk $0xffff, v4;
	v4 =	vmul.f32 v12, v23;
	v12 =	vunpack.i.u.bf16.f32 v15  }
.Ltmp3:
0x228: {  	v15 =	vunpack.i.l.bf16.f32 v16;
	[tilespmem:v8+s21+$0x0] =	vst.idx.add.f32.msk $0xffff, v6;
	v6 =	vmul.f32 v18, v23;
	v8 =	vunpack.i.u.bf16.f32 v16;
	(pc) =	sbr.rel @p0 .LBB2_9-.Ltmp3, $4  }
0x229: {  	[tilespmem:v7+s20+$0x0] =	vst.idx.add.f32.msk $0xffff, v4;
	v4 =	vmul.f32 v11, v22;
	v11 =	vmul.f32 v10, v22  }
0x22a: {  	v9 =	vmul.f32 v9, v19;
	v10 =	vmul.f32 v13, v19;
	[tilespmem:v7+s21+$0x0] =	vst.idx.add.f32.msk $0xffff, v6  }
0x22b: {  	v18 =	vmul.f32 v14, v20;
	v17 =	vmul.f32 v12, v20;
	[tilespmem:v5+s20+$0x0] =	vst.idx.add.f32.msk $0xffff, v4  }
0x22c: {  	s14 =	sadd.s32 $0x80, s14;
	v6 =	vmul.f32 v15, v21;
	v4 =	vmul.f32 v8, v21;
	[tilespmem:v5+s21+$0x0] =	vst.idx.add.f32.msk $0xffff, v11  }
0x22d: {  	_ =	sdelay $0x3  }
0x22e: {  	[tilespmem:v1+s20+$0x0] =	vst.idx.add.f32.msk $0xffff, v10  }
0x22f: {  	[tilespmem:v2+s20+$0x0] =	vst.idx.add.f32.msk $0xffff, v18  }
0x230: {  	[tilespmem:v1+s21+$0x0] =	vst.idx.add.f32.msk $0xffff, v9  }
0x231: {  	[tilespmem:v2+s21+$0x0] =	vst.idx.add.f32.msk $0xffff, v17  }
0x232: {  	[tilespmem:v3+s20+$0x0] =	vst.idx.add.f32.msk $0xffff, v6  }
0x233: {  	[tilespmem:v3+s21+$0x0] =	vst.idx.add.f32.msk $0xffff, v4  }
.LBB2_11:
0x234: {  	s10 =	sshra.s32 s9, $0x2  }
0x235: {  	v1 =	vld [tilespmem:s10+$0x18780];
	_ =	sdelay $0x4  }
0x236: {  	v2 =	vand.u32 $0xFFFF, v1;
	_ =	sdelay $0x4  }
0x237: {  	v3 =	vld.idx.msk [tilespmem:v2+s3+$0x0], $0xffff  }
0x238: {  	v4 =	vld [tilespmem:s10+$0x1A780];
	_ =	sdelay $0x1  }
0x239: {  	v1 =	vshrl.u32 v1, $0x10;
	_ =	sdelay $0x1  }
0x23a: {  	v5 =	vunpack.i.l.bf16.f32 v3  }
0x23b: {  	v3 =	vunpack.i.u.bf16.f32 v3;
	v5 =	vmul.f32 v5, v4  }
0x23c: {  	v3 =	vmul.f32 v3, v4  }
0x23d: {  	[tilespmem:v1+s30+$0x0] =	vst.idx.add.f32.msk $0xffff, v5  }
0x23e: {  	[tilespmem:v1+s31+$0x0] =	vst.idx.add.f32.msk $0xffff, v3  }
0x23f: {  	v3 =	vld.idx.msk [tilespmem:v2+s25+$0x0], $0xffff;
	_ =	sdelay $0x4  }
0x240: {  	v63 =	vunpack.i.l.bf16.f32 v3  }
0x241: {  	v3 =	vunpack.i.u.bf16.f32 v3;
	v5 =	vmul.f32 v63, v4  }
0x242: {  	v3 =	vmul.f32 v3, v4  }
0x243: {  	[tilespmem:v1+s0+$0x0] =	vst.idx.add.f32.msk $0xffff, v5  }
0x244: {  	[tilespmem:v1+s1+$0x0] =	vst.idx.add.f32.msk $0xffff, v3  }
0x245: {  	v2 =	vld.idx.msk [tilespmem:v2+s26+$0x0], $0xffff;
	_ =	sdelay $0x3  }
0x246: {  	p0 =	sne.s32 s9, $0x40  }
.Ltmp4:
0x247: {  	v3 =	vunpack.i.l.bf16.f32 v2;
	(pc) =	sbr.rel @p0 .LBB2_11-.Ltmp4, $4  }
0x248: {  	v2 =	vunpack.i.u.bf16.f32 v2;
	v3 =	vmul.f32 v3, v4  }
0x249: {  	v2 =	vmul.f32 v2, v4  }
0x24a: {  	[tilespmem:v1+s20+$0x0] =	vst.idx.add.f32.msk $0xffff, v3  }
0x24b: {  	s9 =	sadd.s32 $0x40, s9;
	[tilespmem:v1+s21+$0x0] =	vst.idx.add.f32.msk $0xffff, v2  }
0x24c: {  	s8 =	sadd.s32 $0x1, s8  }
0x24d: {  	p0 =	sne.s32 s8, $0x5  }
.Ltmp5:
0x24e: {  	_ = 	snop;
	(pc) =	sbr.rel @p0 .LBB2_4-.Ltmp5, $1  }
0x24f: {  	_ =	sdelay $0x3  }
0x250: {  	s8 =	rddreg [dreg:$0x8];
	s10 =	simm.s32 $0x80;
	s13 =	simm.s32 $0x400  }
0x251: {  	[hbm4b:s8+s10] =	stream.strided.scatter [tilespmem:s30], [sflag:$0x3], $0x2800, s13, s10, $0x38;
	[tilespmem:$0x1A800] =	vst v63  }
0x252: {  	_ =	swait.ge [sflag:s24], $0x2800  }
0x253: {  	[sflag:s24] =	ssyncset.done $0x0  }
0x254: {  	s16 =	rddreg [dreg:$0x9];
	[sflag:s24] =	ssyncadd.s32 $0xFFFFD800  }
0x255: {  	[hbm4b:s16+s10] =	stream.strided.scatter [tilespmem:s0], [sflag:$0x3], $0x2800, s13, s10, $0x38;
	[tilespmem:$0x1A800] =	vst v63  }
0x256: {  	_ =	swait.ge [sflag:s24], $0x2800  }
0x257: {  	[sflag:s24] =	ssyncset.done $0x0  }
0x258: {  	s17 =	rddreg [dreg:$0xa];
	[sflag:s24] =	ssyncadd.s32 $0xFFFFD800  }
0x259: {  	[hbm4b:s17+s10] =	stream.strided.scatter [tilespmem:s20], [sflag:$0x3], $0x2800, s13, s10, $0x38;
	[tilespmem:$0x1A800] =	vst v63  }
0x25a: {  	_ =	swait.ge [sflag:s24], $0x2800  }
0x25b: {  	[sflag:s24] =	ssyncset.done $0x0  }
0x25c: {  	s18 =	rddreg [dreg:$0xb];
	[sflag:s24] =	ssyncadd.s32 $0xFFFFD800  }
0x25d: {  	[hbm4b:s18+s10] =	stream.strided.scatter [tilespmem:s31], [sflag:$0x3], $0x2800, s13, s10, $0x38;
	[tilespmem:$0x1A800] =	vst v63  }
0x25e: {  	_ =	swait.ge [sflag:s24], $0x2800  }
0x25f: {  	[sflag:s24] =	ssyncset.done $0x0  }
0x260: {  	s19 =	rddreg [dreg:$0xc];
	[sflag:s24] =	ssyncadd.s32 $0xFFFFD800  }
0x261: {  	[hbm4b:s19+s10] =	stream.strided.scatter [tilespmem:s1], [sflag:$0x3], $0x2800, s13, s10, $0x38;
	[tilespmem:$0x1A800] =	vst v63  }
0x262: {  	_ =	swait.ge [sflag:s24], $0x2800  }
0x263: {  	[sflag:s24] =	ssyncset.done $0x0  }
0x264: {  	s22 =	rddreg [dreg:$0xd];
	[sflag:s24] =	ssyncadd.s32 $0xFFFFD800  }
0x265: {  	[hbm4b:s22+s10] =	stream.strided.scatter [tilespmem:s21], [sflag:$0x3], $0x2800, s13, s10, $0x38;
	[tilespmem:$0x1A800] =	vst v63  }
0x266: {  	_ =	swait.ge [sflag:s24], $0x2800  }
0x267: {  	s7 =	sadd.s32 $0x1, s7;
	s23 =	rddreg [dreg:$0xe]  }
0x268: {  	p0 =	sne.s32 s7, s23  }
.Ltmp6:
0x269: {  	_ = 	snop;
	(pc) =	sbr.rel @p0 .LBB2_1-.Ltmp6, $3  }
0x26a: {  	_ =	sdelay $0x1  }
0x26b: {  	[sflag:s24] =	ssyncset.done $0x0  }
0x26c: {  	[sflag:s24] =	ssyncadd.s32 $0xFFFFD800  }
0x26d: {  	_ =	sfence.sel $0x180000  }
0x26e: {  	[bflag:$0x0] =	sbarrier.arrive $0xFFFF  }
0x26f: {  	_ =	strace $0x9000004A  }
0x270: {  	s0 =	stileid.u32;
	[bflag:$0x2] =	sbarrier.arrive $0xFFFF  }
0x271: {  	p0 =	sne.s32 s0, $0x0;
	s0 =	rddreg [dreg:$0x2]  }
0x272: {  	s0 =	sadd.s32 @!p0 $0x100000, s0  }
0x273: {  	[sflag:s0] =	ssyncadd.tile.s32 @!p0 $0x1;
	_ =	shalt  }
.Lfunc_end2:
_tile_overlayer_lowered:
.L_overlay_start_2:
0x274: {  	(tag) =	ssettag $0x2  }
0x275: {  	s0 =	rddreg [dreg:$0x0];
	s2 =	stileid.u32  }
0x276: {  	s1 =	rddreg [dreg:$0x1];
	p0 =	sne.s32 s2, $0x0  }
0x277: {  	s3 =	rddreg [dreg:$0x2];
	[bflag:$0x3] =	sbarrier.arrive $0xFFFF;
	s2 =	simm.s32 @!p0 $0x1C03  }
0x278: {  	[timem:s3], [sflag:s2] =	dma.local @!p0 [hbm:s0], s1  }
0x279: {  	s0 =	simm.s32 @!p0 $0x3  }
0x27a: {  	_ =	swait.ge @!p0 [sflag:s0], s1  }
0x27b: {  	s1 =	ssub.s32 @!p0 $0x0, s1;
	[sflag:s0] =	ssyncset.done @!p0 $0x0  }
0x27c: {  	[sflag:s0] =	ssyncadd.s32 @!p0 s1  }
0x27d: {  	[bflag:$0x3] =	sbarrier.arrive $0xFFFF  }
0x27e: {  	_ =	shalt  }

// kernel: kernel.7.cloned.1.call-start
scs
__scs_entry_jumppad:
0x0: {  	(pc) =	sbr.rel $0x88, $3  }
0x1: {  	(tag) =	ssettag $0x0;
	lr =	simm.s32 $0x1  }
0x2: {  	[smem:$0x3F93] =	sst lr;
	_ =	strace $0xD0000000  }
0x3: {  	_ = 	snop  }
0x4: {  	_ = 	snop  }
0x5: {  	_ = 	snop  }
0x6: {  	_ = 	snop  }
0x7: {  	_ = 	snop  }
__scs_overlays_trampoline_lowered:
0x8: {  	[smem:$0x3FA2] =	sst s0  }
0x9: {  	[smem:$0x3FA3] =	sst s1  }
0xa: {  	[smem:$0x3FA4] =	sst s2  }
0xb: {  	[smem:$0x3FA5] =	sst s3  }
0xc: {  	[smem:$0x3FA6] =	sst s4  }
0xd: {  	[smem:$0x3FA7] =	sst s5  }
0xe: {  	[smem:$0x3FA8] =	sst s6  }
0xf: {  	[smem:$0x3FA9] =	sst s7  }
0x10: {  	[smem:$0x3FAA] =	sst s8  }
0x11: {  	[smem:$0x3FAB] =	sst s9;
	s0 =	simm.s32 @!p0 $0x0  }
0x12: {  	s1 =	sld [smem:$0x3F91];
	s0 =	simm.s32 @p0 $0x1  }
0x13: {  	[smem:$0x3FAC] =	sst s0;
	s0 =	simm.s32 @!p1 $0x0  }
0x14: {  	s2 =	sld [smem:$0x3F90];
	s0 =	simm.s32 @p1 $0x1  }
0x15: {  	[smem:$0x3FAD] =	sst s0;
	s0 =	simm.s32 @!p2 $0x0  }
0x16: {  	s3 =	sld [smem:$0x3FDB];
	s0 =	simm.s32 @p2 $0x1  }
0x17: {  	s4 =	simm.s32 $0x1BF5;
	[smem:$0x3FAF] =	sst s0  }
0x18: {  	s0 =	sld [smem:$0x3F92];
	_ =	swait.ge [sflag:s4], $0x0  }
0x19: {  	s7 =	sld [smem:$0x3F93]  }
0x1a: {  	s8 =	sadd.s32 $0xFFFFE003, lr  }
0x1b: {  	s9 =	sadd.s32 $0xFFFFFEF7, lr;
	s5 =	simm.s32 $0xFFFFFFFF;
	p2 =	slt.u32 s8, $0xFFFFF086  }
0x1c: {  	p1 =	slt.u32 s9, $0xF7A;
	s5 =	simm.s32 @!p2 $0x0  }
0x1d: {  	s5 =	simm.s32 @p1 $0x1;
	p0 =	seq.s32 s7, s2  }
0x1e: {  	s7 =	smul.u32 @!p0 $0xF7A, s2;
	p2 =	seq.s32 @!p0 s5, $0x0  }
0x1f: {  	s9 =	smul.u32 $0xF7A, s1;
	s8 =	simm.s32 @!p0 $0x1BF5;
	p2 =	por !p2, p0  }
0x20: {  	[sflag:s8] =	ssyncset.s32 @!p0 $0xFFFFF086;
	s6 =	sadd.s32 @!p0 s3, s7;
	s7 =	simm.s32 @!p0 $0x108  }
0x21: {  	s3 =	sadd.s32 s3, s9;
	s6 =	sadd.s32 @!p0 $0x88, s6;
	s7 =	simm.s32 @p2 $0x1082  }
0x22: {  	[simem:s7], [sflag:s8] =	dma.local @!p0 [hbm:s6], $0xF7A  }
0x23: {  	s9 =	sor.u32 $0xD0000000, s2;
	s6 =	simm.s32 $0x108;
	_ =	swait.ge @!p0 [sflag:s8], $0x0  }
0x24: {  	s3 =	sadd.s32 $0x88, s3;
	s6 =	simm.s32 @!p1 $0x1082;
	[sflag:s4] =	ssyncset.s32 $0xFFFFF086  }
0x25: {  	[simem:s6], [sflag:s4] =	dma.local [hbm:s3], $0xF7A  }
0x26: {  	[smem:$0x3F93] =	sst s1;
	(tag) =	ssettag s2;
	_ =	strace s9  }
0x27: {  	s1 =	sld [smem:$0x3FA3]  }
0x28: {  	s2 =	sld [smem:$0x3FA4]  }
0x29: {  	s4 =	sld [smem:$0x3FA6]  }
0x2a: {  	p0 =	seq.s32 s5, $0x0;
	s5 =	sld [smem:$0x3FA7]  }
0x2b: {  	s6 =	sld [smem:$0x3FA8]  }
0x2c: {  	s7 =	sld [smem:$0x3FA9]  }
0x2d: {  	s3 =	simm.s32 $0x108;
	s8 =	sld [smem:$0x3FAA]  }
0x2e: {  	s3 =	simm.s32 @!p0 $0x1082;
	s9 =	sld [smem:$0x3FAB]  }
0x2f: {  	lr =	sadd.s32 s0, s3;
	s0 =	sld [smem:$0x3FA2]  }
0x30: {  	s3 =	sld [smem:$0x3FA5]  }
0x31: {  	[smem:$0x3FAE] =	sst s10  }
0x32: {  	s10 =	sld [smem:$0x3FAC];
	_ =	sdelay $0x3  }
0x33: {  	p0 =	seq.s32 s10, $0x1;
	s10 =	sld [smem:$0x3FAE];
	_ =	sdelay $0x3  }
0x34: {  	[smem:$0x3FAE] =	sst s10  }
0x35: {  	s10 =	sld [smem:$0x3FAD];
	_ =	sdelay $0x3  }
0x36: {  	p1 =	seq.s32 s10, $0x1;
	s10 =	sld [smem:$0x3FAE];
	_ =	sdelay $0x3  }
0x37: {  	[smem:$0x3FAE] =	sst s10  }
0x38: {  	s10 =	sld [smem:$0x3FAF]  }
0x39: {  	_ = 	snop;
	(pc) =	sbr.ind lr, $3  }
0x3a: {  	_ = 	snop  }
0x3b: {  	_ = 	snop  }
0x3c: {  	p2 =	seq.s32 s10, $0x1;
	s10 =	sld [smem:$0x3FAE]  }
0x3d: {  	_ =	shalt  }
0x3e: {  	_ =	shalt  }
0x3f: {  	_ =	shalt  }
0x40: {  	_ =	shalt  }
0x41: {  	_ =	shalt  }
0x42: {  	_ =	shalt  }
0x43: {  	_ =	shalt  }
0x44: {  	_ =	shalt  }
0x45: {  	_ =	shalt  }
0x46: {  	_ =	shalt  }
0x47: {  	_ =	shalt  }
0x48: {  	_ =	shalt  }
0x49: {  	_ =	shalt  }
0x4a: {  	_ =	shalt  }
0x4b: {  	_ =	shalt  }
0x4c: {  	_ =	shalt  }
0x4d: {  	_ =	shalt  }
0x4e: {  	_ =	shalt  }
0x4f: {  	_ =	shalt  }
0x50: {  	_ =	shalt  }
0x51: {  	_ =	shalt  }
0x52: {  	_ =	shalt  }
0x53: {  	_ =	shalt  }
0x54: {  	_ =	shalt  }
0x55: {  	_ =	shalt  }
0x56: {  	_ =	shalt  }
0x57: {  	_ =	shalt  }
0x58: {  	_ =	shalt  }
0x59: {  	_ =	shalt  }
0x5a: {  	_ =	shalt  }
0x5b: {  	_ =	shalt  }
0x5c: {  	_ =	shalt  }
0x5d: {  	_ =	shalt  }
0x5e: {  	_ =	shalt  }
0x5f: {  	_ =	shalt  }
0x60: {  	_ =	shalt  }
0x61: {  	_ =	shalt  }
0x62: {  	_ =	shalt  }
0x63: {  	_ =	shalt  }
0x64: {  	_ =	shalt  }
0x65: {  	_ =	shalt  }
0x66: {  	_ =	shalt  }
0x67: {  	_ =	shalt  }
0x68: {  	_ =	shalt  }
0x69: {  	_ =	shalt  }
0x6a: {  	_ =	shalt  }
0x6b: {  	_ =	shalt  }
0x6c: {  	_ =	shalt  }
0x6d: {  	_ =	shalt  }
0x6e: {  	_ =	shalt  }
0x6f: {  	_ =	shalt  }
0x70: {  	_ =	shalt  }
0x71: {  	_ =	shalt  }
0x72: {  	_ =	shalt  }
0x73: {  	_ =	shalt  }
0x74: {  	_ =	shalt  }
0x75: {  	_ =	shalt  }
0x76: {  	_ =	shalt  }
0x77: {  	_ =	shalt  }
0x78: {  	_ =	shalt  }
0x79: {  	_ =	shalt  }
0x7a: {  	_ =	shalt  }
0x7b: {  	_ =	shalt  }
0x7c: {  	_ =	shalt  }
0x7d: {  	_ =	shalt  }
0x7e: {  	_ =	shalt  }
0x7f: {  	_ =	shalt  }
0x80: {  	_ =	shalt  }
0x81: {  	_ =	shalt  }
0x82: {  	_ =	shalt  }
0x83: {  	_ =	shalt  }
0x84: {  	_ =	shalt  }
0x85: {  	_ =	shalt  }
0x86: {  	_ =	shalt  }
0x87: {  	_ =	shalt  }
.Lfunc_end0:
.L_simem_size_0:
called_computation_lowered:
.L_overlay_start_0:
0x88: {  	s2 =	sld [smem:$0x3FD9]  }
0x89: {  	s3 =	sld [smem:$0x3FFE];
	_ =	sdelay $0x1  }
0x8a: {  	s1 =	srdreg.scid  }
0x8b: {  	s0 =	sand.u32 $0x1, s1  }
0x8c: {  	s17 =	sshll.u32 s0, $0xA;
	s2 =	sadd.s32 s3, s2  }
0x8d: {  	s2 =	sadd.s32 s2, s17  }
0x8e: {  	[smem:$0x3FBA] =	sst s2  }
0x8f: {  	_ = 	snop  }
0x90: {  	s2 =	sld [smem:$0x3FC7];
	(tm) =	ssettm $0x1  }
0x91: {  	s18 =	sld [smem:$0x3FFB];
	_ =	sdelay $0x3  }
0x92: {  	_ =	strace s18  }
0x93: {  	s3 =	sld [smem:$0x3FFC];
	_ =	sdelay $0x3  }
0x94: {  	_ =	strace s3  }
0x95: {  	s3 =	sld [smem:$0x3FFD];
	_ =	sdelay $0x3  }
0x96: {  	_ =	strace s3  }
0x97: {  	_ =	strace $0x8FFFFFFF  }
0x98: {  	s19 =	sld [smem:$0x3FDB];
	_ =	sdelay $0x1  }
0x99: {  	s4 =	simm.s32 $_scs_section_size  }
0x9a: {  	s5 =	simm.s32 $_size__tile_overlayer_lowered;
	s6 =	simm.s32 $_tile_overlayer_lowered  }
0x9b: {  	s22 =	simm.s32 $0x1BFF;
	s21 =	sshll.u32 s6, $0x1;
	s3 =	sadd.s32 s4, s19  }
0x9c: {  	s7 =	simm.s32 $0x0;
	s20 =	sshll.u32 s5, $0x1;
	s5 =	sadd.s32 s21, s3  }
0x9d: {  	[timem:s7], [sflag:s22] =	dma.local [hbm:s5], s20  }
0x9e: {  	_ =	swait.ge [sflag:s22], s20  }
0x9f: {  	s4 =	ssub.s32 $0x0, s20;
	[sflag:s22] =	ssyncset.done $0x0  }
0xa0: {  	[sflag:s22] =	ssyncadd.s32 s4;
	_ =	sdelay $0x1  }
0xa1: {  	s23 =	simm.s32 $0x1B8B  }
0xa2: {  	_ =	swait.ge [sflag:s23], $0x1  }
0xa3: {  	[sflag:s23] =	ssyncset.done $0x0  }
0xa4: {  	s25 =	simm.s32 $0x1B8E;
	s24 =	sld [smem:$0x3FFE];
	[sflag:s23] =	ssyncadd.s32 $0xFFFFFFFF  }
0xa5: {  	s26 =	simm.s32 $execute0_lowered;
	[smem:$0x3FD2] =	sst s25  }
0xa6: {  	s5 =	sshll.u32 s26, $0x1;
	_ =	strace $0x80000046;
	[dreg:$0x1] =	wrdreg $0xFFFFFFFF  }
0xa7: {  	s28 =	simm.s32 $_size_execute0_lowered;
	s3 =	sadd.s32 s3, s5;
	[dreg:$0x0] =	wrdreg $0x0  }
0xa8: {  	s5 =	sshll.u32 s28, $0x1;
	[dreg:$0x2] =	wrdreg s3  }
0xa9: {  	[dreg:$0x3] =	wrdreg s5  }
0xaa: {  	[dreg:$0x4] =	wrdreg $0xC0  }
0xab: {  	_ =	task [dreg:s7], $0x5FFFF  }
0xac: {  	[dreg:$0x1] =	wrdreg $0xFFFFFFFF  }
0xad: {  	[dreg:$0x0] =	wrdreg $0x60  }
0xae: {  	[dreg:$0x2] =	wrdreg s24  }
0xaf: {  	[dreg:$0x3] =	wrdreg s2  }
0xb0: {  	[dreg:$0x4] =	wrdreg $0x9  }
0xb1: {  	_ =	task.clear_ibuf [dreg:s7], $0x5FFFF;
	_ =	strace $0x90000046  }
0xb2: {  	s29 =	simm.s32 $0x9;
	_ =	strace $0x80000048  }
0xb3: {  	_ =	swait.ge [sflag:s29], $0x1  }
0xb4: {  	[sflag:s29] =	ssyncadd.s32 $0xFFFFFFFF  }
0xb5: {  	_ =	strace $0x90000048  }
0xb6: {  	_ =	sfence  }
0xb7: {  	s30 =	sld [smem:$0x0];
	_ =	sdelay $0x2  }
0xb8: {  	s31 =	sshll.u32 s1, $0xD;
	s1 =	sshrl.u32 s1, $0x2  }
0xb9: {  	s3 =	sand.u32 $0x4000, s31;
	s1 =	sadd.s32 s1, s30  }
0xba: {  	s0 =	sor.u32 s3, s0;
	s1 =	sshll.u32 s1, $0x11  }
0xbb: {  	s0 =	sor.u32 s1, s0  }
0xbc: {  	s0 =	sadd.s32 $0x8F2B, s0  }
0xbd: {  	[sflag:s0] =	ssyncadd.remote.s32 $0x1  }
0xbe: {  	_ =	sfence.sel $0xFFFF  }
0xbf: {  	[dreg:$0x0] =	wrdreg $0xFFFFFFFF;
	(pc) =	sbr.abs _section_cstart, $3  }
0xc0: {  	[dreg:$0x1] =	wrdreg $0xFFFFFFFF  }
0xc1: {  	_ =	task.clear_ibuf [dreg:s7], $0x2FFFF;
	_ =	strace $0x9FFFFFFF  }
0xc2: {  	(tm) =	ssettm $0x7FFFFFFF  }
0xc3: {  	_ =	shalt  }
tec
execute0_lowered:
.L_overlay_start_1:
0x0: {  	(tag) =	ssettag $0x1  }
0x1: {  	s4 =	rddreg [dreg:$0x0]  }
0x2: {  	s0 =	srdreg.scid;
	s5 =	rddreg [dreg:$0x1]  }
0x3: {  	s2 =	simm.s32 $0x0;
	s10 =	simm.s32 $0x80;
	s3 =	sand.u32 $0x1, s0  }
0x4: {  	s11 =	simm.s32 $0x400;
	s0 =	stileid.u32;
	s1 =	sshll.u32 s3, $0x4  }
0x5: {  	s12 =	simm.s32 $0x0;
	[smem:$0x7FF] =	sst s2;
	s6 =	sor.u32 s0, s1  }
0x6: {  	s8 =	sshll.u32 s0, $0x7;
	s7 =	sshrl.u32 s6, $0x3;
	s6 =	smul.u32 $0x4E2, s6  }
0x7: {  	s3 =	ssub.s32 $0x2, s3;
	s1 =	rddreg [dreg:$0x2];
	s7 =	smul.u32 $0x14000, s7  }
0x8: {  	s8 =	sand.u32 $0x380, s8;
	_ =	strace $0x80000047;
	s9 =	sshrl.u32 s3, $0x1  }
0x9: {  	s9 =	ssub.s32 s3, s9;
	s31 =	sadd.s32 s6, s4;
	s7 =	sor.u32 s8, s7  }
0xa: {  	s3 =	sadd.s32 $0x2200, s31;
	s8 =	simm.s32 $0x1;
	s7 =	sshrl.u32 s7, $0x3  }
0xb: {  	s7 =	sadd.s32 s7, s4;
	s4 =	sadd.s32 s5, s6;
	s6 =	smax.u32 s9, $0x1  }
0xc: {  	v0 =	vimm.f32 $0.0e+00;
	s9 =	simm.s32 $0x4F80;
	s5 =	sadd.s32 $0xC000, s7;
	s7 =	simm.s32 $0x2800  }
.LBB2_1:
0xd: {  	s13 =	simm.s32 $0x40  }
0xe: {  	[tilespmem:s13+$0xFFFFFFC0] =	vst v0  }
0xf: {  	[tilespmem:s13+$0x30] =	vst v0  }
0x10: {  	[tilespmem:s13+$0x20] =	vst v0  }
0x11: {  	[tilespmem:s13+$0x10] =	vst v0  }
0x12: {  	[tilespmem:s13+$0x0] =	vst v0  }
0x13: {  	[tilespmem:s13+$0xFFFFFFF0] =	vst v0  }
0x14: {  	s14 =	simm.s32 $0x0;
	[tilespmem:s13+$0xFFFFFFE0] =	vst v0  }
.LBB2_2:
0x15: {  	s14 =	sadd.s32 $0x8, s14;
	[tilespmem:s13+$0xFFFFFFD0] =	vst v0;
	s13 =	sadd.s32 $0x80, s13  }
0x16: {  	[tilespmem:s13+$0xFFFFFFC0] =	vst v0;
	p0 =	slt.u32 s14, $0x278  }
0x17: {  	[tilespmem:s13+$0x30] =	vst v0  }
.Ltmp0:
0x18: {  	[tilespmem:s13+$0x20] =	vst v0;
	(pc) =	sbr.rel @p0 .LBB2_2-.Ltmp0, $4  }
0x19: {  	[tilespmem:s13+$0x10] =	vst v0  }
0x1a: {  	[tilespmem:s13+$0x0] =	vst v0  }
0x1b: {  	[tilespmem:s13+$0xFFFFFFF0] =	vst v0  }
0x1c: {  	[tilespmem:s13+$0xFFFFFFE0] =	vst v0  }
0x1d: {  	[tilespmem:s13+$0xFFFFFFD0] =	vst v0  }
0x1e: {  	[tilespmem:s7], [sflag:$0x1] =	stream.linear.gather [hbm4b:s3+s2], $0x2710, $0x38;
	[tilespmem:$0x7700] =	vst v63  }
0x1f: {  	_ =	swait.ge [sflag:s8], $0x2710  }
0x20: {  	[sflag:s8] =	ssyncset.done $0x0  }
0x21: {  	[sflag:s8] =	ssyncadd.s32 $0xFFFFD8F0  }
0x22: {  	[tilespmem:s9], [sflag:$0x1] =	stream.linear.gather [hbm4b:s4+s2], $0x2710, $0x38;
	[tilespmem:$0x7700] =	vst v63  }
0x23: {  	_ =	swait.ge [sflag:s8], $0x2710  }
0x24: {  	[sflag:s8] =	ssyncset.done $0x0  }
0x25: {  	s14 =	simm.s32 $0x2840;
	[sflag:s8] =	ssyncadd.s32 $0xFFFFD8F0  }
0x26: {  	v1 =	vld [tilespmem:s14+$0x30]  }
0x27: {  	v2 =	vld [tilespmem:s14+$0xFFFFFFD0]  }
0x28: {  	v3 =	vld [tilespmem:s14+$0xFFFFFFE0]  }
0x29: {  	v4 =	vld [tilespmem:s14+$0xFFFFFFF0]  }
0x2a: {  	s13 =	simm.s32 $0x4FC0;
	v5 =	vld [tilespmem:s14+$0x0]  }
0x2b: {  	v6 =	vld [tilespmem:s13+$0x30]  }
0x2c: {  	v7 =	vld [tilespmem:s14+$0x10]  }
0x2d: {  	v9 =	vld [tilespmem:s14+$0xFFFFFFC0];
	v1 =	vshrl.u32 v1, $0x10  }
0x2e: {  	v8 =	vld [tilespmem:s14+$0x20]  }
0x2f: {  	v10 =	vld [tilespmem:s13+$0xFFFFFFC0]  }
0x30: {  	v63 =	vld [tilespmem:s13+$0xFFFFFFE0]  }
0x31: {  	v11 =	vld [tilespmem:s13+$0xFFFFFFF0]  }
0x32: {  	v9 =	vshrl.u32 v9, $0x10;
	[tilespmem:v1+s2+$0x0] =	vst.idx.add.f32.msk $0xffff, v6  }
0x33: {  	v2 =	vshrl.u32 v2, $0x10;
	v1 =	vld [tilespmem:s13+$0xFFFFFFD0]  }
0x34: {  	v12 =	vld [tilespmem:s13+$0x0];
	v3 =	vshrl.u32 v3, $0x10  }
0x35: {  	v13 =	vld [tilespmem:s13+$0x10];
	v4 =	vshrl.u32 v4, $0x10  }
0x36: {  	v14 =	vld [tilespmem:s13+$0x20];
	v5 =	vshrl.u32 v5, $0x10  }
0x37: {  	v7 =	vshrl.u32 v7, $0x10;
	[tilespmem:v9+s2+$0x0] =	vst.idx.add.f32.msk $0xffff, v10  }
0x38: {  	[tilespmem:v2+s2+$0x0] =	vst.idx.add.f32.msk $0xffff, v1;
	v1 =	vshrl.u32 v8, $0x10  }
0x39: {  	[tilespmem:v3+s2+$0x0] =	vst.idx.add.f32.msk $0xffff, v63  }
0x3a: {  	[tilespmem:v4+s2+$0x0] =	vst.idx.add.f32.msk $0xffff, v11  }
0x3b: {  	[tilespmem:v5+s2+$0x0] =	vst.idx.add.f32.msk $0xffff, v12  }
0x3c: {  	[tilespmem:v7+s2+$0x0] =	vst.idx.add.f32.msk $0xffff, v13  }
0x3d: {  	s15 =	simm.s32 $0x28C0;
	s14 =	simm.s32 $0x0;
	[tilespmem:v1+s2+$0x0] =	vst.idx.add.f32.msk $0xffff, v14  }
.LBB2_4:
0x3e: {  	v1 =	vld [tilespmem:s15+$0x30];
	s14 =	sadd.s32 $0x8, s14  }
0x3f: {  	v2 =	vld [tilespmem:s15+$0xFFFFFFD0];
	p0 =	slt.u32 s14, $0x268  }
0x40: {  	v3 =	vld [tilespmem:s15+$0xFFFFFFE0]  }
0x41: {  	v4 =	vld [tilespmem:s15+$0xFFFFFFF0]  }
0x42: {  	s13 =	sadd.s32 $0x80, s13;
	v5 =	vld [tilespmem:s15+$0x0]  }
0x43: {  	v1 =	vshrl.u32 v1, $0x10;
	v6 =	vld [tilespmem:s13+$0x30]  }
0x44: {  	v2 =	vshrl.u32 v2, $0x10;
	v7 =	vld [tilespmem:s15+$0x10]  }
0x45: {  	v3 =	vshrl.u32 v3, $0x10;
	v8 =	vld [tilespmem:s15+$0x20]  }
0x46: {  	v9 =	vld [tilespmem:s15+$0xFFFFFFC0];
	v4 =	vshrl.u32 v4, $0x10  }
0x47: {  	v10 =	vld [tilespmem:s13+$0xFFFFFFC0];
	v5 =	vshrl.u32 v5, $0x10  }
0x48: {  	[tilespmem:v1+s2+$0x0] =	vst.idx.add.f32.msk $0xffff, v6  }
0x49: {  	v1 =	vld [tilespmem:s13+$0xFFFFFFD0];
	v6 =	vshrl.u32 v7, $0x10  }
0x4a: {  	v7 =	vld [tilespmem:s13+$0xFFFFFFE0];
	v8 =	vshrl.u32 v8, $0x10  }
0x4b: {  	v9 =	vshrl.u32 v9, $0x10;
	v11 =	vld [tilespmem:s13+$0xFFFFFFF0]  }
0x4c: {  	v12 =	vld [tilespmem:s13+$0x0]  }
0x4d: {  	v13 =	vld [tilespmem:s13+$0x10]  }
0x4e: {  	v14 =	vld [tilespmem:s13+$0x20]  }
0x4f: {  	[tilespmem:v2+s2+$0x0] =	vst.idx.add.f32.msk $0xffff, v1  }
0x50: {  	[tilespmem:v9+s2+$0x0] =	vst.idx.add.f32.msk $0xffff, v10  }
.Ltmp1:
0x51: {  	[tilespmem:v3+s2+$0x0] =	vst.idx.add.f32.msk $0xffff, v7;
	(pc) =	sbr.rel @p0 .LBB2_4-.Ltmp1, $4  }
0x52: {  	[tilespmem:v4+s2+$0x0] =	vst.idx.add.f32.msk $0xffff, v11  }
0x53: {  	[tilespmem:v5+s2+$0x0] =	vst.idx.add.f32.msk $0xffff, v12  }
0x54: {  	[tilespmem:v6+s2+$0x0] =	vst.idx.add.f32.msk $0xffff, v13  }
0x55: {  	s15 =	sadd.s32 $0x80, s15;
	[tilespmem:v8+s2+$0x0] =	vst.idx.add.f32.msk $0xffff, v14  }
0x56: {  	v1 =	vld [tilespmem:$0x4F00];
	_ =	sdelay $0x4  }
0x57: {  	v2 =	vld [tilespmem:$0x7680];
	v1 =	vshrl.u32 v1, $0x10;
	_ =	sdelay $0x2  }
0x58: {  	s12 =	sadd.s32 $0x1, s12  }
0x59: {  	p0 =	sne.s32 s12, s6  }
.Ltmp2:
0x5a: {  	[tilespmem:v1+s2+$0x0] =	vst.idx.add.f32.msk $0xffff, v2;
	(pc) =	sbr.rel @p0 .LBB2_1-.Ltmp2, $4  }
0x5b: {  	[hbm4b:s5+s10] =	stream.strided.scatter [tilespmem:s2], [sflag:$0x1], $0x2800, s11, s10, $0x38;
	[tilespmem:$0x7700] =	vst v63  }
0x5c: {  	_ =	swait.ge [sflag:s8], $0x2800  }
0x5d: {  	[sflag:s8] =	ssyncset.done $0x0  }
0x5e: {  	[sflag:s8] =	ssyncadd.s32 $0xFFFFD800  }
0x5f: {  	_ =	sfence.sel $0x180000  }
0x60: {  	[bflag:$0x0] =	sbarrier.arrive $0xFFFF  }
0x61: {  	p0 =	sne.s32 s0, $0x0;
	_ =	strace $0x90000047  }
0x62: {  	s0 =	sadd.s32 @!p0 $0x100000, s1;
	[bflag:$0x2] =	sbarrier.arrive $0xFFFF  }
0x63: {  	[sflag:s0] =	ssyncadd.tile.s32 @!p0 $0x1;
	_ =	shalt  }
.Lfunc_end2:
_tile_overlayer_lowered:
.L_overlay_start_2:
0x64: {  	(tag) =	ssettag $0x2  }
0x65: {  	s0 =	rddreg [dreg:$0x0];
	s2 =	stileid.u32  }
0x66: {  	s1 =	rddreg [dreg:$0x1];
	p0 =	sne.s32 s2, $0x0  }
0x67: {  	s3 =	rddreg [dreg:$0x2];
	[bflag:$0x3] =	sbarrier.arrive $0xFFFF;
	s2 =	simm.s32 @!p0 $0x1C01  }
0x68: {  	[timem:s3], [sflag:s2] =	dma.local @!p0 [hbm:s0], s1  }
0x69: {  	s0 =	simm.s32 @!p0 $0x1  }
0x6a: {  	_ =	swait.ge @!p0 [sflag:s0], s1  }
0x6b: {  	s1 =	ssub.s32 @!p0 $0x0, s1;
	[sflag:s0] =	ssyncset.done @!p0 $0x0  }
0x6c: {  	[sflag:s0] =	ssyncadd.s32 @!p0 s1  }
0x6d: {  	[bflag:$0x3] =	sbarrier.arrive $0xFFFF  }
0x6e: {  	_ =	shalt  }

</sc_bundles>
